<compile_context>
chip_gen: v7x
topology: tpu7x:2x2x1
jax: 0.10.2.dev20260603
libtpu: 0.0.44.dev20260713+nightly
codegen_flags: <defaults>
</compile_context>

<pallas_src>
import jax
import jax.numpy as jnp
from jax import lax
from jax.experimental import pallas as pl
from jax.experimental.pallas import tpu as pltpu
from jax.experimental.pallas import tpu_sc as plsc

_MAGIC = 0.8
_ROWS = 32
_COLS = 32768
_K = _COLS - 16384
_NVEC = _COLS // 16
_NBIN = 1024
_NGRP = _NBIN // 16


def _swizzle(bin_, lane):
    return (bin_ << 4) | (lane ^ (bin_ & 15))


def _scan_level(hist, k_rem, rezero=True):
    lane = lax.iota(jnp.int32, 16)
    zeros16 = jnp.zeros((16,), jnp.int32)
    init = (zeros16, zeros16, zeros16)

    @plsc.parallel_loop(0, _NGRP, unroll=4, carry=init)
    def grp(g, carry):
        c0, nlt, cb = carry
        base = g * 256 + (lane << 4)
        tot = zeros16
        for l in range(16):
            idx = base + (lane ^ l)
            tot = tot + plsc.load_gather(hist, [idx])
            if rezero:
                plsc.store_scatter(hist, [idx], zeros16)
        cum = c0 + plsc.cumsum(tot)
        lt = cum < k_rem
        nlt = nlt + lt.astype(jnp.int32)
        cb = jnp.maximum(cb, jnp.where(lt, cum, 0))
        c0 = jnp.broadcast_to(cum[15], (16,))
        return c0, nlt, cb

    _, nlt, cb_v = grp
    b = jnp.sum(nlt)
    cb = jnp.max(cb_v)
    return b, cb, k_rem - cb


def _sc_body(s_hbm, out_hbm, s_v, hist, sem):
    nc = 2
    wid = lax.axis_index("s") * nc + lax.axis_index("c")
    copy_in = pltpu.async_copy(s_hbm.at[wid], s_v, sem)

    lane = lax.iota(jnp.int32, 16)
    ones = jnp.ones((16,), jnp.int32)
    zeros16 = jnp.zeros((16,), jnp.int32)

    @plsc.parallel_loop(0, _NBIN, unroll=8)
    def z_it(i):
        hist[pl.ds(i * 16, 16)] = zeros16

    copy_in.wait()

    scale = jnp.float32(jnp.float32(1.5) * jnp.float32(_MAGIC))

    @plsc.parallel_loop(0, _NVEC, unroll=8)
    def p0(i):
        z = s_v[pl.ds(i * 16, 16)]
        s = 1.0 / (1.0 + jnp.exp(-(z * scale)))
        s_v[pl.ds(i * 16, 16)] = s
        key = lax.bitcast_convert_type(s, jnp.int32)
        plsc.addupdate_scatter(hist, [_swizzle(key >> 20, lane)], ones)

    b1, cb1, k2 = _scan_level(hist, jnp.int32(_K))

    @plsc.parallel_loop(0, _NVEC, unroll=8)
    def p1(i):
        key = lax.bitcast_convert_type(s_v[pl.ds(i * 16, 16)], jnp.int32)
        m = (key >> 20) == b1
        plsc.addupdate_scatter(hist, [_swizzle((key >> 10) & 1023, lane)],
                               ones, mask=m)

    b2, cb2, k3 = _scan_level(hist, k2)

    pref = (b1 << 10) | b2

    @plsc.parallel_loop(0, _NVEC, unroll=8)
    def p2(i):
        key = lax.bitcast_convert_type(s_v[pl.ds(i * 16, 16)], jnp.int32)
        m = (key >> 10) == pref
        plsc.addupdate_scatter(hist, [_swizzle(key & 1023, lane)], ones,
                               mask=m)

    b3, cb3, m_eq = _scan_level(hist, k3, rezero=False)

    tbits = (pref << 10) | b3

    def p3_block(i, eq_seen):
        vs, keys, cums = [], [], []
        for j in range(8):
            v = s_v[pl.ds((i * 8 + j) * 16, 16)]
            key = lax.bitcast_convert_type(v, jnp.int32)
            vs.append(v)
            keys.append(key)
            cums.append(plsc.cumsum((key == tbits).astype(jnp.int32)))
        run = eq_seen
        for j in range(8):
            r = run + cums[j]
            zmask = (keys[j] < tbits) | ((keys[j] == tbits) & (r <= m_eq))
            s_v[pl.ds((i * 8 + j) * 16, 16)] = jnp.where(zmask, 0.0, vs[j])
            run = run + cums[j][15]
        return run

    half = _NVEC // 8 // 2
    eq_mid = plsc.parallel_loop(0, half, carry=jnp.int32(0))(p3_block)
    copy_lo = pltpu.async_copy(s_v.at[pl.ds(0, _COLS // 2)],
                               out_hbm.at[wid, pl.ds(0, _COLS // 2)], sem)
    plsc.parallel_loop(half, 2 * half, carry=eq_mid)(p3_block)
    copy_lo.wait()
    pltpu.sync_copy(s_v.at[pl.ds(_COLS // 2, _COLS // 2)],
                    out_hbm.at[wid, pl.ds(_COLS // 2, _COLS // 2)])


def _select_sc(s):
    mesh = plsc.VectorSubcoreMesh(core_axis_name="c", subcore_axis_name="s")
    return pl.kernel(
        _sc_body,
        mesh=mesh,
        compiler_params=pltpu.CompilerParams(needs_layout_passes=False),
        out_type=jax.ShapeDtypeStruct((_ROWS, _COLS), jnp.float32),
        scratch_types=[
            pltpu.VMEM((_COLS,), jnp.float32),
            pltpu.VMEM((_NBIN * 16,), jnp.int32),
            pltpu.SemaphoreType.DMA,
        ],
    )(s)


@jax.jit
def kernel(z_loga):
    return _select_sc(z_loga)

# --- scband reference (transcript-rebuilt; emitter-appended) ---
"""Pipeline reference for scband-mask-11587821765165 (READ-ONLY COPY).

The authoritative reference and input builder live on the scoring server;
editing this copy changes nothing except your own understanding.
"""

import jax, jax.numpy as jnp
import numpy as np

# Constants matching the (implicit) module globals and init_kwargs
LIMIT_A = -0.1
LIMIT_B = 1.1
EPSILON = 1e-6
TEMPERATURE = 2.0 / 3.0
MAGICAL_NUMBER = 0.8
MASK_SHAPE = (32, 32768)
MASK_OUTPUT_SHAPE = (32, 32768)
MASK_SIZE = MASK_SHAPE[-1]
TARGET_MASK_SIZE = 16384
NUM_ZEROS = MASK_SIZE - TARGET_MASK_SIZE  # expected_num_zeros per row


def setup_inputs(seed: int = 0) -> dict:
    key = jax.random.key(seed)
    # param_init_fn: normal(mean=5, std=0.01)
    z_loga = 5.0 + 0.01 * jax.random.normal(key, MASK_SHAPE, dtype=jnp.float32)
    return {"z_loga": z_loga}


def _deterministic_z(z2):
    # z2: [R, mask_size] rows processed independently (the torch loop, vectorized)
    soft_mask = jax.nn.sigmoid(z2 / TEMPERATURE * MAGICAL_NUMBER)
    if NUM_ZEROS > 0:
        # torch.topk(soft_mask, k=num_zeros, largest=False) -> indices of smallest
        _, idx = jax.lax.top_k(-soft_mask, NUM_ZEROS)
        rows = jnp.arange(z2.shape[0])[:, None]
        soft_mask = soft_mask.at[rows, idx].set(0.0)
    return soft_mask


def reference(z_loga) -> jnp.ndarray:
    # eval-mode deterministic_z path (forward with self.training=False,
    # eval_target_model=True so expected_num_zeros = mask_size - target_mask_size)
    z2 = z_loga.reshape(-1, z_loga.shape[-1])
    z = _deterministic_z(z2)
    return z.reshape(MASK_OUTPUT_SHAPE)

if __name__ == "__main__":
    import jax
    _d = setup_inputs()
    print(jax.jit(kernel)(*tuple(_d.values())))

</pallas_src>

<mosaic_0001>
#map = affine_map<(d0, d1) -> (0, 0)>
module attributes {stable_mosaic.version = 14 : i64} {
  func.func @_sc_body(%arg0: i32, %arg1: i32, %arg2: memref<32x32768xf32, #tpu.memory_space<hbm>>, %arg3: memref<32x32768xf32, #tpu.memory_space<hbm>>, %arg4: memref<32768xf32, #tpu.memory_space<vmem>>, %arg5: memref<16384xi32, #tpu.memory_space<vmem>>, %arg6: memref<!tpu.dma_semaphore, #tpu.memory_space<semaphore_mem>>) attributes {dimension_semantics = [#tpu.dimension_semantics<core_parallel>, #tpu.dimension_semantics<subcore_parallel>], iteration_bounds = array<i64: 2, 16>, scalar_prefetch = 0 : i64, scratch_operands = 3 : i64, tpu.core_type = #tpu.core_type<sc_vector_subcore>, window_params = [{transform_indices = #map}, {transform_indices = #map}]} {
    %mul3A = arith.constant 2 : i32
    %mul3A_0 = arith.muli %arg1, %mul3A : i32
    %add3A = arith.addi %mul3A_0, %arg0 : i32
    %dma_start3A = arith.constant 0 : i32
    %dma_start3A_1 = tpu.memref_slice %arg2[%add3A, %dma_start3A] : memref<32x32768xf32, #tpu.memory_space<hbm>> -> memref<1x32768xf32, #tpu.memory_space<hbm>>
    %dma_start3A_2 = tpu.memref_squeeze %dma_start3A_1 : memref<1x32768xf32, #tpu.memory_space<hbm>> -> memref<32768xf32, #tpu.memory_space<hbm>>
    %dma_start3A_3 = arith.constant 0 : i32
    %dma_start3A_4 = tpu.memref_slice %arg2[%add3A, %dma_start3A_3] : memref<32x32768xf32, #tpu.memory_space<hbm>> -> memref<1x32768xf32, #tpu.memory_space<hbm>>
    %dma_start3A_5 = tpu.memref_squeeze %dma_start3A_4 : memref<1x32768xf32, #tpu.memory_space<hbm>> -> memref<32768xf32, #tpu.memory_space<hbm>>
    tpu.enqueue_dma source(%dma_start3A_5 : memref<32768xf32, #tpu.memory_space<hbm>>) target(%arg4 : memref<32768xf32, #tpu.memory_space<vmem>>) target_semaphore(%arg6 : memref<!tpu.dma_semaphore, #tpu.memory_space<semaphore_mem>>)
    %iota3A = tpu.iota {dimensions = array<i32: 0>} : vector<16xi32>
    %broadcast_in_dim3A = arith.constant 1 : i32
    %broadcast_in_dim3A_6 = vector.broadcast %broadcast_in_dim3A : i32 to vector<16xi32>
    %broadcast_in_dim3A_7 = arith.constant 0 : i32
    %broadcast_in_dim3A_8 = vector.broadcast %broadcast_in_dim3A_7 : i32 to vector<16xi32>
    %parallel_loop3A = arith.constant 0 : i32
    %parallel_loop3A_9 = arith.constant 1024 : i32
    %parallel_loop3A_10 = arith.constant 1 : i32
    scf.for %parallel_loop3A_120 = %parallel_loop3A to %parallel_loop3A_9 step %parallel_loop3A_10  : i32 {
      %parallel_loop3A_121 = arith.constant 16 : i32
      %parallel_loop3A_122 = arith.muli %parallel_loop3A_120, %parallel_loop3A_121 : i32
      %parallel_loop3A_123 = arith.index_cast %parallel_loop3A_122 : i32 to index
      %parallel_loop3A_124 = tpu.vector_load %arg5[%parallel_loop3A_123] {strides = array<i32>} : memref<16384xi32, #tpu.memory_space<vmem>>, vector<16xi32>,
      tpu.vector_store %arg5[%parallel_loop3A_123], %broadcast_in_dim3A_8 {strides = array<i32>} : memref<16384xi32, #tpu.memory_space<vmem>>, vector<16xi32>,
    } {sc.loop_unroll_factor = 8 : i64, sc.parallel_access}
    %dma_wait3A = arith.constant 0 : i32
    %dma_wait3A_11 = tpu.memref_slice %arg2[%add3A, %dma_wait3A] : memref<32x32768xf32, #tpu.memory_space<hbm>> -> memref<1x32768xf32, #tpu.memory_space<hbm>>
    %dma_wait3A_12 = tpu.memref_squeeze %dma_wait3A_11 : memref<1x32768xf32, #tpu.memory_space<hbm>> -> memref<32768xf32, #tpu.memory_space<hbm>>
    %dma_wait3A_13 = arith.constant 0 : i32
    %dma_wait3A_14 = tpu.memref_slice %arg2[%add3A, %dma_wait3A_13] : memref<32x32768xf32, #tpu.memory_space<hbm>> -> memref<1x32768xf32, #tpu.memory_space<hbm>>
    %dma_wait3A_15 = tpu.memref_squeeze %dma_wait3A_14 : memref<1x32768xf32, #tpu.memory_space<hbm>> -> memref<32768xf32, #tpu.memory_space<hbm>>
    tpu.wait_dma2 semaphore(%arg6 : memref<!tpu.dma_semaphore, #tpu.memory_space<semaphore_mem>>) src(%dma_wait3A_15 : memref<32768xf32, #tpu.memory_space<hbm>>) dst(%arg4 : memref<32768xf32, #tpu.memory_space<vmem>>)
    %mul3A_16 = arith.constant 1.500000e+00 : f32
    %mul3A_17 = arith.constant 8.000000e-01 : f32
    %mul3A_18 = arith.mulf %mul3A_16, %mul3A_17 : f32
    %parallel_loop3A_19 = arith.constant 0 : i32
    %parallel_loop3A_20 = arith.constant 2048 : i32
    %parallel_loop3A_21 = arith.constant 1 : i32
    scf.for %parallel_loop3A_120 = %parallel_loop3A_19 to %parallel_loop3A_20 step %parallel_loop3A_21  : i32 {
      %parallel_loop3A_121 = arith.constant 16 : i32
      %parallel_loop3A_122 = arith.muli %parallel_loop3A_120, %parallel_loop3A_121 : i32
      %parallel_loop3A_123 = arith.index_cast %parallel_loop3A_122 : i32 to index
      %parallel_loop3A_124 = tpu.vector_load %arg4[%parallel_loop3A_123] {strides = array<i32>} : memref<32768xf32, #tpu.memory_space<vmem>>, vector<16xf32>,
      %parallel_loop3A_125 = vector.broadcast %mul3A_18 : f32 to vector<16xf32>
      %parallel_loop3A_126 = arith.mulf %parallel_loop3A_124, %parallel_loop3A_125 : vector<16xf32>
      %parallel_loop3A_127 = arith.constant 0.000000e+00 : f32
      %parallel_loop3A_128 = vector.broadcast %parallel_loop3A_127 : f32 to vector<16xf32>
      %parallel_loop3A_129 = arith.subf %parallel_loop3A_128, %parallel_loop3A_126 : vector<16xf32>
      %parallel_loop3A_130 = math.exp %parallel_loop3A_129 : vector<16xf32>
      %parallel_loop3A_131 = arith.constant 1.000000e+00 : f32
      %parallel_loop3A_132 = vector.broadcast %parallel_loop3A_131 : f32 to vector<16xf32>
      %parallel_loop3A_133 = arith.addf %parallel_loop3A_132, %parallel_loop3A_130 : vector<16xf32>
      %parallel_loop3A_134 = arith.constant 1.000000e+00 : f32
      %parallel_loop3A_135 = vector.broadcast %parallel_loop3A_134 : f32 to vector<16xf32>
      %parallel_loop3A_136 = arith.divf %parallel_loop3A_135, %parallel_loop3A_133 : vector<16xf32>
      %parallel_loop3A_137 = arith.constant 16 : i32
      %parallel_loop3A_138 = arith.muli %parallel_loop3A_120, %parallel_loop3A_137 : i32
      %parallel_loop3A_139 = arith.index_cast %parallel_loop3A_138 : i32 to index
      %parallel_loop3A_140 = tpu.vector_load %arg4[%parallel_loop3A_139] {strides = array<i32>} : memref<32768xf32, #tpu.memory_space<vmem>>, vector<16xf32>,
      tpu.vector_store %arg4[%parallel_loop3A_139], %parallel_loop3A_136 {strides = array<i32>} : memref<32768xf32, #tpu.memory_space<vmem>>, vector<16xf32>,
      %parallel_loop3A_141 = tpu.bitcast %parallel_loop3A_136 : vector<16xf32> -> vector<16xi32>
      %parallel_loop3A_142 = arith.constant 20 : i32
      %parallel_loop3A_143 = vector.broadcast %parallel_loop3A_142 : i32 to vector<16xi32>
      %parallel_loop3A_144 = arith.shrsi %parallel_loop3A_141, %parallel_loop3A_143 : vector<16xi32>
      %parallel_loop3A_145 = arith.constant 4 : i32
      %parallel_loop3A_146 = vector.broadcast %parallel_loop3A_145 : i32 to vector<16xi32>
      %parallel_loop3A_147 = arith.shli %parallel_loop3A_144, %parallel_loop3A_146 : vector<16xi32>
      %parallel_loop3A_148 = arith.constant 15 : i32
      %parallel_loop3A_149 = vector.broadcast %parallel_loop3A_148 : i32 to vector<16xi32>
      %parallel_loop3A_150 = arith.andi %parallel_loop3A_144, %parallel_loop3A_149 : vector<16xi32>
      %parallel_loop3A_151 = arith.xori %iota3A, %parallel_loop3A_150 : vector<16xi32>
      %parallel_loop3A_152 = arith.ori %parallel_loop3A_147, %parallel_loop3A_151 : vector<16xi32>
      tpu.vector_store_idx %arg5[%parallel_loop3A_152], %broadcast_in_dim3A_6 {add = true} : memref<16384xi32, #tpu.memory_space<vmem>>[vector<16xi32>], vector<16xi32>,
    } {sc.loop_unroll_factor = 8 : i64, sc.parallel_access}
    %iota3A_22 = tpu.iota {dimensions = array<i32: 0>} : vector<16xi32>
    %broadcast_in_dim3A_23 = arith.constant 0 : i32
    %broadcast_in_dim3A_24 = vector.broadcast %broadcast_in_dim3A_23 : i32 to vector<16xi32>
    %parallel_loop3A_25 = arith.constant 0 : i32
    %parallel_loop3A_26 = arith.constant 64 : i32
    %parallel_loop3A_27 = arith.constant 1 : i32
    %parallel_loop3A_28 = arith.constant 16384 : i32
    %parallel_loop3A_29:3 = scf.for %parallel_loop3A_120 = %parallel_loop3A_25 to %parallel_loop3A_26 step %parallel_loop3A_27 iter_args(%parallel_loop3A_121 = %broadcast_in_dim3A_24, %parallel_loop3A_122 = %broadcast_in_dim3A_24, %parallel_loop3A_123 = %broadcast_in_dim3A_24) -> (vector<16xi32>, vector<16xi32>, vector<16xi32>)  : i32 {
      %parallel_loop3A_124 = arith.constant 256 : i32
      %parallel_loop3A_125 = arith.muli %parallel_loop3A_120, %parallel_loop3A_124 : i32
      %parallel_loop3A_126 = arith.constant 4 : i32
      %parallel_loop3A_127 = vector.broadcast %parallel_loop3A_126 : i32 to vector<16xi32>
      %parallel_loop3A_128 = arith.shli %iota3A_22, %parallel_loop3A_127 : vector<16xi32>
      %parallel_loop3A_129 = vector.broadcast %parallel_loop3A_125 : i32 to vector<16xi32>
      %parallel_loop3A_130 = arith.addi %parallel_loop3A_129, %parallel_loop3A_128 : vector<16xi32>
      %parallel_loop3A_131 = arith.constant 0 : i32
      %parallel_loop3A_132 = vector.broadcast %parallel_loop3A_131 : i32 to vector<16xi32>
      %parallel_loop3A_133 = arith.xori %iota3A_22, %parallel_loop3A_132 : vector<16xi32>
      %parallel_loop3A_134 = arith.addi %parallel_loop3A_130, %parallel_loop3A_133 : vector<16xi32>
      %parallel_loop3A_135 = tpu.vector_load_idx %arg5[%parallel_loop3A_134] : memref<16384xi32, #tpu.memory_space<vmem>>[vector<16xi32>], vector<16xi32>,
      %parallel_loop3A_136 = arith.addi %broadcast_in_dim3A_24, %parallel_loop3A_135 : vector<16xi32>
      tpu.vector_store_idx %arg5[%parallel_loop3A_134], %broadcast_in_dim3A_24 : memref<16384xi32, #tpu.memory_space<vmem>>[vector<16xi32>], vector<16xi32>,
      %parallel_loop3A_137 = arith.constant 1 : i32
      %parallel_loop3A_138 = vector.broadcast %parallel_loop3A_137 : i32 to vector<16xi32>
      %parallel_loop3A_139 = arith.xori %iota3A_22, %parallel_loop3A_138 : vector<16xi32>
      %parallel_loop3A_140 = arith.addi %parallel_loop3A_130, %parallel_loop3A_139 : vector<16xi32>
      %parallel_loop3A_141 = tpu.vector_load_idx %arg5[%parallel_loop3A_140] : memref<16384xi32, #tpu.memory_space<vmem>>[vector<16xi32>], vector<16xi32>,
      %parallel_loop3A_142 = arith.addi %parallel_loop3A_136, %parallel_loop3A_141 : vector<16xi32>
      tpu.vector_store_idx %arg5[%parallel_loop3A_140], %broadcast_in_dim3A_24 : memref<16384xi32, #tpu.memory_space<vmem>>[vector<16xi32>], vector<16xi32>,
      %parallel_loop3A_143 = arith.constant 2 : i32
      %parallel_loop3A_144 = vector.broadcast %parallel_loop3A_143 : i32 to vector<16xi32>
      %parallel_loop3A_145 = arith.xori %iota3A_22, %parallel_loop3A_144 : vector<16xi32>
      %parallel_loop3A_146 = arith.addi %parallel_loop3A_130, %parallel_loop3A_145 : vector<16xi32>
      %parallel_loop3A_147 = tpu.vector_load_idx %arg5[%parallel_loop3A_146] : memref<16384xi32, #tpu.memory_space<vmem>>[vector<16xi32>], vector<16xi32>,
      %parallel_loop3A_148 = arith.addi %parallel_loop3A_142, %parallel_loop3A_147 : vector<16xi32>
      tpu.vector_store_idx %arg5[%parallel_loop3A_146], %broadcast_in_dim3A_24 : memref<16384xi32, #tpu.memory_space<vmem>>[vector<16xi32>], vector<16xi32>,
      %parallel_loop3A_149 = arith.constant 3 : i32
      %parallel_loop3A_150 = vector.broadcast %parallel_loop3A_149 : i32 to vector<16xi32>
      %parallel_loop3A_151 = arith.xori %iota3A_22, %parallel_loop3A_150 : vector<16xi32>
      %parallel_loop3A_152 = arith.addi %parallel_loop3A_130, %parallel_loop3A_151 : vector<16xi32>
      %parallel_loop3A_153 = tpu.vector_load_idx %arg5[%parallel_loop3A_152] : memref<16384xi32, #tpu.memory_space<vmem>>[vector<16xi32>], vector<16xi32>,
      %parallel_loop3A_154 = arith.addi %parallel_loop3A_148, %parallel_loop3A_153 : vector<16xi32>
      tpu.vector_store_idx %arg5[%parallel_loop3A_152], %broadcast_in_dim3A_24 : memref<16384xi32, #tpu.memory_space<vmem>>[vector<16xi32>], vector<16xi32>,
      %parallel_loop3A_155 = arith.constant 4 : i32
      %parallel_loop3A_156 = vector.broadcast %parallel_loop3A_155 : i32 to vector<16xi32>
      %parallel_loop3A_157 = arith.xori %iota3A_22, %parallel_loop3A_156 : vector<16xi32>
      %parallel_loop3A_158 = arith.addi %parallel_loop3A_130, %parallel_loop3A_157 : vector<16xi32>
      %parallel_loop3A_159 = tpu.vector_load_idx %arg5[%parallel_loop3A_158] : memref<16384xi32, #tpu.memory_space<vmem>>[vector<16xi32>], vector<16xi32>,
      %parallel_loop3A_160 = arith.addi %parallel_loop3A_154, %parallel_loop3A_159 : vector<16xi32>
      tpu.vector_store_idx %arg5[%parallel_loop3A_158], %broadcast_in_dim3A_24 : memref<16384xi32, #tpu.memory_space<vmem>>[vector<16xi32>], vector<16xi32>,
      %parallel_loop3A_161 = arith.constant 5 : i32
      %parallel_loop3A_162 = vector.broadcast %parallel_loop3A_161 : i32 to vector<16xi32>
      %parallel_loop3A_163 = arith.xori %iota3A_22, %parallel_loop3A_162 : vector<16xi32>
      %parallel_loop3A_164 = arith.addi %parallel_loop3A_130, %parallel_loop3A_163 : vector<16xi32>
      %parallel_loop3A_165 = tpu.vector_load_idx %arg5[%parallel_loop3A_164] : memref<16384xi32, #tpu.memory_space<vmem>>[vector<16xi32>], vector<16xi32>,
      %parallel_loop3A_166 = arith.addi %parallel_loop3A_160, %parallel_loop3A_165 : vector<16xi32>
      tpu.vector_store_idx %arg5[%parallel_loop3A_164], %broadcast_in_dim3A_24 : memref<16384xi32, #tpu.memory_space<vmem>>[vector<16xi32>], vector<16xi32>,
      %parallel_loop3A_167 = arith.constant 6 : i32
      %parallel_loop3A_168 = vector.broadcast %parallel_loop3A_167 : i32 to vector<16xi32>
      %parallel_loop3A_169 = arith.xori %iota3A_22, %parallel_loop3A_168 : vector<16xi32>
      %parallel_loop3A_170 = arith.addi %parallel_loop3A_130, %parallel_loop3A_169 : vector<16xi32>
      %parallel_loop3A_171 = tpu.vector_load_idx %arg5[%parallel_loop3A_170] : memref<16384xi32, #tpu.memory_space<vmem>>[vector<16xi32>], vector<16xi32>,
      %parallel_loop3A_172 = arith.addi %parallel_loop3A_166, %parallel_loop3A_171 : vector<16xi32>
      tpu.vector_store_idx %arg5[%parallel_loop3A_170], %broadcast_in_dim3A_24 : memref<16384xi32, #tpu.memory_space<vmem>>[vector<16xi32>], vector<16xi32>,
      %parallel_loop3A_173 = arith.constant 7 : i32
      %parallel_loop3A_174 = vector.broadcast %parallel_loop3A_173 : i32 to vector<16xi32>
      %parallel_loop3A_175 = arith.xori %iota3A_22, %parallel_loop3A_174 : vector<16xi32>
      %parallel_loop3A_176 = arith.addi %parallel_loop3A_130, %parallel_loop3A_175 : vector<16xi32>
      %parallel_loop3A_177 = tpu.vector_load_idx %arg5[%parallel_loop3A_176] : memref<16384xi32, #tpu.memory_space<vmem>>[vector<16xi32>], vector<16xi32>,
      %parallel_loop3A_178 = arith.addi %parallel_loop3A_172, %parallel_loop3A_177 : vector<16xi32>
      tpu.vector_store_idx %arg5[%parallel_loop3A_176], %broadcast_in_dim3A_24 : memref<16384xi32, #tpu.memory_space<vmem>>[vector<16xi32>], vector<16xi32>,
      %parallel_loop3A_179 = arith.constant 8 : i32
      %parallel_loop3A_180 = vector.broadcast %parallel_loop3A_179 : i32 to vector<16xi32>
      %parallel_loop3A_181 = arith.xori %iota3A_22, %parallel_loop3A_180 : vector<16xi32>
      %parallel_loop3A_182 = arith.addi %parallel_loop3A_130, %parallel_loop3A_181 : vector<16xi32>
      %parallel_loop3A_183 = tpu.vector_load_idx %arg5[%parallel_loop3A_182] : memref<16384xi32, #tpu.memory_space<vmem>>[vector<16xi32>], vector<16xi32>,
      %parallel_loop3A_184 = arith.addi %parallel_loop3A_178, %parallel_loop3A_183 : vector<16xi32>
      tpu.vector_store_idx %arg5[%parallel_loop3A_182], %broadcast_in_dim3A_24 : memref<16384xi32, #tpu.memory_space<vmem>>[vector<16xi32>], vector<16xi32>,
      %parallel_loop3A_185 = arith.constant 9 : i32
      %parallel_loop3A_186 = vector.broadcast %parallel_loop3A_185 : i32 to vector<16xi32>
      %parallel_loop3A_187 = arith.xori %iota3A_22, %parallel_loop3A_186 : vector<16xi32>
      %parallel_loop3A_188 = arith.addi %parallel_loop3A_130, %parallel_loop3A_187 : vector<16xi32>
      %parallel_loop3A_189 = tpu.vector_load_idx %arg5[%parallel_loop3A_188] : memref<16384xi32, #tpu.memory_space<vmem>>[vector<16xi32>], vector<16xi32>,
      %parallel_loop3A_190 = arith.addi %parallel_loop3A_184, %parallel_loop3A_189 : vector<16xi32>
      tpu.vector_store_idx %arg5[%parallel_loop3A_188], %broadcast_in_dim3A_24 : memref<16384xi32, #tpu.memory_space<vmem>>[vector<16xi32>], vector<16xi32>,
      %parallel_loop3A_191 = arith.constant 10 : i32
      %parallel_loop3A_192 = vector.broadcast %parallel_loop3A_191 : i32 to vector<16xi32>
      %parallel_loop3A_193 = arith.xori %iota3A_22, %parallel_loop3A_192 : vector<16xi32>
      %parallel_loop3A_194 = arith.addi %parallel_loop3A_130, %parallel_loop3A_193 : vector<16xi32>
      %parallel_loop3A_195 = tpu.vector_load_idx %arg5[%parallel_loop3A_194] : memref<16384xi32, #tpu.memory_space<vmem>>[vector<16xi32>], vector<16xi32>,
      %parallel_loop3A_196 = arith.addi %parallel_loop3A_190, %parallel_loop3A_195 : vector<16xi32>
      tpu.vector_store_idx %arg5[%parallel_loop3A_194], %broadcast_in_dim3A_24 : memref<16384xi32, #tpu.memory_space<vmem>>[vector<16xi32>], vector<16xi32>,
      %parallel_loop3A_197 = arith.constant 11 : i32
      %parallel_loop3A_198 = vector.broadcast %parallel_loop3A_197 : i32 to vector<16xi32>
      %parallel_loop3A_199 = arith.xori %iota3A_22, %parallel_loop3A_198 : vector<16xi32>
      %parallel_loop3A_200 = arith.addi %parallel_loop3A_130, %parallel_loop3A_199 : vector<16xi32>
      %parallel_loop3A_201 = tpu.vector_load_idx %arg5[%parallel_loop3A_200] : memref<16384xi32, #tpu.memory_space<vmem>>[vector<16xi32>], vector<16xi32>,
      %parallel_loop3A_202 = arith.addi %parallel_loop3A_196, %parallel_loop3A_201 : vector<16xi32>
      tpu.vector_store_idx %arg5[%parallel_loop3A_200], %broadcast_in_dim3A_24 : memref<16384xi32, #tpu.memory_space<vmem>>[vector<16xi32>], vector<16xi32>,
      %parallel_loop3A_203 = arith.constant 12 : i32
      %parallel_loop3A_204 = vector.broadcast %parallel_loop3A_203 : i32 to vector<16xi32>
      %parallel_loop3A_205 = arith.xori %iota3A_22, %parallel_loop3A_204 : vector<16xi32>
      %parallel_loop3A_206 = arith.addi %parallel_loop3A_130, %parallel_loop3A_205 : vector<16xi32>
      %parallel_loop3A_207 = tpu.vector_load_idx %arg5[%parallel_loop3A_206] : memref<16384xi32, #tpu.memory_space<vmem>>[vector<16xi32>], vector<16xi32>,
      %parallel_loop3A_208 = arith.addi %parallel_loop3A_202, %parallel_loop3A_207 : vector<16xi32>
      tpu.vector_store_idx %arg5[%parallel_loop3A_206], %broadcast_in_dim3A_24 : memref<16384xi32, #tpu.memory_space<vmem>>[vector<16xi32>], vector<16xi32>,
      %parallel_loop3A_209 = arith.constant 13 : i32
      %parallel_loop3A_210 = vector.broadcast %parallel_loop3A_209 : i32 to vector<16xi32>
      %parallel_loop3A_211 = arith.xori %iota3A_22, %parallel_loop3A_210 : vector<16xi32>
      %parallel_loop3A_212 = arith.addi %parallel_loop3A_130, %parallel_loop3A_211 : vector<16xi32>
      %parallel_loop3A_213 = tpu.vector_load_idx %arg5[%parallel_loop3A_212] : memref<16384xi32, #tpu.memory_space<vmem>>[vector<16xi32>], vector<16xi32>,
      %parallel_loop3A_214 = arith.addi %parallel_loop3A_208, %parallel_loop3A_213 : vector<16xi32>
      tpu.vector_store_idx %arg5[%parallel_loop3A_212], %broadcast_in_dim3A_24 : memref<16384xi32, #tpu.memory_space<vmem>>[vector<16xi32>], vector<16xi32>,
      %parallel_loop3A_215 = arith.constant 14 : i32
      %parallel_loop3A_216 = vector.broadcast %parallel_loop3A_215 : i32 to vector<16xi32>
      %parallel_loop3A_217 = arith.xori %iota3A_22, %parallel_loop3A_216 : vector<16xi32>
      %parallel_loop3A_218 = arith.addi %parallel_loop3A_130, %parallel_loop3A_217 : vector<16xi32>
      %parallel_loop3A_219 = tpu.vector_load_idx %arg5[%parallel_loop3A_218] : memref<16384xi32, #tpu.memory_space<vmem>>[vector<16xi32>], vector<16xi32>,
      %parallel_loop3A_220 = arith.addi %parallel_loop3A_214, %parallel_loop3A_219 : vector<16xi32>
      tpu.vector_store_idx %arg5[%parallel_loop3A_218], %broadcast_in_dim3A_24 : memref<16384xi32, #tpu.memory_space<vmem>>[vector<16xi32>], vector<16xi32>,
      %parallel_loop3A_221 = arith.constant 15 : i32
      %parallel_loop3A_222 = vector.broadcast %parallel_loop3A_221 : i32 to vector<16xi32>
      %parallel_loop3A_223 = arith.xori %iota3A_22, %parallel_loop3A_222 : vector<16xi32>
      %parallel_loop3A_224 = arith.addi %parallel_loop3A_130, %parallel_loop3A_223 : vector<16xi32>
      %parallel_loop3A_225 = tpu.vector_load_idx %arg5[%parallel_loop3A_224] : memref<16384xi32, #tpu.memory_space<vmem>>[vector<16xi32>], vector<16xi32>,
      %parallel_loop3A_226 = arith.addi %parallel_loop3A_220, %parallel_loop3A_225 : vector<16xi32>
      tpu.vector_store_idx %arg5[%parallel_loop3A_224], %broadcast_in_dim3A_24 : memref<16384xi32, #tpu.memory_space<vmem>>[vector<16xi32>], vector<16xi32>,
      %parallel_loop3A_227 = arith.constant true
      %parallel_loop3A_228 = vector.broadcast %parallel_loop3A_227 : i1 to vector<16xi1>
      %parallel_loop3A_229 = tpu.scan <sum>, %parallel_loop3A_226 masked %parallel_loop3A_228 : vector<16xi32>, vector<16xi1> -> vector<16xi32>
      %parallel_loop3A_230 = arith.addi %parallel_loop3A_121, %parallel_loop3A_229 : vector<16xi32>
      %parallel_loop3A_231 = vector.broadcast %parallel_loop3A_28 : i32 to vector<16xi32>
      %parallel_loop3A_232 = arith.cmpi slt, %parallel_loop3A_230, %parallel_loop3A_231 : vector<16xi32>
      %parallel_loop3A_233 = arith.extui %parallel_loop3A_232 : vector<16xi1> to vector<16xi32>
      %parallel_loop3A_234 = arith.addi %parallel_loop3A_122, %parallel_loop3A_233 : vector<16xi32>
      %parallel_loop3A_235 = arith.constant 0 : i32
      %parallel_loop3A_236 = vector.broadcast %parallel_loop3A_235 : i32 to vector<16xi32>
      %parallel_loop3A_237 = arith.select %parallel_loop3A_232, %parallel_loop3A_230, %parallel_loop3A_236 : vector<16xi1>, vector<16xi32>
      %parallel_loop3A_238 = arith.maxsi %parallel_loop3A_123, %parallel_loop3A_237 : vector<16xi32>
      %parallel_loop3A_239 = vector.extract_strided_slice %parallel_loop3A_230 {offsets = [15], sizes = [1], strides = [1]} : vector<16xi32> to vector<1xi32>
      %parallel_loop3A_240 = vector.extract %parallel_loop3A_239[0] : i32 from vector<1xi32>
      %parallel_loop3A_241 = vector.broadcast %parallel_loop3A_240 : i32 to vector<16xi32>
      scf.yield %parallel_loop3A_241, %parallel_loop3A_234, %parallel_loop3A_238 : vector<16xi32>, vector<16xi32>, vector<16xi32>
    } {sc.loop_unroll_factor = 4 : i64, sc.parallel_access}
    %reduce_sum3A = arith.constant true
    %reduce_sum3A_30 = vector.broadcast %reduce_sum3A : i1 to vector<16xi1>
    %reduce_sum3A_31 = tpu.scan <sum>, %parallel_loop3A_29#1 masked %reduce_sum3A_30 : vector<16xi32>, vector<16xi1> -> vector<16xi32>
    %reduce_sum3A_32 = vector.extract %reduce_sum3A_31[15] : i32 from vector<16xi32>
    %reduce_max3A = arith.constant true
    %reduce_max3A_33 = vector.broadcast %reduce_max3A : i1 to vector<16xi1>
    %reduce_max3A_34 = arith.constant -2147483648 : i32
    %reduce_max3A_35 = vector.broadcast %reduce_max3A_34 : i32 to vector<16xi32>
    %reduce_max3A_36 = arith.xori %parallel_loop3A_29#2, %reduce_max3A_35 : vector<16xi32>
    %reduce_max3A_37 = tpu.scan <max>, %reduce_max3A_36 masked %reduce_max3A_33 : vector<16xi32>, vector<16xi1> -> vector<16xi32>
    %reduce_max3A_38 = arith.xori %reduce_max3A_37, %reduce_max3A_35 : vector<16xi32>
    %reduce_max3A_39 = vector.extract %reduce_max3A_38[15] : i32 from vector<16xi32>
    %sub3A = arith.constant 16384 : i32
    %sub3A_40 = arith.subi %sub3A, %reduce_max3A_39 : i32
    %parallel_loop3A_41 = arith.constant 0 : i32
    %parallel_loop3A_42 = arith.constant 2048 : i32
    %parallel_loop3A_43 = arith.constant 1 : i32
    scf.for %parallel_loop3A_120 = %parallel_loop3A_41 to %parallel_loop3A_42 step %parallel_loop3A_43  : i32 {
      %parallel_loop3A_121 = arith.constant 16 : i32
      %parallel_loop3A_122 = arith.muli %parallel_loop3A_120, %parallel_loop3A_121 : i32
      %parallel_loop3A_123 = arith.index_cast %parallel_loop3A_122 : i32 to index
      %parallel_loop3A_124 = tpu.vector_load %arg4[%parallel_loop3A_123] {strides = array<i32>} : memref<32768xf32, #tpu.memory_space<vmem>>, vector<16xf32>,
      %parallel_loop3A_125 = tpu.bitcast %parallel_loop3A_124 : vector<16xf32> -> vector<16xi32>
      %parallel_loop3A_126 = arith.constant 20 : i32
      %parallel_loop3A_127 = vector.broadcast %parallel_loop3A_126 : i32 to vector<16xi32>
      %parallel_loop3A_128 = arith.shrsi %parallel_loop3A_125, %parallel_loop3A_127 : vector<16xi32>
      %parallel_loop3A_129 = vector.broadcast %reduce_sum3A_32 : i32 to vector<16xi32>
      %parallel_loop3A_130 = arith.cmpi eq, %parallel_loop3A_128, %parallel_loop3A_129 : vector<16xi32>
      %parallel_loop3A_131 = arith.constant 10 : i32
      %parallel_loop3A_132 = vector.broadcast %parallel_loop3A_131 : i32 to vector<16xi32>
      %parallel_loop3A_133 = arith.shrsi %parallel_loop3A_125, %parallel_loop3A_132 : vector<16xi32>
      %parallel_loop3A_134 = arith.constant 1023 : i32
      %parallel_loop3A_135 = vector.broadcast %parallel_loop3A_134 : i32 to vector<16xi32>
      %parallel_loop3A_136 = arith.andi %parallel_loop3A_133, %parallel_loop3A_135 : vector<16xi32>
      %parallel_loop3A_137 = arith.constant 4 : i32
      %parallel_loop3A_138 = vector.broadcast %parallel_loop3A_137 : i32 to vector<16xi32>
      %parallel_loop3A_139 = arith.shli %parallel_loop3A_136, %parallel_loop3A_138 : vector<16xi32>
      %parallel_loop3A_140 = arith.constant 15 : i32
      %parallel_loop3A_141 = vector.broadcast %parallel_loop3A_140 : i32 to vector<16xi32>
      %parallel_loop3A_142 = arith.andi %parallel_loop3A_136, %parallel_loop3A_141 : vector<16xi32>
      %parallel_loop3A_143 = arith.xori %iota3A, %parallel_loop3A_142 : vector<16xi32>
      %parallel_loop3A_144 = arith.ori %parallel_loop3A_139, %parallel_loop3A_143 : vector<16xi32>
      tpu.vector_store_idx %arg5[%parallel_loop3A_144], %broadcast_in_dim3A_6 masked %parallel_loop3A_130 {add = true} : memref<16384xi32, #tpu.memory_space<vmem>>[vector<16xi32>], vector<16xi32>, vector<16xi1>
    } {sc.loop_unroll_factor = 8 : i64, sc.parallel_access}
    %iota3A_44 = tpu.iota {dimensions = array<i32: 0>} : vector<16xi32>
    %broadcast_in_dim3A_45 = arith.constant 0 : i32
    %broadcast_in_dim3A_46 = vector.broadcast %broadcast_in_dim3A_45 : i32 to vector<16xi32>
    %parallel_loop3A_47 = arith.constant 0 : i32
    %parallel_loop3A_48 = arith.constant 64 : i32
    %parallel_loop3A_49 = arith.constant 1 : i32
    %parallel_loop3A_50:3 = scf.for %parallel_loop3A_120 = %parallel_loop3A_47 to %parallel_loop3A_48 step %parallel_loop3A_49 iter_args(%parallel_loop3A_121 = %broadcast_in_dim3A_46, %parallel_loop3A_122 = %broadcast_in_dim3A_46, %parallel_loop3A_123 = %broadcast_in_dim3A_46) -> (vector<16xi32>, vector<16xi32>, vector<16xi32>)  : i32 {
      %parallel_loop3A_124 = arith.constant 256 : i32
      %parallel_loop3A_125 = arith.muli %parallel_loop3A_120, %parallel_loop3A_124 : i32
      %parallel_loop3A_126 = arith.constant 4 : i32
      %parallel_loop3A_127 = vector.broadcast %parallel_loop3A_126 : i32 to vector<16xi32>
      %parallel_loop3A_128 = arith.shli %iota3A_44, %parallel_loop3A_127 : vector<16xi32>
      %parallel_loop3A_129 = vector.broadcast %parallel_loop3A_125 : i32 to vector<16xi32>
      %parallel_loop3A_130 = arith.addi %parallel_loop3A_129, %parallel_loop3A_128 : vector<16xi32>
      %parallel_loop3A_131 = arith.constant 0 : i32
      %parallel_loop3A_132 = vector.broadcast %parallel_loop3A_131 : i32 to vector<16xi32>
      %parallel_loop3A_133 = arith.xori %iota3A_44, %parallel_loop3A_132 : vector<16xi32>
      %parallel_loop3A_134 = arith.addi %parallel_loop3A_130, %parallel_loop3A_133 : vector<16xi32>
      %parallel_loop3A_135 = tpu.vector_load_idx %arg5[%parallel_loop3A_134] : memref<16384xi32, #tpu.memory_space<vmem>>[vector<16xi32>], vector<16xi32>,
      %parallel_loop3A_136 = arith.addi %broadcast_in_dim3A_46, %parallel_loop3A_135 : vector<16xi32>
      tpu.vector_store_idx %arg5[%parallel_loop3A_134], %broadcast_in_dim3A_46 : memref<16384xi32, #tpu.memory_space<vmem>>[vector<16xi32>], vector<16xi32>,
      %parallel_loop3A_137 = arith.constant 1 : i32
      %parallel_loop3A_138 = vector.broadcast %parallel_loop3A_137 : i32 to vector<16xi32>
      %parallel_loop3A_139 = arith.xori %iota3A_44, %parallel_loop3A_138 : vector<16xi32>
      %parallel_loop3A_140 = arith.addi %parallel_loop3A_130, %parallel_loop3A_139 : vector<16xi32>
      %parallel_loop3A_141 = tpu.vector_load_idx %arg5[%parallel_loop3A_140] : memref<16384xi32, #tpu.memory_space<vmem>>[vector<16xi32>], vector<16xi32>,
      %parallel_loop3A_142 = arith.addi %parallel_loop3A_136, %parallel_loop3A_141 : vector<16xi32>
      tpu.vector_store_idx %arg5[%parallel_loop3A_140], %broadcast_in_dim3A_46 : memref<16384xi32, #tpu.memory_space<vmem>>[vector<16xi32>], vector<16xi32>,
      %parallel_loop3A_143 = arith.constant 2 : i32
      %parallel_loop3A_144 = vector.broadcast %parallel_loop3A_143 : i32 to vector<16xi32>
      %parallel_loop3A_145 = arith.xori %iota3A_44, %parallel_loop3A_144 : vector<16xi32>
      %parallel_loop3A_146 = arith.addi %parallel_loop3A_130, %parallel_loop3A_145 : vector<16xi32>
      %parallel_loop3A_147 = tpu.vector_load_idx %arg5[%parallel_loop3A_146] : memref<16384xi32, #tpu.memory_space<vmem>>[vector<16xi32>], vector<16xi32>,
      %parallel_loop3A_148 = arith.addi %parallel_loop3A_142, %parallel_loop3A_147 : vector<16xi32>
      tpu.vector_store_idx %arg5[%parallel_loop3A_146], %broadcast_in_dim3A_46 : memref<16384xi32, #tpu.memory_space<vmem>>[vector<16xi32>], vector<16xi32>,
      %parallel_loop3A_149 = arith.constant 3 : i32
      %parallel_loop3A_150 = vector.broadcast %parallel_loop3A_149 : i32 to vector<16xi32>
      %parallel_loop3A_151 = arith.xori %iota3A_44, %parallel_loop3A_150 : vector<16xi32>
      %parallel_loop3A_152 = arith.addi %parallel_loop3A_130, %parallel_loop3A_151 : vector<16xi32>
      %parallel_loop3A_153 = tpu.vector_load_idx %arg5[%parallel_loop3A_152] : memref<16384xi32, #tpu.memory_space<vmem>>[vector<16xi32>], vector<16xi32>,
      %parallel_loop3A_154 = arith.addi %parallel_loop3A_148, %parallel_loop3A_153 : vector<16xi32>
      tpu.vector_store_idx %arg5[%parallel_loop3A_152], %broadcast_in_dim3A_46 : memref<16384xi32, #tpu.memory_space<vmem>>[vector<16xi32>], vector<16xi32>,
      %parallel_loop3A_155 = arith.constant 4 : i32
      %parallel_loop3A_156 = vector.broadcast %parallel_loop3A_155 : i32 to vector<16xi32>
      %parallel_loop3A_157 = arith.xori %iota3A_44, %parallel_loop3A_156 : vector<16xi32>
      %parallel_loop3A_158 = arith.addi %parallel_loop3A_130, %parallel_loop3A_157 : vector<16xi32>
      %parallel_loop3A_159 = tpu.vector_load_idx %arg5[%parallel_loop3A_158] : memref<16384xi32, #tpu.memory_space<vmem>>[vector<16xi32>], vector<16xi32>,
      %parallel_loop3A_160 = arith.addi %parallel_loop3A_154, %parallel_loop3A_159 : vector<16xi32>
      tpu.vector_store_idx %arg5[%parallel_loop3A_158], %broadcast_in_dim3A_46 : memref<16384xi32, #tpu.memory_space<vmem>>[vector<16xi32>], vector<16xi32>,
      %parallel_loop3A_161 = arith.constant 5 : i32
      %parallel_loop3A_162 = vector.broadcast %parallel_loop3A_161 : i32 to vector<16xi32>
      %parallel_loop3A_163 = arith.xori %iota3A_44, %parallel_loop3A_162 : vector<16xi32>
      %parallel_loop3A_164 = arith.addi %parallel_loop3A_130, %parallel_loop3A_163 : vector<16xi32>
      %parallel_loop3A_165 = tpu.vector_load_idx %arg5[%parallel_loop3A_164] : memref<16384xi32, #tpu.memory_space<vmem>>[vector<16xi32>], vector<16xi32>,
      %parallel_loop3A_166 = arith.addi %parallel_loop3A_160, %parallel_loop3A_165 : vector<16xi32>
      tpu.vector_store_idx %arg5[%parallel_loop3A_164], %broadcast_in_dim3A_46 : memref<16384xi32, #tpu.memory_space<vmem>>[vector<16xi32>], vector<16xi32>,
      %parallel_loop3A_167 = arith.constant 6 : i32
      %parallel_loop3A_168 = vector.broadcast %parallel_loop3A_167 : i32 to vector<16xi32>
      %parallel_loop3A_169 = arith.xori %iota3A_44, %parallel_loop3A_168 : vector<16xi32>
      %parallel_loop3A_170 = arith.addi %parallel_loop3A_130, %parallel_loop3A_169 : vector<16xi32>
      %parallel_loop3A_171 = tpu.vector_load_idx %arg5[%parallel_loop3A_170] : memref<16384xi32, #tpu.memory_space<vmem>>[vector<16xi32>], vector<16xi32>,
      %parallel_loop3A_172 = arith.addi %parallel_loop3A_166, %parallel_loop3A_171 : vector<16xi32>
      tpu.vector_store_idx %arg5[%parallel_loop3A_170], %broadcast_in_dim3A_46 : memref<16384xi32, #tpu.memory_space<vmem>>[vector<16xi32>], vector<16xi32>,
      %parallel_loop3A_173 = arith.constant 7 : i32
      %parallel_loop3A_174 = vector.broadcast %parallel_loop3A_173 : i32 to vector<16xi32>
      %parallel_loop3A_175 = arith.xori %iota3A_44, %parallel_loop3A_174 : vector<16xi32>
      %parallel_loop3A_176 = arith.addi %parallel_loop3A_130, %parallel_loop3A_175 : vector<16xi32>
      %parallel_loop3A_177 = tpu.vector_load_idx %arg5[%parallel_loop3A_176] : memref<16384xi32, #tpu.memory_space<vmem>>[vector<16xi32>], vector<16xi32>,
      %parallel_loop3A_178 = arith.addi %parallel_loop3A_172, %parallel_loop3A_177 : vector<16xi32>
      tpu.vector_store_idx %arg5[%parallel_loop3A_176], %broadcast_in_dim3A_46 : memref<16384xi32, #tpu.memory_space<vmem>>[vector<16xi32>], vector<16xi32>,
      %parallel_loop3A_179 = arith.constant 8 : i32
      %parallel_loop3A_180 = vector.broadcast %parallel_loop3A_179 : i32 to vector<16xi32>
      %parallel_loop3A_181 = arith.xori %iota3A_44, %parallel_loop3A_180 : vector<16xi32>
      %parallel_loop3A_182 = arith.addi %parallel_loop3A_130, %parallel_loop3A_181 : vector<16xi32>
      %parallel_loop3A_183 = tpu.vector_load_idx %arg5[%parallel_loop3A_182] : memref<16384xi32, #tpu.memory_space<vmem>>[vector<16xi32>], vector<16xi32>,
      %parallel_loop3A_184 = arith.addi %parallel_loop3A_178, %parallel_loop3A_183 : vector<16xi32>
      tpu.vector_store_idx %arg5[%parallel_loop3A_182], %broadcast_in_dim3A_46 : memref<16384xi32, #tpu.memory_space<vmem>>[vector<16xi32>], vector<16xi32>,
      %parallel_loop3A_185 = arith.constant 9 : i32
      %parallel_loop3A_186 = vector.broadcast %parallel_loop3A_185 : i32 to vector<16xi32>
      %parallel_loop3A_187 = arith.xori %iota3A_44, %parallel_loop3A_186 : vector<16xi32>
      %parallel_loop3A_188 = arith.addi %parallel_loop3A_130, %parallel_loop3A_187 : vector<16xi32>
      %parallel_loop3A_189 = tpu.vector_load_idx %arg5[%parallel_loop3A_188] : memref<16384xi32, #tpu.memory_space<vmem>>[vector<16xi32>], vector<16xi32>,
      %parallel_loop3A_190 = arith.addi %parallel_loop3A_184, %parallel_loop3A_189 : vector<16xi32>
      tpu.vector_store_idx %arg5[%parallel_loop3A_188], %broadcast_in_dim3A_46 : memref<16384xi32, #tpu.memory_space<vmem>>[vector<16xi32>], vector<16xi32>,
      %parallel_loop3A_191 = arith.constant 10 : i32
      %parallel_loop3A_192 = vector.broadcast %parallel_loop3A_191 : i32 to vector<16xi32>
      %parallel_loop3A_193 = arith.xori %iota3A_44, %parallel_loop3A_192 : vector<16xi32>
      %parallel_loop3A_194 = arith.addi %parallel_loop3A_130, %parallel_loop3A_193 : vector<16xi32>
      %parallel_loop3A_195 = tpu.vector_load_idx %arg5[%parallel_loop3A_194] : memref<16384xi32, #tpu.memory_space<vmem>>[vector<16xi32>], vector<16xi32>,
      %parallel_loop3A_196 = arith.addi %parallel_loop3A_190, %parallel_loop3A_195 : vector<16xi32>
      tpu.vector_store_idx %arg5[%parallel_loop3A_194], %broadcast_in_dim3A_46 : memref<16384xi32, #tpu.memory_space<vmem>>[vector<16xi32>], vector<16xi32>,
      %parallel_loop3A_197 = arith.constant 11 : i32
      %parallel_loop3A_198 = vector.broadcast %parallel_loop3A_197 : i32 to vector<16xi32>
      %parallel_loop3A_199 = arith.xori %iota3A_44, %parallel_loop3A_198 : vector<16xi32>
      %parallel_loop3A_200 = arith.addi %parallel_loop3A_130, %parallel_loop3A_199 : vector<16xi32>
      %parallel_loop3A_201 = tpu.vector_load_idx %arg5[%parallel_loop3A_200] : memref<16384xi32, #tpu.memory_space<vmem>>[vector<16xi32>], vector<16xi32>,
      %parallel_loop3A_202 = arith.addi %parallel_loop3A_196, %parallel_loop3A_201 : vector<16xi32>
      tpu.vector_store_idx %arg5[%parallel_loop3A_200], %broadcast_in_dim3A_46 : memref<16384xi32, #tpu.memory_space<vmem>>[vector<16xi32>], vector<16xi32>,
      %parallel_loop3A_203 = arith.constant 12 : i32
      %parallel_loop3A_204 = vector.broadcast %parallel_loop3A_203 : i32 to vector<16xi32>
      %parallel_loop3A_205 = arith.xori %iota3A_44, %parallel_loop3A_204 : vector<16xi32>
      %parallel_loop3A_206 = arith.addi %parallel_loop3A_130, %parallel_loop3A_205 : vector<16xi32>
      %parallel_loop3A_207 = tpu.vector_load_idx %arg5[%parallel_loop3A_206] : memref<16384xi32, #tpu.memory_space<vmem>>[vector<16xi32>], vector<16xi32>,
      %parallel_loop3A_208 = arith.addi %parallel_loop3A_202, %parallel_loop3A_207 : vector<16xi32>
      tpu.vector_store_idx %arg5[%parallel_loop3A_206], %broadcast_in_dim3A_46 : memref<16384xi32, #tpu.memory_space<vmem>>[vector<16xi32>], vector<16xi32>,
      %parallel_loop3A_209 = arith.constant 13 : i32
      %parallel_loop3A_210 = vector.broadcast %parallel_loop3A_209 : i32 to vector<16xi32>
      %parallel_loop3A_211 = arith.xori %iota3A_44, %parallel_loop3A_210 : vector<16xi32>
      %parallel_loop3A_212 = arith.addi %parallel_loop3A_130, %parallel_loop3A_211 : vector<16xi32>
      %parallel_loop3A_213 = tpu.vector_load_idx %arg5[%parallel_loop3A_212] : memref<16384xi32, #tpu.memory_space<vmem>>[vector<16xi32>], vector<16xi32>,
      %parallel_loop3A_214 = arith.addi %parallel_loop3A_208, %parallel_loop3A_213 : vector<16xi32>
      tpu.vector_store_idx %arg5[%parallel_loop3A_212], %broadcast_in_dim3A_46 : memref<16384xi32, #tpu.memory_space<vmem>>[vector<16xi32>], vector<16xi32>,
      %parallel_loop3A_215 = arith.constant 14 : i32
      %parallel_loop3A_216 = vector.broadcast %parallel_loop3A_215 : i32 to vector<16xi32>
      %parallel_loop3A_217 = arith.xori %iota3A_44, %parallel_loop3A_216 : vector<16xi32>
      %parallel_loop3A_218 = arith.addi %parallel_loop3A_130, %parallel_loop3A_217 : vector<16xi32>
      %parallel_loop3A_219 = tpu.vector_load_idx %arg5[%parallel_loop3A_218] : memref<16384xi32, #tpu.memory_space<vmem>>[vector<16xi32>], vector<16xi32>,
      %parallel_loop3A_220 = arith.addi %parallel_loop3A_214, %parallel_loop3A_219 : vector<16xi32>
      tpu.vector_store_idx %arg5[%parallel_loop3A_218], %broadcast_in_dim3A_46 : memref<16384xi32, #tpu.memory_space<vmem>>[vector<16xi32>], vector<16xi32>,
      %parallel_loop3A_221 = arith.constant 15 : i32
      %parallel_loop3A_222 = vector.broadcast %parallel_loop3A_221 : i32 to vector<16xi32>
      %parallel_loop3A_223 = arith.xori %iota3A_44, %parallel_loop3A_222 : vector<16xi32>
      %parallel_loop3A_224 = arith.addi %parallel_loop3A_130, %parallel_loop3A_223 : vector<16xi32>
      %parallel_loop3A_225 = tpu.vector_load_idx %arg5[%parallel_loop3A_224] : memref<16384xi32, #tpu.memory_space<vmem>>[vector<16xi32>], vector<16xi32>,
      %parallel_loop3A_226 = arith.addi %parallel_loop3A_220, %parallel_loop3A_225 : vector<16xi32>
      tpu.vector_store_idx %arg5[%parallel_loop3A_224], %broadcast_in_dim3A_46 : memref<16384xi32, #tpu.memory_space<vmem>>[vector<16xi32>], vector<16xi32>,
      %parallel_loop3A_227 = arith.constant true
      %parallel_loop3A_228 = vector.broadcast %parallel_loop3A_227 : i1 to vector<16xi1>
      %parallel_loop3A_229 = tpu.scan <sum>, %parallel_loop3A_226 masked %parallel_loop3A_228 : vector<16xi32>, vector<16xi1> -> vector<16xi32>
      %parallel_loop3A_230 = arith.addi %parallel_loop3A_121, %parallel_loop3A_229 : vector<16xi32>
      %parallel_loop3A_231 = vector.broadcast %sub3A_40 : i32 to vector<16xi32>
      %parallel_loop3A_232 = arith.cmpi slt, %parallel_loop3A_230, %parallel_loop3A_231 : vector<16xi32>
      %parallel_loop3A_233 = arith.extui %parallel_loop3A_232 : vector<16xi1> to vector<16xi32>
      %parallel_loop3A_234 = arith.addi %parallel_loop3A_122, %parallel_loop3A_233 : vector<16xi32>
      %parallel_loop3A_235 = arith.constant 0 : i32
      %parallel_loop3A_236 = vector.broadcast %parallel_loop3A_235 : i32 to vector<16xi32>
      %parallel_loop3A_237 = arith.select %parallel_loop3A_232, %parallel_loop3A_230, %parallel_loop3A_236 : vector<16xi1>, vector<16xi32>
      %parallel_loop3A_238 = arith.maxsi %parallel_loop3A_123, %parallel_loop3A_237 : vector<16xi32>
      %parallel_loop3A_239 = vector.extract_strided_slice %parallel_loop3A_230 {offsets = [15], sizes = [1], strides = [1]} : vector<16xi32> to vector<1xi32>
      %parallel_loop3A_240 = vector.extract %parallel_loop3A_239[0] : i32 from vector<1xi32>
      %parallel_loop3A_241 = vector.broadcast %parallel_loop3A_240 : i32 to vector<16xi32>
      scf.yield %parallel_loop3A_241, %parallel_loop3A_234, %parallel_loop3A_238 : vector<16xi32>, vector<16xi32>, vector<16xi32>
    } {sc.loop_unroll_factor = 4 : i64, sc.parallel_access}
    %reduce_sum3A_51 = arith.constant true
    %reduce_sum3A_52 = vector.broadcast %reduce_sum3A_51 : i1 to vector<16xi1>
    %reduce_sum3A_53 = tpu.scan <sum>, %parallel_loop3A_50#1 masked %reduce_sum3A_52 : vector<16xi32>, vector<16xi1> -> vector<16xi32>
    %reduce_sum3A_54 = vector.extract %reduce_sum3A_53[15] : i32 from vector<16xi32>
    %reduce_max3A_55 = arith.constant true
    %reduce_max3A_56 = vector.broadcast %reduce_max3A_55 : i1 to vector<16xi1>
    %reduce_max3A_57 = arith.constant -2147483648 : i32
    %reduce_max3A_58 = vector.broadcast %reduce_max3A_57 : i32 to vector<16xi32>
    %reduce_max3A_59 = arith.xori %parallel_loop3A_50#2, %reduce_max3A_58 : vector<16xi32>
    %reduce_max3A_60 = tpu.scan <max>, %reduce_max3A_59 masked %reduce_max3A_56 : vector<16xi32>, vector<16xi1> -> vector<16xi32>
    %reduce_max3A_61 = arith.xori %reduce_max3A_60, %reduce_max3A_58 : vector<16xi32>
    %reduce_max3A_62 = vector.extract %reduce_max3A_61[15] : i32 from vector<16xi32>
    %sub3A_63 = arith.subi %sub3A_40, %reduce_max3A_62 : i32
    %shift_left3A = arith.constant 10 : i32
    %shift_left3A_64 = arith.shli %reduce_sum3A_32, %shift_left3A : i32
    %or3A = arith.ori %shift_left3A_64, %reduce_sum3A_54 : i32
    %parallel_loop3A_65 = arith.constant 0 : i32
    %parallel_loop3A_66 = arith.constant 2048 : i32
    %parallel_loop3A_67 = arith.constant 1 : i32
    scf.for %parallel_loop3A_120 = %parallel_loop3A_65 to %parallel_loop3A_66 step %parallel_loop3A_67  : i32 {
      %parallel_loop3A_121 = arith.constant 16 : i32
      %parallel_loop3A_122 = arith.muli %parallel_loop3A_120, %parallel_loop3A_121 : i32
      %parallel_loop3A_123 = arith.index_cast %parallel_loop3A_122 : i32 to index
      %parallel_loop3A_124 = tpu.vector_load %arg4[%parallel_loop3A_123] {strides = array<i32>} : memref<32768xf32, #tpu.memory_space<vmem>>, vector<16xf32>,
      %parallel_loop3A_125 = tpu.bitcast %parallel_loop3A_124 : vector<16xf32> -> vector<16xi32>
      %parallel_loop3A_126 = arith.constant 10 : i32
      %parallel_loop3A_127 = vector.broadcast %parallel_loop3A_126 : i32 to vector<16xi32>
      %parallel_loop3A_128 = arith.shrsi %parallel_loop3A_125, %parallel_loop3A_127 : vector<16xi32>
      %parallel_loop3A_129 = vector.broadcast %or3A : i32 to vector<16xi32>
      %parallel_loop3A_130 = arith.cmpi eq, %parallel_loop3A_128, %parallel_loop3A_129 : vector<16xi32>
      %parallel_loop3A_131 = arith.constant 1023 : i32
      %parallel_loop3A_132 = vector.broadcast %parallel_loop3A_131 : i32 to vector<16xi32>
      %parallel_loop3A_133 = arith.andi %parallel_loop3A_125, %parallel_loop3A_132 : vector<16xi32>
      %parallel_loop3A_134 = arith.constant 4 : i32
      %parallel_loop3A_135 = vector.broadcast %parallel_loop3A_134 : i32 to vector<16xi32>
      %parallel_loop3A_136 = arith.shli %parallel_loop3A_133, %parallel_loop3A_135 : vector<16xi32>
      %parallel_loop3A_137 = arith.constant 15 : i32
      %parallel_loop3A_138 = vector.broadcast %parallel_loop3A_137 : i32 to vector<16xi32>
      %parallel_loop3A_139 = arith.andi %parallel_loop3A_133, %parallel_loop3A_138 : vector<16xi32>
      %parallel_loop3A_140 = arith.xori %iota3A, %parallel_loop3A_139 : vector<16xi32>
      %parallel_loop3A_141 = arith.ori %parallel_loop3A_136, %parallel_loop3A_140 : vector<16xi32>
      tpu.vector_store_idx %arg5[%parallel_loop3A_141], %broadcast_in_dim3A_6 masked %parallel_loop3A_130 {add = true} : memref<16384xi32, #tpu.memory_space<vmem>>[vector<16xi32>], vector<16xi32>, vector<16xi1>
    } {sc.loop_unroll_factor = 8 : i64, sc.parallel_access}
    %iota3A_68 = tpu.iota {dimensions = array<i32: 0>} : vector<16xi32>
    %broadcast_in_dim3A_69 = arith.constant 0 : i32
    %broadcast_in_dim3A_70 = vector.broadcast %broadcast_in_dim3A_69 : i32 to vector<16xi32>
    %parallel_loop3A_71 = arith.constant 0 : i32
    %parallel_loop3A_72 = arith.constant 64 : i32
    %parallel_loop3A_73 = arith.constant 1 : i32
    %parallel_loop3A_74:3 = scf.for %parallel_loop3A_120 = %parallel_loop3A_71 to %parallel_loop3A_72 step %parallel_loop3A_73 iter_args(%parallel_loop3A_121 = %broadcast_in_dim3A_70, %parallel_loop3A_122 = %broadcast_in_dim3A_70, %parallel_loop3A_123 = %broadcast_in_dim3A_70) -> (vector<16xi32>, vector<16xi32>, vector<16xi32>)  : i32 {
      %parallel_loop3A_124 = arith.constant 256 : i32
      %parallel_loop3A_125 = arith.muli %parallel_loop3A_120, %parallel_loop3A_124 : i32
      %parallel_loop3A_126 = arith.constant 4 : i32
      %parallel_loop3A_127 = vector.broadcast %parallel_loop3A_126 : i32 to vector<16xi32>
      %parallel_loop3A_128 = arith.shli %iota3A_68, %parallel_loop3A_127 : vector<16xi32>
      %parallel_loop3A_129 = vector.broadcast %parallel_loop3A_125 : i32 to vector<16xi32>
      %parallel_loop3A_130 = arith.addi %parallel_loop3A_129, %parallel_loop3A_128 : vector<16xi32>
      %parallel_loop3A_131 = arith.constant 0 : i32
      %parallel_loop3A_132 = vector.broadcast %parallel_loop3A_131 : i32 to vector<16xi32>
      %parallel_loop3A_133 = arith.xori %iota3A_68, %parallel_loop3A_132 : vector<16xi32>
      %parallel_loop3A_134 = arith.addi %parallel_loop3A_130, %parallel_loop3A_133 : vector<16xi32>
      %parallel_loop3A_135 = tpu.vector_load_idx %arg5[%parallel_loop3A_134] : memref<16384xi32, #tpu.memory_space<vmem>>[vector<16xi32>], vector<16xi32>,
      %parallel_loop3A_136 = arith.addi %broadcast_in_dim3A_70, %parallel_loop3A_135 : vector<16xi32>
      %parallel_loop3A_137 = arith.constant 1 : i32
      %parallel_loop3A_138 = vector.broadcast %parallel_loop3A_137 : i32 to vector<16xi32>
      %parallel_loop3A_139 = arith.xori %iota3A_68, %parallel_loop3A_138 : vector<16xi32>
      %parallel_loop3A_140 = arith.addi %parallel_loop3A_130, %parallel_loop3A_139 : vector<16xi32>
      %parallel_loop3A_141 = tpu.vector_load_idx %arg5[%parallel_loop3A_140] : memref<16384xi32, #tpu.memory_space<vmem>>[vector<16xi32>], vector<16xi32>,
      %parallel_loop3A_142 = arith.addi %parallel_loop3A_136, %parallel_loop3A_141 : vector<16xi32>
      %parallel_loop3A_143 = arith.constant 2 : i32
      %parallel_loop3A_144 = vector.broadcast %parallel_loop3A_143 : i32 to vector<16xi32>
      %parallel_loop3A_145 = arith.xori %iota3A_68, %parallel_loop3A_144 : vector<16xi32>
      %parallel_loop3A_146 = arith.addi %parallel_loop3A_130, %parallel_loop3A_145 : vector<16xi32>
      %parallel_loop3A_147 = tpu.vector_load_idx %arg5[%parallel_loop3A_146] : memref<16384xi32, #tpu.memory_space<vmem>>[vector<16xi32>], vector<16xi32>,
      %parallel_loop3A_148 = arith.addi %parallel_loop3A_142, %parallel_loop3A_147 : vector<16xi32>
      %parallel_loop3A_149 = arith.constant 3 : i32
      %parallel_loop3A_150 = vector.broadcast %parallel_loop3A_149 : i32 to vector<16xi32>
      %parallel_loop3A_151 = arith.xori %iota3A_68, %parallel_loop3A_150 : vector<16xi32>
      %parallel_loop3A_152 = arith.addi %parallel_loop3A_130, %parallel_loop3A_151 : vector<16xi32>
      %parallel_loop3A_153 = tpu.vector_load_idx %arg5[%parallel_loop3A_152] : memref<16384xi32, #tpu.memory_space<vmem>>[vector<16xi32>], vector<16xi32>,
      %parallel_loop3A_154 = arith.addi %parallel_loop3A_148, %parallel_loop3A_153 : vector<16xi32>
      %parallel_loop3A_155 = arith.constant 4 : i32
      %parallel_loop3A_156 = vector.broadcast %parallel_loop3A_155 : i32 to vector<16xi32>
      %parallel_loop3A_157 = arith.xori %iota3A_68, %parallel_loop3A_156 : vector<16xi32>
      %parallel_loop3A_158 = arith.addi %parallel_loop3A_130, %parallel_loop3A_157 : vector<16xi32>
      %parallel_loop3A_159 = tpu.vector_load_idx %arg5[%parallel_loop3A_158] : memref<16384xi32, #tpu.memory_space<vmem>>[vector<16xi32>], vector<16xi32>,
      %parallel_loop3A_160 = arith.addi %parallel_loop3A_154, %parallel_loop3A_159 : vector<16xi32>
      %parallel_loop3A_161 = arith.constant 5 : i32
      %parallel_loop3A_162 = vector.broadcast %parallel_loop3A_161 : i32 to vector<16xi32>
      %parallel_loop3A_163 = arith.xori %iota3A_68, %parallel_loop3A_162 : vector<16xi32>
      %parallel_loop3A_164 = arith.addi %parallel_loop3A_130, %parallel_loop3A_163 : vector<16xi32>
      %parallel_loop3A_165 = tpu.vector_load_idx %arg5[%parallel_loop3A_164] : memref<16384xi32, #tpu.memory_space<vmem>>[vector<16xi32>], vector<16xi32>,
      %parallel_loop3A_166 = arith.addi %parallel_loop3A_160, %parallel_loop3A_165 : vector<16xi32>
      %parallel_loop3A_167 = arith.constant 6 : i32
      %parallel_loop3A_168 = vector.broadcast %parallel_loop3A_167 : i32 to vector<16xi32>
      %parallel_loop3A_169 = arith.xori %iota3A_68, %parallel_loop3A_168 : vector<16xi32>
      %parallel_loop3A_170 = arith.addi %parallel_loop3A_130, %parallel_loop3A_169 : vector<16xi32>
      %parallel_loop3A_171 = tpu.vector_load_idx %arg5[%parallel_loop3A_170] : memref<16384xi32, #tpu.memory_space<vmem>>[vector<16xi32>], vector<16xi32>,
      %parallel_loop3A_172 = arith.addi %parallel_loop3A_166, %parallel_loop3A_171 : vector<16xi32>
      %parallel_loop3A_173 = arith.constant 7 : i32
      %parallel_loop3A_174 = vector.broadcast %parallel_loop3A_173 : i32 to vector<16xi32>
      %parallel_loop3A_175 = arith.xori %iota3A_68, %parallel_loop3A_174 : vector<16xi32>
      %parallel_loop3A_176 = arith.addi %parallel_loop3A_130, %parallel_loop3A_175 : vector<16xi32>
      %parallel_loop3A_177 = tpu.vector_load_idx %arg5[%parallel_loop3A_176] : memref<16384xi32, #tpu.memory_space<vmem>>[vector<16xi32>], vector<16xi32>,
      %parallel_loop3A_178 = arith.addi %parallel_loop3A_172, %parallel_loop3A_177 : vector<16xi32>
      %parallel_loop3A_179 = arith.constant 8 : i32
      %parallel_loop3A_180 = vector.broadcast %parallel_loop3A_179 : i32 to vector<16xi32>
      %parallel_loop3A_181 = arith.xori %iota3A_68, %parallel_loop3A_180 : vector<16xi32>
      %parallel_loop3A_182 = arith.addi %parallel_loop3A_130, %parallel_loop3A_181 : vector<16xi32>
      %parallel_loop3A_183 = tpu.vector_load_idx %arg5[%parallel_loop3A_182] : memref<16384xi32, #tpu.memory_space<vmem>>[vector<16xi32>], vector<16xi32>,
      %parallel_loop3A_184 = arith.addi %parallel_loop3A_178, %parallel_loop3A_183 : vector<16xi32>
      %parallel_loop3A_185 = arith.constant 9 : i32
      %parallel_loop3A_186 = vector.broadcast %parallel_loop3A_185 : i32 to vector<16xi32>
      %parallel_loop3A_187 = arith.xori %iota3A_68, %parallel_loop3A_186 : vector<16xi32>
      %parallel_loop3A_188 = arith.addi %parallel_loop3A_130, %parallel_loop3A_187 : vector<16xi32>
      %parallel_loop3A_189 = tpu.vector_load_idx %arg5[%parallel_loop3A_188] : memref<16384xi32, #tpu.memory_space<vmem>>[vector<16xi32>], vector<16xi32>,
      %parallel_loop3A_190 = arith.addi %parallel_loop3A_184, %parallel_loop3A_189 : vector<16xi32>
      %parallel_loop3A_191 = arith.constant 10 : i32
      %parallel_loop3A_192 = vector.broadcast %parallel_loop3A_191 : i32 to vector<16xi32>
      %parallel_loop3A_193 = arith.xori %iota3A_68, %parallel_loop3A_192 : vector<16xi32>
      %parallel_loop3A_194 = arith.addi %parallel_loop3A_130, %parallel_loop3A_193 : vector<16xi32>
      %parallel_loop3A_195 = tpu.vector_load_idx %arg5[%parallel_loop3A_194] : memref<16384xi32, #tpu.memory_space<vmem>>[vector<16xi32>], vector<16xi32>,
      %parallel_loop3A_196 = arith.addi %parallel_loop3A_190, %parallel_loop3A_195 : vector<16xi32>
      %parallel_loop3A_197 = arith.constant 11 : i32
      %parallel_loop3A_198 = vector.broadcast %parallel_loop3A_197 : i32 to vector<16xi32>
      %parallel_loop3A_199 = arith.xori %iota3A_68, %parallel_loop3A_198 : vector<16xi32>
      %parallel_loop3A_200 = arith.addi %parallel_loop3A_130, %parallel_loop3A_199 : vector<16xi32>
      %parallel_loop3A_201 = tpu.vector_load_idx %arg5[%parallel_loop3A_200] : memref<16384xi32, #tpu.memory_space<vmem>>[vector<16xi32>], vector<16xi32>,
      %parallel_loop3A_202 = arith.addi %parallel_loop3A_196, %parallel_loop3A_201 : vector<16xi32>
      %parallel_loop3A_203 = arith.constant 12 : i32
      %parallel_loop3A_204 = vector.broadcast %parallel_loop3A_203 : i32 to vector<16xi32>
      %parallel_loop3A_205 = arith.xori %iota3A_68, %parallel_loop3A_204 : vector<16xi32>
      %parallel_loop3A_206 = arith.addi %parallel_loop3A_130, %parallel_loop3A_205 : vector<16xi32>
      %parallel_loop3A_207 = tpu.vector_load_idx %arg5[%parallel_loop3A_206] : memref<16384xi32, #tpu.memory_space<vmem>>[vector<16xi32>], vector<16xi32>,
      %parallel_loop3A_208 = arith.addi %parallel_loop3A_202, %parallel_loop3A_207 : vector<16xi32>
      %parallel_loop3A_209 = arith.constant 13 : i32
      %parallel_loop3A_210 = vector.broadcast %parallel_loop3A_209 : i32 to vector<16xi32>
      %parallel_loop3A_211 = arith.xori %iota3A_68, %parallel_loop3A_210 : vector<16xi32>
      %parallel_loop3A_212 = arith.addi %parallel_loop3A_130, %parallel_loop3A_211 : vector<16xi32>
      %parallel_loop3A_213 = tpu.vector_load_idx %arg5[%parallel_loop3A_212] : memref<16384xi32, #tpu.memory_space<vmem>>[vector<16xi32>], vector<16xi32>,
      %parallel_loop3A_214 = arith.addi %parallel_loop3A_208, %parallel_loop3A_213 : vector<16xi32>
      %parallel_loop3A_215 = arith.constant 14 : i32
      %parallel_loop3A_216 = vector.broadcast %parallel_loop3A_215 : i32 to vector<16xi32>
      %parallel_loop3A_217 = arith.xori %iota3A_68, %parallel_loop3A_216 : vector<16xi32>
      %parallel_loop3A_218 = arith.addi %parallel_loop3A_130, %parallel_loop3A_217 : vector<16xi32>
      %parallel_loop3A_219 = tpu.vector_load_idx %arg5[%parallel_loop3A_218] : memref<16384xi32, #tpu.memory_space<vmem>>[vector<16xi32>], vector<16xi32>,
      %parallel_loop3A_220 = arith.addi %parallel_loop3A_214, %parallel_loop3A_219 : vector<16xi32>
      %parallel_loop3A_221 = arith.constant 15 : i32
      %parallel_loop3A_222 = vector.broadcast %parallel_loop3A_221 : i32 to vector<16xi32>
      %parallel_loop3A_223 = arith.xori %iota3A_68, %parallel_loop3A_222 : vector<16xi32>
      %parallel_loop3A_224 = arith.addi %parallel_loop3A_130, %parallel_loop3A_223 : vector<16xi32>
      %parallel_loop3A_225 = tpu.vector_load_idx %arg5[%parallel_loop3A_224] : memref<16384xi32, #tpu.memory_space<vmem>>[vector<16xi32>], vector<16xi32>,
      %parallel_loop3A_226 = arith.addi %parallel_loop3A_220, %parallel_loop3A_225 : vector<16xi32>
      %parallel_loop3A_227 = arith.constant true
      %parallel_loop3A_228 = vector.broadcast %parallel_loop3A_227 : i1 to vector<16xi1>
      %parallel_loop3A_229 = tpu.scan <sum>, %parallel_loop3A_226 masked %parallel_loop3A_228 : vector<16xi32>, vector<16xi1> -> vector<16xi32>
      %parallel_loop3A_230 = arith.addi %parallel_loop3A_121, %parallel_loop3A_229 : vector<16xi32>
      %parallel_loop3A_231 = vector.broadcast %sub3A_63 : i32 to vector<16xi32>
      %parallel_loop3A_232 = arith.cmpi slt, %parallel_loop3A_230, %parallel_loop3A_231 : vector<16xi32>
      %parallel_loop3A_233 = arith.extui %parallel_loop3A_232 : vector<16xi1> to vector<16xi32>
      %parallel_loop3A_234 = arith.addi %parallel_loop3A_122, %parallel_loop3A_233 : vector<16xi32>
      %parallel_loop3A_235 = arith.constant 0 : i32
      %parallel_loop3A_236 = vector.broadcast %parallel_loop3A_235 : i32 to vector<16xi32>
      %parallel_loop3A_237 = arith.select %parallel_loop3A_232, %parallel_loop3A_230, %parallel_loop3A_236 : vector<16xi1>, vector<16xi32>
      %parallel_loop3A_238 = arith.maxsi %parallel_loop3A_123, %parallel_loop3A_237 : vector<16xi32>
      %parallel_loop3A_239 = vector.extract_strided_slice %parallel_loop3A_230 {offsets = [15], sizes = [1], strides = [1]} : vector<16xi32> to vector<1xi32>
      %parallel_loop3A_240 = vector.extract %parallel_loop3A_239[0] : i32 from vector<1xi32>
      %parallel_loop3A_241 = vector.broadcast %parallel_loop3A_240 : i32 to vector<16xi32>
      scf.yield %parallel_loop3A_241, %parallel_loop3A_234, %parallel_loop3A_238 : vector<16xi32>, vector<16xi32>, vector<16xi32>
    } {sc.loop_unroll_factor = 4 : i64, sc.parallel_access}
    %reduce_sum3A_75 = arith.constant true
    %reduce_sum3A_76 = vector.broadcast %reduce_sum3A_75 : i1 to vector<16xi1>
    %reduce_sum3A_77 = tpu.scan <sum>, %parallel_loop3A_74#1 masked %reduce_sum3A_76 : vector<16xi32>, vector<16xi1> -> vector<16xi32>
    %reduce_sum3A_78 = vector.extract %reduce_sum3A_77[15] : i32 from vector<16xi32>
    %reduce_max3A_79 = arith.constant true
    %reduce_max3A_80 = vector.broadcast %reduce_max3A_79 : i1 to vector<16xi1>
    %reduce_max3A_81 = arith.constant -2147483648 : i32
    %reduce_max3A_82 = vector.broadcast %reduce_max3A_81 : i32 to vector<16xi32>
    %reduce_max3A_83 = arith.xori %parallel_loop3A_74#2, %reduce_max3A_82 : vector<16xi32>
    %reduce_max3A_84 = tpu.scan <max>, %reduce_max3A_83 masked %reduce_max3A_80 : vector<16xi32>, vector<16xi1> -> vector<16xi32>
    %reduce_max3A_85 = arith.xori %reduce_max3A_84, %reduce_max3A_82 : vector<16xi32>
    %reduce_max3A_86 = vector.extract %reduce_max3A_85[15] : i32 from vector<16xi32>
    %sub3A_87 = arith.subi %sub3A_63, %reduce_max3A_86 : i32
    %shift_left3A_88 = arith.constant 10 : i32
    %shift_left3A_89 = arith.shli %or3A, %shift_left3A_88 : i32
    %or3A_90 = arith.ori %shift_left3A_89, %reduce_sum3A_78 : i32
    %parallel_loop3A_91 = arith.constant 0 : i32
    %parallel_loop3A_92 = arith.constant 128 : i32
    %parallel_loop3A_93 = arith.constant 1 : i32
    %parallel_loop3A_94 = arith.constant 0 : i32
    %parallel_loop3A_95 = scf.for %parallel_loop3A_120 = %parallel_loop3A_91 to %parallel_loop3A_92 step %parallel_loop3A_93 iter_args(%parallel_loop3A_121 = %parallel_loop3A_94) -> (i32)  : i32 {
      %parallel_loop3A_122 = arith.constant 8 : i32
      %parallel_loop3A_123 = arith.muli %parallel_loop3A_120, %parallel_loop3A_122 : i32
      %parallel_loop3A_124 = arith.constant 0 : i32
      %parallel_loop3A_125 = arith.addi %parallel_loop3A_123, %parallel_loop3A_124 : i32
      %parallel_loop3A_126 = arith.constant 16 : i32
      %parallel_loop3A_127 = arith.muli %parallel_loop3A_125, %parallel_loop3A_126 : i32
      %parallel_loop3A_128 = arith.index_cast %parallel_loop3A_127 : i32 to index
      %parallel_loop3A_129 = tpu.vector_load %arg4[%parallel_loop3A_128] {strides = array<i32>} : memref<32768xf32, #tpu.memory_space<vmem>>, vector<16xf32>,
      %parallel_loop3A_130 = tpu.bitcast %parallel_loop3A_129 : vector<16xf32> -> vector<16xi32>
      %parallel_loop3A_131 = vector.broadcast %or3A_90 : i32 to vector<16xi32>
      %parallel_loop3A_132 = arith.cmpi eq, %parallel_loop3A_130, %parallel_loop3A_131 : vector<16xi32>
      %parallel_loop3A_133 = arith.extui %parallel_loop3A_132 : vector<16xi1> to vector<16xi32>
      %parallel_loop3A_134 = arith.constant true
      %parallel_loop3A_135 = vector.broadcast %parallel_loop3A_134 : i1 to vector<16xi1>
      %parallel_loop3A_136 = tpu.scan <sum>, %parallel_loop3A_133 masked %parallel_loop3A_135 : vector<16xi32>, vector<16xi1> -> vector<16xi32>
      %parallel_loop3A_137 = arith.constant 8 : i32
      %parallel_loop3A_138 = arith.muli %parallel_loop3A_120, %parallel_loop3A_137 : i32
      %parallel_loop3A_139 = arith.constant 1 : i32
      %parallel_loop3A_140 = arith.addi %parallel_loop3A_138, %parallel_loop3A_139 : i32
      %parallel_loop3A_141 = arith.constant 16 : i32
      %parallel_loop3A_142 = arith.muli %parallel_loop3A_140, %parallel_loop3A_141 : i32
      %parallel_loop3A_143 = arith.index_cast %parallel_loop3A_142 : i32 to index
      %parallel_loop3A_144 = tpu.vector_load %arg4[%parallel_loop3A_143] {strides = array<i32>} : memref<32768xf32, #tpu.memory_space<vmem>>, vector<16xf32>,
      %parallel_loop3A_145 = tpu.bitcast %parallel_loop3A_144 : vector<16xf32> -> vector<16xi32>
      %parallel_loop3A_146 = vector.broadcast %or3A_90 : i32 to vector<16xi32>
      %parallel_loop3A_147 = arith.cmpi eq, %parallel_loop3A_145, %parallel_loop3A_146 : vector<16xi32>
      %parallel_loop3A_148 = arith.extui %parallel_loop3A_147 : vector<16xi1> to vector<16xi32>
      %parallel_loop3A_149 = arith.constant true
      %parallel_loop3A_150 = vector.broadcast %parallel_loop3A_149 : i1 to vector<16xi1>
      %parallel_loop3A_151 = tpu.scan <sum>, %parallel_loop3A_148 masked %parallel_loop3A_150 : vector<16xi32>, vector<16xi1> -> vector<16xi32>
      %parallel_loop3A_152 = arith.constant 8 : i32
      %parallel_loop3A_153 = arith.muli %parallel_loop3A_120, %parallel_loop3A_152 : i32
      %parallel_loop3A_154 = arith.constant 2 : i32
      %parallel_loop3A_155 = arith.addi %parallel_loop3A_153, %parallel_loop3A_154 : i32
      %parallel_loop3A_156 = arith.constant 16 : i32
      %parallel_loop3A_157 = arith.muli %parallel_loop3A_155, %parallel_loop3A_156 : i32
      %parallel_loop3A_158 = arith.index_cast %parallel_loop3A_157 : i32 to index
      %parallel_loop3A_159 = tpu.vector_load %arg4[%parallel_loop3A_158] {strides = array<i32>} : memref<32768xf32, #tpu.memory_space<vmem>>, vector<16xf32>,
      %parallel_loop3A_160 = tpu.bitcast %parallel_loop3A_159 : vector<16xf32> -> vector<16xi32>
      %parallel_loop3A_161 = vector.broadcast %or3A_90 : i32 to vector<16xi32>
      %parallel_loop3A_162 = arith.cmpi eq, %parallel_loop3A_160, %parallel_loop3A_161 : vector<16xi32>
      %parallel_loop3A_163 = arith.extui %parallel_loop3A_162 : vector<16xi1> to vector<16xi32>
      %parallel_loop3A_164 = arith.constant true
      %parallel_loop3A_165 = vector.broadcast %parallel_loop3A_164 : i1 to vector<16xi1>
      %parallel_loop3A_166 = tpu.scan <sum>, %parallel_loop3A_163 masked %parallel_loop3A_165 : vector<16xi32>, vector<16xi1> -> vector<16xi32>
      %parallel_loop3A_167 = arith.constant 8 : i32
      %parallel_loop3A_168 = arith.muli %parallel_loop3A_120, %parallel_loop3A_167 : i32
      %parallel_loop3A_169 = arith.constant 3 : i32
      %parallel_loop3A_170 = arith.addi %parallel_loop3A_168, %parallel_loop3A_169 : i32
      %parallel_loop3A_171 = arith.constant 16 : i32
      %parallel_loop3A_172 = arith.muli %parallel_loop3A_170, %parallel_loop3A_171 : i32
      %parallel_loop3A_173 = arith.index_cast %parallel_loop3A_172 : i32 to index
      %parallel_loop3A_174 = tpu.vector_load %arg4[%parallel_loop3A_173] {strides = array<i32>} : memref<32768xf32, #tpu.memory_space<vmem>>, vector<16xf32>,
      %parallel_loop3A_175 = tpu.bitcast %parallel_loop3A_174 : vector<16xf32> -> vector<16xi32>
      %parallel_loop3A_176 = vector.broadcast %or3A_90 : i32 to vector<16xi32>
      %parallel_loop3A_177 = arith.cmpi eq, %parallel_loop3A_175, %parallel_loop3A_176 : vector<16xi32>
      %parallel_loop3A_178 = arith.extui %parallel_loop3A_177 : vector<16xi1> to vector<16xi32>
      %parallel_loop3A_179 = arith.constant true
      %parallel_loop3A_180 = vector.broadcast %parallel_loop3A_179 : i1 to vector<16xi1>
      %parallel_loop3A_181 = tpu.scan <sum>, %parallel_loop3A_178 masked %parallel_loop3A_180 : vector<16xi32>, vector<16xi1> -> vector<16xi32>
      %parallel_loop3A_182 = arith.constant 8 : i32
      %parallel_loop3A_183 = arith.muli %parallel_loop3A_120, %parallel_loop3A_182 : i32
      %parallel_loop3A_184 = arith.constant 4 : i32
      %parallel_loop3A_185 = arith.addi %parallel_loop3A_183, %parallel_loop3A_184 : i32
      %parallel_loop3A_186 = arith.constant 16 : i32
      %parallel_loop3A_187 = arith.muli %parallel_loop3A_185, %parallel_loop3A_186 : i32
      %parallel_loop3A_188 = arith.index_cast %parallel_loop3A_187 : i32 to index
      %parallel_loop3A_189 = tpu.vector_load %arg4[%parallel_loop3A_188] {strides = array<i32>} : memref<32768xf32, #tpu.memory_space<vmem>>, vector<16xf32>,
      %parallel_loop3A_190 = tpu.bitcast %parallel_loop3A_189 : vector<16xf32> -> vector<16xi32>
      %parallel_loop3A_191 = vector.broadcast %or3A_90 : i32 to vector<16xi32>
      %parallel_loop3A_192 = arith.cmpi eq, %parallel_loop3A_190, %parallel_loop3A_191 : vector<16xi32>
      %parallel_loop3A_193 = arith.extui %parallel_loop3A_192 : vector<16xi1> to vector<16xi32>
      %parallel_loop3A_194 = arith.constant true
      %parallel_loop3A_195 = vector.broadcast %parallel_loop3A_194 : i1 to vector<16xi1>
      %parallel_loop3A_196 = tpu.scan <sum>, %parallel_loop3A_193 masked %parallel_loop3A_195 : vector<16xi32>, vector<16xi1> -> vector<16xi32>
      %parallel_loop3A_197 = arith.constant 8 : i32
      %parallel_loop3A_198 = arith.muli %parallel_loop3A_120, %parallel_loop3A_197 : i32
      %parallel_loop3A_199 = arith.constant 5 : i32
      %parallel_loop3A_200 = arith.addi %parallel_loop3A_198, %parallel_loop3A_199 : i32
      %parallel_loop3A_201 = arith.constant 16 : i32
      %parallel_loop3A_202 = arith.muli %parallel_loop3A_200, %parallel_loop3A_201 : i32
      %parallel_loop3A_203 = arith.index_cast %parallel_loop3A_202 : i32 to index
      %parallel_loop3A_204 = tpu.vector_load %arg4[%parallel_loop3A_203] {strides = array<i32>} : memref<32768xf32, #tpu.memory_space<vmem>>, vector<16xf32>,
      %parallel_loop3A_205 = tpu.bitcast %parallel_loop3A_204 : vector<16xf32> -> vector<16xi32>
      %parallel_loop3A_206 = vector.broadcast %or3A_90 : i32 to vector<16xi32>
      %parallel_loop3A_207 = arith.cmpi eq, %parallel_loop3A_205, %parallel_loop3A_206 : vector<16xi32>
      %parallel_loop3A_208 = arith.extui %parallel_loop3A_207 : vector<16xi1> to vector<16xi32>
      %parallel_loop3A_209 = arith.constant true
      %parallel_loop3A_210 = vector.broadcast %parallel_loop3A_209 : i1 to vector<16xi1>
      %parallel_loop3A_211 = tpu.scan <sum>, %parallel_loop3A_208 masked %parallel_loop3A_210 : vector<16xi32>, vector<16xi1> -> vector<16xi32>
      %parallel_loop3A_212 = arith.constant 8 : i32
      %parallel_loop3A_213 = arith.muli %parallel_loop3A_120, %parallel_loop3A_212 : i32
      %parallel_loop3A_214 = arith.constant 6 : i32
      %parallel_loop3A_215 = arith.addi %parallel_loop3A_213, %parallel_loop3A_214 : i32
      %parallel_loop3A_216 = arith.constant 16 : i32
      %parallel_loop3A_217 = arith.muli %parallel_loop3A_215, %parallel_loop3A_216 : i32
      %parallel_loop3A_218 = arith.index_cast %parallel_loop3A_217 : i32 to index
      %parallel_loop3A_219 = tpu.vector_load %arg4[%parallel_loop3A_218] {strides = array<i32>} : memref<32768xf32, #tpu.memory_space<vmem>>, vector<16xf32>,
      %parallel_loop3A_220 = tpu.bitcast %parallel_loop3A_219 : vector<16xf32> -> vector<16xi32>
      %parallel_loop3A_221 = vector.broadcast %or3A_90 : i32 to vector<16xi32>
      %parallel_loop3A_222 = arith.cmpi eq, %parallel_loop3A_220, %parallel_loop3A_221 : vector<16xi32>
      %parallel_loop3A_223 = arith.extui %parallel_loop3A_222 : vector<16xi1> to vector<16xi32>
      %parallel_loop3A_224 = arith.constant true
      %parallel_loop3A_225 = vector.broadcast %parallel_loop3A_224 : i1 to vector<16xi1>
      %parallel_loop3A_226 = tpu.scan <sum>, %parallel_loop3A_223 masked %parallel_loop3A_225 : vector<16xi32>, vector<16xi1> -> vector<16xi32>
      %parallel_loop3A_227 = arith.constant 8 : i32
      %parallel_loop3A_228 = arith.muli %parallel_loop3A_120, %parallel_loop3A_227 : i32
      %parallel_loop3A_229 = arith.constant 7 : i32
      %parallel_loop3A_230 = arith.addi %parallel_loop3A_228, %parallel_loop3A_229 : i32
      %parallel_loop3A_231 = arith.constant 16 : i32
      %parallel_loop3A_232 = arith.muli %parallel_loop3A_230, %parallel_loop3A_231 : i32
      %parallel_loop3A_233 = arith.index_cast %parallel_loop3A_232 : i32 to index
      %parallel_loop3A_234 = tpu.vector_load %arg4[%parallel_loop3A_233] {strides = array<i32>} : memref<32768xf32, #tpu.memory_space<vmem>>, vector<16xf32>,
      %parallel_loop3A_235 = tpu.bitcast %parallel_loop3A_234 : vector<16xf32> -> vector<16xi32>
      %parallel_loop3A_236 = vector.broadcast %or3A_90 : i32 to vector<16xi32>
      %parallel_loop3A_237 = arith.cmpi eq, %parallel_loop3A_235, %parallel_loop3A_236 : vector<16xi32>
      %parallel_loop3A_238 = arith.extui %parallel_loop3A_237 : vector<16xi1> to vector<16xi32>
      %parallel_loop3A_239 = arith.constant true
      %parallel_loop3A_240 = vector.broadcast %parallel_loop3A_239 : i1 to vector<16xi1>
      %parallel_loop3A_241 = tpu.scan <sum>, %parallel_loop3A_238 masked %parallel_loop3A_240 : vector<16xi32>, vector<16xi1> -> vector<16xi32>
      %parallel_loop3A_242 = vector.broadcast %parallel_loop3A_121 : i32 to vector<16xi32>
      %parallel_loop3A_243 = arith.addi %parallel_loop3A_242, %parallel_loop3A_136 : vector<16xi32>
      %parallel_loop3A_244 = vector.broadcast %or3A_90 : i32 to vector<16xi32>
      %parallel_loop3A_245 = arith.cmpi slt, %parallel_loop3A_130, %parallel_loop3A_244 : vector<16xi32>
      %parallel_loop3A_246 = vector.broadcast %or3A_90 : i32 to vector<16xi32>
      %parallel_loop3A_247 = arith.cmpi eq, %parallel_loop3A_130, %parallel_loop3A_246 : vector<16xi32>
      %parallel_loop3A_248 = vector.broadcast %sub3A_87 : i32 to vector<16xi32>
      %parallel_loop3A_249 = arith.cmpi sle, %parallel_loop3A_243, %parallel_loop3A_248 : vector<16xi32>
      %parallel_loop3A_250 = arith.andi %parallel_loop3A_247, %parallel_loop3A_249 : vector<16xi1>
      %parallel_loop3A_251 = arith.ori %parallel_loop3A_245, %parallel_loop3A_250 : vector<16xi1>
      %parallel_loop3A_252 = arith.constant 0.000000e+00 : f32
      %parallel_loop3A_253 = vector.broadcast %parallel_loop3A_252 : f32 to vector<16xf32>
      %parallel_loop3A_254 = arith.select %parallel_loop3A_251, %parallel_loop3A_253, %parallel_loop3A_129 : vector<16xi1>, vector<16xf32>
      %parallel_loop3A_255 = arith.constant 8 : i32
      %parallel_loop3A_256 = arith.muli %parallel_loop3A_120, %parallel_loop3A_255 : i32
      %parallel_loop3A_257 = arith.constant 0 : i32
      %parallel_loop3A_258 = arith.addi %parallel_loop3A_256, %parallel_loop3A_257 : i32
      %parallel_loop3A_259 = arith.constant 16 : i32
      %parallel_loop3A_260 = arith.muli %parallel_loop3A_258, %parallel_loop3A_259 : i32
      %parallel_loop3A_261 = arith.index_cast %parallel_loop3A_260 : i32 to index
      %parallel_loop3A_262 = tpu.vector_load %arg4[%parallel_loop3A_261] {strides = array<i32>} : memref<32768xf32, #tpu.memory_space<vmem>>, vector<16xf32>,
      tpu.vector_store %arg4[%parallel_loop3A_261], %parallel_loop3A_254 {strides = array<i32>} : memref<32768xf32, #tpu.memory_space<vmem>>, vector<16xf32>,
      %parallel_loop3A_263 = vector.extract_strided_slice %parallel_loop3A_136 {offsets = [15], sizes = [1], strides = [1]} : vector<16xi32> to vector<1xi32>
      %parallel_loop3A_264 = vector.extract %parallel_loop3A_263[0] : i32 from vector<1xi32>
      %parallel_loop3A_265 = arith.addi %parallel_loop3A_121, %parallel_loop3A_264 : i32
      %parallel_loop3A_266 = vector.broadcast %parallel_loop3A_265 : i32 to vector<16xi32>
      %parallel_loop3A_267 = arith.addi %parallel_loop3A_266, %parallel_loop3A_151 : vector<16xi32>
      %parallel_loop3A_268 = vector.broadcast %or3A_90 : i32 to vector<16xi32>
      %parallel_loop3A_269 = arith.cmpi slt, %parallel_loop3A_145, %parallel_loop3A_268 : vector<16xi32>
      %parallel_loop3A_270 = vector.broadcast %or3A_90 : i32 to vector<16xi32>
      %parallel_loop3A_271 = arith.cmpi eq, %parallel_loop3A_145, %parallel_loop3A_270 : vector<16xi32>
      %parallel_loop3A_272 = vector.broadcast %sub3A_87 : i32 to vector<16xi32>
      %parallel_loop3A_273 = arith.cmpi sle, %parallel_loop3A_267, %parallel_loop3A_272 : vector<16xi32>
      %parallel_loop3A_274 = arith.andi %parallel_loop3A_271, %parallel_loop3A_273 : vector<16xi1>
      %parallel_loop3A_275 = arith.ori %parallel_loop3A_269, %parallel_loop3A_274 : vector<16xi1>
      %parallel_loop3A_276 = arith.constant 0.000000e+00 : f32
      %parallel_loop3A_277 = vector.broadcast %parallel_loop3A_276 : f32 to vector<16xf32>
      %parallel_loop3A_278 = arith.select %parallel_loop3A_275, %parallel_loop3A_277, %parallel_loop3A_144 : vector<16xi1>, vector<16xf32>
      %parallel_loop3A_279 = arith.constant 8 : i32
      %parallel_loop3A_280 = arith.muli %parallel_loop3A_120, %parallel_loop3A_279 : i32
      %parallel_loop3A_281 = arith.constant 1 : i32
      %parallel_loop3A_282 = arith.addi %parallel_loop3A_280, %parallel_loop3A_281 : i32
      %parallel_loop3A_283 = arith.constant 16 : i32
      %parallel_loop3A_284 = arith.muli %parallel_loop3A_282, %parallel_loop3A_283 : i32
      %parallel_loop3A_285 = arith.index_cast %parallel_loop3A_284 : i32 to index
      %parallel_loop3A_286 = tpu.vector_load %arg4[%parallel_loop3A_285] {strides = array<i32>} : memref<32768xf32, #tpu.memory_space<vmem>>, vector<16xf32>,
      tpu.vector_store %arg4[%parallel_loop3A_285], %parallel_loop3A_278 {strides = array<i32>} : memref<32768xf32, #tpu.memory_space<vmem>>, vector<16xf32>,
      %parallel_loop3A_287 = vector.extract_strided_slice %parallel_loop3A_151 {offsets = [15], sizes = [1], strides = [1]} : vector<16xi32> to vector<1xi32>
      %parallel_loop3A_288 = vector.extract %parallel_loop3A_287[0] : i32 from vector<1xi32>
      %parallel_loop3A_289 = arith.addi %parallel_loop3A_265, %parallel_loop3A_288 : i32
      %parallel_loop3A_290 = vector.broadcast %parallel_loop3A_289 : i32 to vector<16xi32>
      %parallel_loop3A_291 = arith.addi %parallel_loop3A_290, %parallel_loop3A_166 : vector<16xi32>
      %parallel_loop3A_292 = vector.broadcast %or3A_90 : i32 to vector<16xi32>
      %parallel_loop3A_293 = arith.cmpi slt, %parallel_loop3A_160, %parallel_loop3A_292 : vector<16xi32>
      %parallel_loop3A_294 = vector.broadcast %or3A_90 : i32 to vector<16xi32>
      %parallel_loop3A_295 = arith.cmpi eq, %parallel_loop3A_160, %parallel_loop3A_294 : vector<16xi32>
      %parallel_loop3A_296 = vector.broadcast %sub3A_87 : i32 to vector<16xi32>
      %parallel_loop3A_297 = arith.cmpi sle, %parallel_loop3A_291, %parallel_loop3A_296 : vector<16xi32>
      %parallel_loop3A_298 = arith.andi %parallel_loop3A_295, %parallel_loop3A_297 : vector<16xi1>
      %parallel_loop3A_299 = arith.ori %parallel_loop3A_293, %parallel_loop3A_298 : vector<16xi1>
      %parallel_loop3A_300 = arith.constant 0.000000e+00 : f32
      %parallel_loop3A_301 = vector.broadcast %parallel_loop3A_300 : f32 to vector<16xf32>
      %parallel_loop3A_302 = arith.select %parallel_loop3A_299, %parallel_loop3A_301, %parallel_loop3A_159 : vector<16xi1>, vector<16xf32>
      %parallel_loop3A_303 = arith.constant 8 : i32
      %parallel_loop3A_304 = arith.muli %parallel_loop3A_120, %parallel_loop3A_303 : i32
      %parallel_loop3A_305 = arith.constant 2 : i32
      %parallel_loop3A_306 = arith.addi %parallel_loop3A_304, %parallel_loop3A_305 : i32
      %parallel_loop3A_307 = arith.constant 16 : i32
      %parallel_loop3A_308 = arith.muli %parallel_loop3A_306, %parallel_loop3A_307 : i32
      %parallel_loop3A_309 = arith.index_cast %parallel_loop3A_308 : i32 to index
      %parallel_loop3A_310 = tpu.vector_load %arg4[%parallel_loop3A_309] {strides = array<i32>} : memref<32768xf32, #tpu.memory_space<vmem>>, vector<16xf32>,
      tpu.vector_store %arg4[%parallel_loop3A_309], %parallel_loop3A_302 {strides = array<i32>} : memref<32768xf32, #tpu.memory_space<vmem>>, vector<16xf32>,
      %parallel_loop3A_311 = vector.extract_strided_slice %parallel_loop3A_166 {offsets = [15], sizes = [1], strides = [1]} : vector<16xi32> to vector<1xi32>
      %parallel_loop3A_312 = vector.extract %parallel_loop3A_311[0] : i32 from vector<1xi32>
      %parallel_loop3A_313 = arith.addi %parallel_loop3A_289, %parallel_loop3A_312 : i32
      %parallel_loop3A_314 = vector.broadcast %parallel_loop3A_313 : i32 to vector<16xi32>
      %parallel_loop3A_315 = arith.addi %parallel_loop3A_314, %parallel_loop3A_181 : vector<16xi32>
      %parallel_loop3A_316 = vector.broadcast %or3A_90 : i32 to vector<16xi32>
      %parallel_loop3A_317 = arith.cmpi slt, %parallel_loop3A_175, %parallel_loop3A_316 : vector<16xi32>
      %parallel_loop3A_318 = vector.broadcast %or3A_90 : i32 to vector<16xi32>
      %parallel_loop3A_319 = arith.cmpi eq, %parallel_loop3A_175, %parallel_loop3A_318 : vector<16xi32>
      %parallel_loop3A_320 = vector.broadcast %sub3A_87 : i32 to vector<16xi32>
      %parallel_loop3A_321 = arith.cmpi sle, %parallel_loop3A_315, %parallel_loop3A_320 : vector<16xi32>
      %parallel_loop3A_322 = arith.andi %parallel_loop3A_319, %parallel_loop3A_321 : vector<16xi1>
      %parallel_loop3A_323 = arith.ori %parallel_loop3A_317, %parallel_loop3A_322 : vector<16xi1>
      %parallel_loop3A_324 = arith.constant 0.000000e+00 : f32
      %parallel_loop3A_325 = vector.broadcast %parallel_loop3A_324 : f32 to vector<16xf32>
      %parallel_loop3A_326 = arith.select %parallel_loop3A_323, %parallel_loop3A_325, %parallel_loop3A_174 : vector<16xi1>, vector<16xf32>
      %parallel_loop3A_327 = arith.constant 8 : i32
      %parallel_loop3A_328 = arith.muli %parallel_loop3A_120, %parallel_loop3A_327 : i32
      %parallel_loop3A_329 = arith.constant 3 : i32
      %parallel_loop3A_330 = arith.addi %parallel_loop3A_328, %parallel_loop3A_329 : i32
      %parallel_loop3A_331 = arith.constant 16 : i32
      %parallel_loop3A_332 = arith.muli %parallel_loop3A_330, %parallel_loop3A_331 : i32
      %parallel_loop3A_333 = arith.index_cast %parallel_loop3A_332 : i32 to index
      %parallel_loop3A_334 = tpu.vector_load %arg4[%parallel_loop3A_333] {strides = array<i32>} : memref<32768xf32, #tpu.memory_space<vmem>>, vector<16xf32>,
      tpu.vector_store %arg4[%parallel_loop3A_333], %parallel_loop3A_326 {strides = array<i32>} : memref<32768xf32, #tpu.memory_space<vmem>>, vector<16xf32>,
      %parallel_loop3A_335 = vector.extract_strided_slice %parallel_loop3A_181 {offsets = [15], sizes = [1], strides = [1]} : vector<16xi32> to vector<1xi32>
      %parallel_loop3A_336 = vector.extract %parallel_loop3A_335[0] : i32 from vector<1xi32>
      %parallel_loop3A_337 = arith.addi %parallel_loop3A_313, %parallel_loop3A_336 : i32
      %parallel_loop3A_338 = vector.broadcast %parallel_loop3A_337 : i32 to vector<16xi32>
      %parallel_loop3A_339 = arith.addi %parallel_loop3A_338, %parallel_loop3A_196 : vector<16xi32>
      %parallel_loop3A_340 = vector.broadcast %or3A_90 : i32 to vector<16xi32>
      %parallel_loop3A_341 = arith.cmpi slt, %parallel_loop3A_190, %parallel_loop3A_340 : vector<16xi32>
      %parallel_loop3A_342 = vector.broadcast %or3A_90 : i32 to vector<16xi32>
      %parallel_loop3A_343 = arith.cmpi eq, %parallel_loop3A_190, %parallel_loop3A_342 : vector<16xi32>
      %parallel_loop3A_344 = vector.broadcast %sub3A_87 : i32 to vector<16xi32>
      %parallel_loop3A_345 = arith.cmpi sle, %parallel_loop3A_339, %parallel_loop3A_344 : vector<16xi32>
      %parallel_loop3A_346 = arith.andi %parallel_loop3A_343, %parallel_loop3A_345 : vector<16xi1>
      %parallel_loop3A_347 = arith.ori %parallel_loop3A_341, %parallel_loop3A_346 : vector<16xi1>
      %parallel_loop3A_348 = arith.constant 0.000000e+00 : f32
      %parallel_loop3A_349 = vector.broadcast %parallel_loop3A_348 : f32 to vector<16xf32>
      %parallel_loop3A_350 = arith.select %parallel_loop3A_347, %parallel_loop3A_349, %parallel_loop3A_189 : vector<16xi1>, vector<16xf32>
      %parallel_loop3A_351 = arith.constant 8 : i32
      %parallel_loop3A_352 = arith.muli %parallel_loop3A_120, %parallel_loop3A_351 : i32
      %parallel_loop3A_353 = arith.constant 4 : i32
      %parallel_loop3A_354 = arith.addi %parallel_loop3A_352, %parallel_loop3A_353 : i32
      %parallel_loop3A_355 = arith.constant 16 : i32
      %parallel_loop3A_356 = arith.muli %parallel_loop3A_354, %parallel_loop3A_355 : i32
      %parallel_loop3A_357 = arith.index_cast %parallel_loop3A_356 : i32 to index
      %parallel_loop3A_358 = tpu.vector_load %arg4[%parallel_loop3A_357] {strides = array<i32>} : memref<32768xf32, #tpu.memory_space<vmem>>, vector<16xf32>,
      tpu.vector_store %arg4[%parallel_loop3A_357], %parallel_loop3A_350 {strides = array<i32>} : memref<32768xf32, #tpu.memory_space<vmem>>, vector<16xf32>,
      %parallel_loop3A_359 = vector.extract_strided_slice %parallel_loop3A_196 {offsets = [15], sizes = [1], strides = [1]} : vector<16xi32> to vector<1xi32>
      %parallel_loop3A_360 = vector.extract %parallel_loop3A_359[0] : i32 from vector<1xi32>
      %parallel_loop3A_361 = arith.addi %parallel_loop3A_337, %parallel_loop3A_360 : i32
      %parallel_loop3A_362 = vector.broadcast %parallel_loop3A_361 : i32 to vector<16xi32>
      %parallel_loop3A_363 = arith.addi %parallel_loop3A_362, %parallel_loop3A_211 : vector<16xi32>
      %parallel_loop3A_364 = vector.broadcast %or3A_90 : i32 to vector<16xi32>
      %parallel_loop3A_365 = arith.cmpi slt, %parallel_loop3A_205, %parallel_loop3A_364 : vector<16xi32>
      %parallel_loop3A_366 = vector.broadcast %or3A_90 : i32 to vector<16xi32>
      %parallel_loop3A_367 = arith.cmpi eq, %parallel_loop3A_205, %parallel_loop3A_366 : vector<16xi32>
      %parallel_loop3A_368 = vector.broadcast %sub3A_87 : i32 to vector<16xi32>
      %parallel_loop3A_369 = arith.cmpi sle, %parallel_loop3A_363, %parallel_loop3A_368 : vector<16xi32>
      %parallel_loop3A_370 = arith.andi %parallel_loop3A_367, %parallel_loop3A_369 : vector<16xi1>
      %parallel_loop3A_371 = arith.ori %parallel_loop3A_365, %parallel_loop3A_370 : vector<16xi1>
      %parallel_loop3A_372 = arith.constant 0.000000e+00 : f32
      %parallel_loop3A_373 = vector.broadcast %parallel_loop3A_372 : f32 to vector<16xf32>
      %parallel_loop3A_374 = arith.select %parallel_loop3A_371, %parallel_loop3A_373, %parallel_loop3A_204 : vector<16xi1>, vector<16xf32>
      %parallel_loop3A_375 = arith.constant 8 : i32
      %parallel_loop3A_376 = arith.muli %parallel_loop3A_120, %parallel_loop3A_375 : i32
      %parallel_loop3A_377 = arith.constant 5 : i32
      %parallel_loop3A_378 = arith.addi %parallel_loop3A_376, %parallel_loop3A_377 : i32
      %parallel_loop3A_379 = arith.constant 16 : i32
      %parallel_loop3A_380 = arith.muli %parallel_loop3A_378, %parallel_loop3A_379 : i32
      %parallel_loop3A_381 = arith.index_cast %parallel_loop3A_380 : i32 to index
      %parallel_loop3A_382 = tpu.vector_load %arg4[%parallel_loop3A_381] {strides = array<i32>} : memref<32768xf32, #tpu.memory_space<vmem>>, vector<16xf32>,
      tpu.vector_store %arg4[%parallel_loop3A_381], %parallel_loop3A_374 {strides = array<i32>} : memref<32768xf32, #tpu.memory_space<vmem>>, vector<16xf32>,
      %parallel_loop3A_383 = vector.extract_strided_slice %parallel_loop3A_211 {offsets = [15], sizes = [1], strides = [1]} : vector<16xi32> to vector<1xi32>
      %parallel_loop3A_384 = vector.extract %parallel_loop3A_383[0] : i32 from vector<1xi32>
      %parallel_loop3A_385 = arith.addi %parallel_loop3A_361, %parallel_loop3A_384 : i32
      %parallel_loop3A_386 = vector.broadcast %parallel_loop3A_385 : i32 to vector<16xi32>
      %parallel_loop3A_387 = arith.addi %parallel_loop3A_386, %parallel_loop3A_226 : vector<16xi32>
      %parallel_loop3A_388 = vector.broadcast %or3A_90 : i32 to vector<16xi32>
      %parallel_loop3A_389 = arith.cmpi slt, %parallel_loop3A_220, %parallel_loop3A_388 : vector<16xi32>
      %parallel_loop3A_390 = vector.broadcast %or3A_90 : i32 to vector<16xi32>
      %parallel_loop3A_391 = arith.cmpi eq, %parallel_loop3A_220, %parallel_loop3A_390 : vector<16xi32>
      %parallel_loop3A_392 = vector.broadcast %sub3A_87 : i32 to vector<16xi32>
      %parallel_loop3A_393 = arith.cmpi sle, %parallel_loop3A_387, %parallel_loop3A_392 : vector<16xi32>
      %parallel_loop3A_394 = arith.andi %parallel_loop3A_391, %parallel_loop3A_393 : vector<16xi1>
      %parallel_loop3A_395 = arith.ori %parallel_loop3A_389, %parallel_loop3A_394 : vector<16xi1>
      %parallel_loop3A_396 = arith.constant 0.000000e+00 : f32
      %parallel_loop3A_397 = vector.broadcast %parallel_loop3A_396 : f32 to vector<16xf32>
      %parallel_loop3A_398 = arith.select %parallel_loop3A_395, %parallel_loop3A_397, %parallel_loop3A_219 : vector<16xi1>, vector<16xf32>
      %parallel_loop3A_399 = arith.constant 8 : i32
      %parallel_loop3A_400 = arith.muli %parallel_loop3A_120, %parallel_loop3A_399 : i32
      %parallel_loop3A_401 = arith.constant 6 : i32
      %parallel_loop3A_402 = arith.addi %parallel_loop3A_400, %parallel_loop3A_401 : i32
      %parallel_loop3A_403 = arith.constant 16 : i32
      %parallel_loop3A_404 = arith.muli %parallel_loop3A_402, %parallel_loop3A_403 : i32
      %parallel_loop3A_405 = arith.index_cast %parallel_loop3A_404 : i32 to index
      %parallel_loop3A_406 = tpu.vector_load %arg4[%parallel_loop3A_405] {strides = array<i32>} : memref<32768xf32, #tpu.memory_space<vmem>>, vector<16xf32>,
      tpu.vector_store %arg4[%parallel_loop3A_405], %parallel_loop3A_398 {strides = array<i32>} : memref<32768xf32, #tpu.memory_space<vmem>>, vector<16xf32>,
      %parallel_loop3A_407 = vector.extract_strided_slice %parallel_loop3A_226 {offsets = [15], sizes = [1], strides = [1]} : vector<16xi32> to vector<1xi32>
      %parallel_loop3A_408 = vector.extract %parallel_loop3A_407[0] : i32 from vector<1xi32>
      %parallel_loop3A_409 = arith.addi %parallel_loop3A_385, %parallel_loop3A_408 : i32
      %parallel_loop3A_410 = vector.broadcast %parallel_loop3A_409 : i32 to vector<16xi32>
      %parallel_loop3A_411 = arith.addi %parallel_loop3A_410, %parallel_loop3A_241 : vector<16xi32>
      %parallel_loop3A_412 = vector.broadcast %or3A_90 : i32 to vector<16xi32>
      %parallel_loop3A_413 = arith.cmpi slt, %parallel_loop3A_235, %parallel_loop3A_412 : vector<16xi32>
      %parallel_loop3A_414 = vector.broadcast %or3A_90 : i32 to vector<16xi32>
      %parallel_loop3A_415 = arith.cmpi eq, %parallel_loop3A_235, %parallel_loop3A_414 : vector<16xi32>
      %parallel_loop3A_416 = vector.broadcast %sub3A_87 : i32 to vector<16xi32>
      %parallel_loop3A_417 = arith.cmpi sle, %parallel_loop3A_411, %parallel_loop3A_416 : vector<16xi32>
      %parallel_loop3A_418 = arith.andi %parallel_loop3A_415, %parallel_loop3A_417 : vector<16xi1>
      %parallel_loop3A_419 = arith.ori %parallel_loop3A_413, %parallel_loop3A_418 : vector<16xi1>
      %parallel_loop3A_420 = arith.constant 0.000000e+00 : f32
      %parallel_loop3A_421 = vector.broadcast %parallel_loop3A_420 : f32 to vector<16xf32>
      %parallel_loop3A_422 = arith.select %parallel_loop3A_419, %parallel_loop3A_421, %parallel_loop3A_234 : vector<16xi1>, vector<16xf32>
      %parallel_loop3A_423 = arith.constant 8 : i32
      %parallel_loop3A_424 = arith.muli %parallel_loop3A_120, %parallel_loop3A_423 : i32
      %parallel_loop3A_425 = arith.constant 7 : i32
      %parallel_loop3A_426 = arith.addi %parallel_loop3A_424, %parallel_loop3A_425 : i32
      %parallel_loop3A_427 = arith.constant 16 : i32
      %parallel_loop3A_428 = arith.muli %parallel_loop3A_426, %parallel_loop3A_427 : i32
      %parallel_loop3A_429 = arith.index_cast %parallel_loop3A_428 : i32 to index
      %parallel_loop3A_430 = tpu.vector_load %arg4[%parallel_loop3A_429] {strides = array<i32>} : memref<32768xf32, #tpu.memory_space<vmem>>, vector<16xf32>,
      tpu.vector_store %arg4[%parallel_loop3A_429], %parallel_loop3A_422 {strides = array<i32>} : memref<32768xf32, #tpu.memory_space<vmem>>, vector<16xf32>,
      %parallel_loop3A_431 = vector.extract_strided_slice %parallel_loop3A_241 {offsets = [15], sizes = [1], strides = [1]} : vector<16xi32> to vector<1xi32>
      %parallel_loop3A_432 = vector.extract %parallel_loop3A_431[0] : i32 from vector<1xi32>
      %parallel_loop3A_433 = arith.addi %parallel_loop3A_409, %parallel_loop3A_432 : i32
      scf.yield %parallel_loop3A_433 : i32
    } {sc.loop_unroll_factor = 1 : i64, sc.parallel_access}
    %dma_start3A_96 = arith.constant 0 : i32
    %dma_start3A_97 = tpu.memref_slice %arg4[%dma_start3A_96] : memref<32768xf32, #tpu.memory_space<vmem>> -> memref<16384xf32, #tpu.memory_space<vmem>>
    %dma_start3A_98 = arith.constant 0 : i32
    %dma_start3A_99 = tpu.memref_slice %arg3[%add3A, %dma_start3A_98] : memref<32x32768xf32, #tpu.memory_space<hbm>> -> memref<1x16384xf32, #tpu.memory_space<hbm>>
    %dma_start3A_100 = tpu.memref_squeeze %dma_start3A_99 : memref<1x16384xf32, #tpu.memory_space<hbm>> -> memref<16384xf32, #tpu.memory_space<hbm>>
    %dma_start3A_101 = arith.constant 0 : i32
    %dma_start3A_102 = tpu.memref_slice %arg3[%add3A, %dma_start3A_101] : memref<32x32768xf32, #tpu.memory_space<hbm>> -> memref<1x16384xf32, #tpu.memory_space<hbm>>
    %dma_start3A_103 = tpu.memref_squeeze %dma_start3A_102 : memref<1x16384xf32, #tpu.memory_space<hbm>> -> memref<16384xf32, #tpu.memory_space<hbm>>
    %dma_start3A_104 = arith.constant 0 : i32
    %dma_start3A_105 = tpu.memref_slice %arg4[%dma_start3A_104] : memref<32768xf32, #tpu.memory_space<vmem>> -> memref<16384xf32, #tpu.memory_space<vmem>>
    tpu.enqueue_dma source(%dma_start3A_105 : memref<16384xf32, #tpu.memory_space<vmem>>) target(%dma_start3A_103 : memref<16384xf32, #tpu.memory_space<hbm>>) target_semaphore(%arg6 : memref<!tpu.dma_semaphore, #tpu.memory_space<semaphore_mem>>)
    %parallel_loop3A_106 = arith.constant 128 : i32
    %parallel_loop3A_107 = arith.constant 256 : i32
    %parallel_loop3A_108 = arith.constant 1 : i32
    %parallel_loop3A_109 = scf.for %parallel_loop3A_120 = %parallel_loop3A_106 to %parallel_loop3A_107 step %parallel_loop3A_108 iter_args(%parallel_loop3A_121 = %parallel_loop3A_95) -> (i32)  : i32 {
      %parallel_loop3A_122 = arith.constant 8 : i32
      %parallel_loop3A_123 = arith.muli %parallel_loop3A_120, %parallel_loop3A_122 : i32
      %parallel_loop3A_124 = arith.constant 0 : i32
      %parallel_loop3A_125 = arith.addi %parallel_loop3A_123, %parallel_loop3A_124 : i32
      %parallel_loop3A_126 = arith.constant 16 : i32
      %parallel_loop3A_127 = arith.muli %parallel_loop3A_125, %parallel_loop3A_126 : i32
      %parallel_loop3A_128 = arith.index_cast %parallel_loop3A_127 : i32 to index
      %parallel_loop3A_129 = tpu.vector_load %arg4[%parallel_loop3A_128] {strides = array<i32>} : memref<32768xf32, #tpu.memory_space<vmem>>, vector<16xf32>,
      %parallel_loop3A_130 = tpu.bitcast %parallel_loop3A_129 : vector<16xf32> -> vector<16xi32>
      %parallel_loop3A_131 = vector.broadcast %or3A_90 : i32 to vector<16xi32>
      %parallel_loop3A_132 = arith.cmpi eq, %parallel_loop3A_130, %parallel_loop3A_131 : vector<16xi32>
      %parallel_loop3A_133 = arith.extui %parallel_loop3A_132 : vector<16xi1> to vector<16xi32>
      %parallel_loop3A_134 = arith.constant true
      %parallel_loop3A_135 = vector.broadcast %parallel_loop3A_134 : i1 to vector<16xi1>
      %parallel_loop3A_136 = tpu.scan <sum>, %parallel_loop3A_133 masked %parallel_loop3A_135 : vector<16xi32>, vector<16xi1> -> vector<16xi32>
      %parallel_loop3A_137 = arith.constant 8 : i32
      %parallel_loop3A_138 = arith.muli %parallel_loop3A_120, %parallel_loop3A_137 : i32
      %parallel_loop3A_139 = arith.constant 1 : i32
      %parallel_loop3A_140 = arith.addi %parallel_loop3A_138, %parallel_loop3A_139 : i32
      %parallel_loop3A_141 = arith.constant 16 : i32
      %parallel_loop3A_142 = arith.muli %parallel_loop3A_140, %parallel_loop3A_141 : i32
      %parallel_loop3A_143 = arith.index_cast %parallel_loop3A_142 : i32 to index
      %parallel_loop3A_144 = tpu.vector_load %arg4[%parallel_loop3A_143] {strides = array<i32>} : memref<32768xf32, #tpu.memory_space<vmem>>, vector<16xf32>,
      %parallel_loop3A_145 = tpu.bitcast %parallel_loop3A_144 : vector<16xf32> -> vector<16xi32>
      %parallel_loop3A_146 = vector.broadcast %or3A_90 : i32 to vector<16xi32>
      %parallel_loop3A_147 = arith.cmpi eq, %parallel_loop3A_145, %parallel_loop3A_146 : vector<16xi32>
      %parallel_loop3A_148 = arith.extui %parallel_loop3A_147 : vector<16xi1> to vector<16xi32>
      %parallel_loop3A_149 = arith.constant true
      %parallel_loop3A_150 = vector.broadcast %parallel_loop3A_149 : i1 to vector<16xi1>
      %parallel_loop3A_151 = tpu.scan <sum>, %parallel_loop3A_148 masked %parallel_loop3A_150 : vector<16xi32>, vector<16xi1> -> vector<16xi32>
      %parallel_loop3A_152 = arith.constant 8 : i32
      %parallel_loop3A_153 = arith.muli %parallel_loop3A_120, %parallel_loop3A_152 : i32
      %parallel_loop3A_154 = arith.constant 2 : i32
      %parallel_loop3A_155 = arith.addi %parallel_loop3A_153, %parallel_loop3A_154 : i32
      %parallel_loop3A_156 = arith.constant 16 : i32
      %parallel_loop3A_157 = arith.muli %parallel_loop3A_155, %parallel_loop3A_156 : i32
      %parallel_loop3A_158 = arith.index_cast %parallel_loop3A_157 : i32 to index
      %parallel_loop3A_159 = tpu.vector_load %arg4[%parallel_loop3A_158] {strides = array<i32>} : memref<32768xf32, #tpu.memory_space<vmem>>, vector<16xf32>,
      %parallel_loop3A_160 = tpu.bitcast %parallel_loop3A_159 : vector<16xf32> -> vector<16xi32>
      %parallel_loop3A_161 = vector.broadcast %or3A_90 : i32 to vector<16xi32>
      %parallel_loop3A_162 = arith.cmpi eq, %parallel_loop3A_160, %parallel_loop3A_161 : vector<16xi32>
      %parallel_loop3A_163 = arith.extui %parallel_loop3A_162 : vector<16xi1> to vector<16xi32>
      %parallel_loop3A_164 = arith.constant true
      %parallel_loop3A_165 = vector.broadcast %parallel_loop3A_164 : i1 to vector<16xi1>
      %parallel_loop3A_166 = tpu.scan <sum>, %parallel_loop3A_163 masked %parallel_loop3A_165 : vector<16xi32>, vector<16xi1> -> vector<16xi32>
      %parallel_loop3A_167 = arith.constant 8 : i32
      %parallel_loop3A_168 = arith.muli %parallel_loop3A_120, %parallel_loop3A_167 : i32
      %parallel_loop3A_169 = arith.constant 3 : i32
      %parallel_loop3A_170 = arith.addi %parallel_loop3A_168, %parallel_loop3A_169 : i32
      %parallel_loop3A_171 = arith.constant 16 : i32
      %parallel_loop3A_172 = arith.muli %parallel_loop3A_170, %parallel_loop3A_171 : i32
      %parallel_loop3A_173 = arith.index_cast %parallel_loop3A_172 : i32 to index
      %parallel_loop3A_174 = tpu.vector_load %arg4[%parallel_loop3A_173] {strides = array<i32>} : memref<32768xf32, #tpu.memory_space<vmem>>, vector<16xf32>,
      %parallel_loop3A_175 = tpu.bitcast %parallel_loop3A_174 : vector<16xf32> -> vector<16xi32>
      %parallel_loop3A_176 = vector.broadcast %or3A_90 : i32 to vector<16xi32>
      %parallel_loop3A_177 = arith.cmpi eq, %parallel_loop3A_175, %parallel_loop3A_176 : vector<16xi32>
      %parallel_loop3A_178 = arith.extui %parallel_loop3A_177 : vector<16xi1> to vector<16xi32>
      %parallel_loop3A_179 = arith.constant true
      %parallel_loop3A_180 = vector.broadcast %parallel_loop3A_179 : i1 to vector<16xi1>
      %parallel_loop3A_181 = tpu.scan <sum>, %parallel_loop3A_178 masked %parallel_loop3A_180 : vector<16xi32>, vector<16xi1> -> vector<16xi32>
      %parallel_loop3A_182 = arith.constant 8 : i32
      %parallel_loop3A_183 = arith.muli %parallel_loop3A_120, %parallel_loop3A_182 : i32
      %parallel_loop3A_184 = arith.constant 4 : i32
      %parallel_loop3A_185 = arith.addi %parallel_loop3A_183, %parallel_loop3A_184 : i32
      %parallel_loop3A_186 = arith.constant 16 : i32
      %parallel_loop3A_187 = arith.muli %parallel_loop3A_185, %parallel_loop3A_186 : i32
      %parallel_loop3A_188 = arith.index_cast %parallel_loop3A_187 : i32 to index
      %parallel_loop3A_189 = tpu.vector_load %arg4[%parallel_loop3A_188] {strides = array<i32>} : memref<32768xf32, #tpu.memory_space<vmem>>, vector<16xf32>,
      %parallel_loop3A_190 = tpu.bitcast %parallel_loop3A_189 : vector<16xf32> -> vector<16xi32>
      %parallel_loop3A_191 = vector.broadcast %or3A_90 : i32 to vector<16xi32>
      %parallel_loop3A_192 = arith.cmpi eq, %parallel_loop3A_190, %parallel_loop3A_191 : vector<16xi32>
      %parallel_loop3A_193 = arith.extui %parallel_loop3A_192 : vector<16xi1> to vector<16xi32>
      %parallel_loop3A_194 = arith.constant true
      %parallel_loop3A_195 = vector.broadcast %parallel_loop3A_194 : i1 to vector<16xi1>
      %parallel_loop3A_196 = tpu.scan <sum>, %parallel_loop3A_193 masked %parallel_loop3A_195 : vector<16xi32>, vector<16xi1> -> vector<16xi32>
      %parallel_loop3A_197 = arith.constant 8 : i32
      %parallel_loop3A_198 = arith.muli %parallel_loop3A_120, %parallel_loop3A_197 : i32
      %parallel_loop3A_199 = arith.constant 5 : i32
      %parallel_loop3A_200 = arith.addi %parallel_loop3A_198, %parallel_loop3A_199 : i32
      %parallel_loop3A_201 = arith.constant 16 : i32
      %parallel_loop3A_202 = arith.muli %parallel_loop3A_200, %parallel_loop3A_201 : i32
      %parallel_loop3A_203 = arith.index_cast %parallel_loop3A_202 : i32 to index
      %parallel_loop3A_204 = tpu.vector_load %arg4[%parallel_loop3A_203] {strides = array<i32>} : memref<32768xf32, #tpu.memory_space<vmem>>, vector<16xf32>,
      %parallel_loop3A_205 = tpu.bitcast %parallel_loop3A_204 : vector<16xf32> -> vector<16xi32>
      %parallel_loop3A_206 = vector.broadcast %or3A_90 : i32 to vector<16xi32>
      %parallel_loop3A_207 = arith.cmpi eq, %parallel_loop3A_205, %parallel_loop3A_206 : vector<16xi32>
      %parallel_loop3A_208 = arith.extui %parallel_loop3A_207 : vector<16xi1> to vector<16xi32>
      %parallel_loop3A_209 = arith.constant true
      %parallel_loop3A_210 = vector.broadcast %parallel_loop3A_209 : i1 to vector<16xi1>
      %parallel_loop3A_211 = tpu.scan <sum>, %parallel_loop3A_208 masked %parallel_loop3A_210 : vector<16xi32>, vector<16xi1> -> vector<16xi32>
      %parallel_loop3A_212 = arith.constant 8 : i32
      %parallel_loop3A_213 = arith.muli %parallel_loop3A_120, %parallel_loop3A_212 : i32
      %parallel_loop3A_214 = arith.constant 6 : i32
      %parallel_loop3A_215 = arith.addi %parallel_loop3A_213, %parallel_loop3A_214 : i32
      %parallel_loop3A_216 = arith.constant 16 : i32
      %parallel_loop3A_217 = arith.muli %parallel_loop3A_215, %parallel_loop3A_216 : i32
      %parallel_loop3A_218 = arith.index_cast %parallel_loop3A_217 : i32 to index
      %parallel_loop3A_219 = tpu.vector_load %arg4[%parallel_loop3A_218] {strides = array<i32>} : memref<32768xf32, #tpu.memory_space<vmem>>, vector<16xf32>,
      %parallel_loop3A_220 = tpu.bitcast %parallel_loop3A_219 : vector<16xf32> -> vector<16xi32>
      %parallel_loop3A_221 = vector.broadcast %or3A_90 : i32 to vector<16xi32>
      %parallel_loop3A_222 = arith.cmpi eq, %parallel_loop3A_220, %parallel_loop3A_221 : vector<16xi32>
      %parallel_loop3A_223 = arith.extui %parallel_loop3A_222 : vector<16xi1> to vector<16xi32>
      %parallel_loop3A_224 = arith.constant true
      %parallel_loop3A_225 = vector.broadcast %parallel_loop3A_224 : i1 to vector<16xi1>
      %parallel_loop3A_226 = tpu.scan <sum>, %parallel_loop3A_223 masked %parallel_loop3A_225 : vector<16xi32>, vector<16xi1> -> vector<16xi32>
      %parallel_loop3A_227 = arith.constant 8 : i32
      %parallel_loop3A_228 = arith.muli %parallel_loop3A_120, %parallel_loop3A_227 : i32
      %parallel_loop3A_229 = arith.constant 7 : i32
      %parallel_loop3A_230 = arith.addi %parallel_loop3A_228, %parallel_loop3A_229 : i32
      %parallel_loop3A_231 = arith.constant 16 : i32
      %parallel_loop3A_232 = arith.muli %parallel_loop3A_230, %parallel_loop3A_231 : i32
      %parallel_loop3A_233 = arith.index_cast %parallel_loop3A_232 : i32 to index
      %parallel_loop3A_234 = tpu.vector_load %arg4[%parallel_loop3A_233] {strides = array<i32>} : memref<32768xf32, #tpu.memory_space<vmem>>, vector<16xf32>,
      %parallel_loop3A_235 = tpu.bitcast %parallel_loop3A_234 : vector<16xf32> -> vector<16xi32>
      %parallel_loop3A_236 = vector.broadcast %or3A_90 : i32 to vector<16xi32>
      %parallel_loop3A_237 = arith.cmpi eq, %parallel_loop3A_235, %parallel_loop3A_236 : vector<16xi32>
      %parallel_loop3A_238 = arith.extui %parallel_loop3A_237 : vector<16xi1> to vector<16xi32>
      %parallel_loop3A_239 = arith.constant true
      %parallel_loop3A_240 = vector.broadcast %parallel_loop3A_239 : i1 to vector<16xi1>
      %parallel_loop3A_241 = tpu.scan <sum>, %parallel_loop3A_238 masked %parallel_loop3A_240 : vector<16xi32>, vector<16xi1> -> vector<16xi32>
      %parallel_loop3A_242 = vector.broadcast %parallel_loop3A_121 : i32 to vector<16xi32>
      %parallel_loop3A_243 = arith.addi %parallel_loop3A_242, %parallel_loop3A_136 : vector<16xi32>
      %parallel_loop3A_244 = vector.broadcast %or3A_90 : i32 to vector<16xi32>
      %parallel_loop3A_245 = arith.cmpi slt, %parallel_loop3A_130, %parallel_loop3A_244 : vector<16xi32>
      %parallel_loop3A_246 = vector.broadcast %or3A_90 : i32 to vector<16xi32>
      %parallel_loop3A_247 = arith.cmpi eq, %parallel_loop3A_130, %parallel_loop3A_246 : vector<16xi32>
      %parallel_loop3A_248 = vector.broadcast %sub3A_87 : i32 to vector<16xi32>
      %parallel_loop3A_249 = arith.cmpi sle, %parallel_loop3A_243, %parallel_loop3A_248 : vector<16xi32>
      %parallel_loop3A_250 = arith.andi %parallel_loop3A_247, %parallel_loop3A_249 : vector<16xi1>
      %parallel_loop3A_251 = arith.ori %parallel_loop3A_245, %parallel_loop3A_250 : vector<16xi1>
      %parallel_loop3A_252 = arith.constant 0.000000e+00 : f32
      %parallel_loop3A_253 = vector.broadcast %parallel_loop3A_252 : f32 to vector<16xf32>
      %parallel_loop3A_254 = arith.select %parallel_loop3A_251, %parallel_loop3A_253, %parallel_loop3A_129 : vector<16xi1>, vector<16xf32>
      %parallel_loop3A_255 = arith.constant 8 : i32
      %parallel_loop3A_256 = arith.muli %parallel_loop3A_120, %parallel_loop3A_255 : i32
      %parallel_loop3A_257 = arith.constant 0 : i32
      %parallel_loop3A_258 = arith.addi %parallel_loop3A_256, %parallel_loop3A_257 : i32
      %parallel_loop3A_259 = arith.constant 16 : i32
      %parallel_loop3A_260 = arith.muli %parallel_loop3A_258, %parallel_loop3A_259 : i32
      %parallel_loop3A_261 = arith.index_cast %parallel_loop3A_260 : i32 to index
      %parallel_loop3A_262 = tpu.vector_load %arg4[%parallel_loop3A_261] {strides = array<i32>} : memref<32768xf32, #tpu.memory_space<vmem>>, vector<16xf32>,
      tpu.vector_store %arg4[%parallel_loop3A_261], %parallel_loop3A_254 {strides = array<i32>} : memref<32768xf32, #tpu.memory_space<vmem>>, vector<16xf32>,
      %parallel_loop3A_263 = vector.extract_strided_slice %parallel_loop3A_136 {offsets = [15], sizes = [1], strides = [1]} : vector<16xi32> to vector<1xi32>
      %parallel_loop3A_264 = vector.extract %parallel_loop3A_263[0] : i32 from vector<1xi32>
      %parallel_loop3A_265 = arith.addi %parallel_loop3A_121, %parallel_loop3A_264 : i32
      %parallel_loop3A_266 = vector.broadcast %parallel_loop3A_265 : i32 to vector<16xi32>
      %parallel_loop3A_267 = arith.addi %parallel_loop3A_266, %parallel_loop3A_151 : vector<16xi32>
      %parallel_loop3A_268 = vector.broadcast %or3A_90 : i32 to vector<16xi32>
      %parallel_loop3A_269 = arith.cmpi slt, %parallel_loop3A_145, %parallel_loop3A_268 : vector<16xi32>
      %parallel_loop3A_270 = vector.broadcast %or3A_90 : i32 to vector<16xi32>
      %parallel_loop3A_271 = arith.cmpi eq, %parallel_loop3A_145, %parallel_loop3A_270 : vector<16xi32>
      %parallel_loop3A_272 = vector.broadcast %sub3A_87 : i32 to vector<16xi32>
      %parallel_loop3A_273 = arith.cmpi sle, %parallel_loop3A_267, %parallel_loop3A_272 : vector<16xi32>
      %parallel_loop3A_274 = arith.andi %parallel_loop3A_271, %parallel_loop3A_273 : vector<16xi1>
      %parallel_loop3A_275 = arith.ori %parallel_loop3A_269, %parallel_loop3A_274 : vector<16xi1>
      %parallel_loop3A_276 = arith.constant 0.000000e+00 : f32
      %parallel_loop3A_277 = vector.broadcast %parallel_loop3A_276 : f32 to vector<16xf32>
      %parallel_loop3A_278 = arith.select %parallel_loop3A_275, %parallel_loop3A_277, %parallel_loop3A_144 : vector<16xi1>, vector<16xf32>
      %parallel_loop3A_279 = arith.constant 8 : i32
      %parallel_loop3A_280 = arith.muli %parallel_loop3A_120, %parallel_loop3A_279 : i32
      %parallel_loop3A_281 = arith.constant 1 : i32
      %parallel_loop3A_282 = arith.addi %parallel_loop3A_280, %parallel_loop3A_281 : i32
      %parallel_loop3A_283 = arith.constant 16 : i32
      %parallel_loop3A_284 = arith.muli %parallel_loop3A_282, %parallel_loop3A_283 : i32
      %parallel_loop3A_285 = arith.index_cast %parallel_loop3A_284 : i32 to index
      %parallel_loop3A_286 = tpu.vector_load %arg4[%parallel_loop3A_285] {strides = array<i32>} : memref<32768xf32, #tpu.memory_space<vmem>>, vector<16xf32>,
      tpu.vector_store %arg4[%parallel_loop3A_285], %parallel_loop3A_278 {strides = array<i32>} : memref<32768xf32, #tpu.memory_space<vmem>>, vector<16xf32>,
      %parallel_loop3A_287 = vector.extract_strided_slice %parallel_loop3A_151 {offsets = [15], sizes = [1], strides = [1]} : vector<16xi32> to vector<1xi32>
      %parallel_loop3A_288 = vector.extract %parallel_loop3A_287[0] : i32 from vector<1xi32>
      %parallel_loop3A_289 = arith.addi %parallel_loop3A_265, %parallel_loop3A_288 : i32
      %parallel_loop3A_290 = vector.broadcast %parallel_loop3A_289 : i32 to vector<16xi32>
      %parallel_loop3A_291 = arith.addi %parallel_loop3A_290, %parallel_loop3A_166 : vector<16xi32>
      %parallel_loop3A_292 = vector.broadcast %or3A_90 : i32 to vector<16xi32>
      %parallel_loop3A_293 = arith.cmpi slt, %parallel_loop3A_160, %parallel_loop3A_292 : vector<16xi32>
      %parallel_loop3A_294 = vector.broadcast %or3A_90 : i32 to vector<16xi32>
      %parallel_loop3A_295 = arith.cmpi eq, %parallel_loop3A_160, %parallel_loop3A_294 : vector<16xi32>
      %parallel_loop3A_296 = vector.broadcast %sub3A_87 : i32 to vector<16xi32>
      %parallel_loop3A_297 = arith.cmpi sle, %parallel_loop3A_291, %parallel_loop3A_296 : vector<16xi32>
      %parallel_loop3A_298 = arith.andi %parallel_loop3A_295, %parallel_loop3A_297 : vector<16xi1>
      %parallel_loop3A_299 = arith.ori %parallel_loop3A_293, %parallel_loop3A_298 : vector<16xi1>
      %parallel_loop3A_300 = arith.constant 0.000000e+00 : f32
      %parallel_loop3A_301 = vector.broadcast %parallel_loop3A_300 : f32 to vector<16xf32>
      %parallel_loop3A_302 = arith.select %parallel_loop3A_299, %parallel_loop3A_301, %parallel_loop3A_159 : vector<16xi1>, vector<16xf32>
      %parallel_loop3A_303 = arith.constant 8 : i32
      %parallel_loop3A_304 = arith.muli %parallel_loop3A_120, %parallel_loop3A_303 : i32
      %parallel_loop3A_305 = arith.constant 2 : i32
      %parallel_loop3A_306 = arith.addi %parallel_loop3A_304, %parallel_loop3A_305 : i32
      %parallel_loop3A_307 = arith.constant 16 : i32
      %parallel_loop3A_308 = arith.muli %parallel_loop3A_306, %parallel_loop3A_307 : i32
      %parallel_loop3A_309 = arith.index_cast %parallel_loop3A_308 : i32 to index
      %parallel_loop3A_310 = tpu.vector_load %arg4[%parallel_loop3A_309] {strides = array<i32>} : memref<32768xf32, #tpu.memory_space<vmem>>, vector<16xf32>,
      tpu.vector_store %arg4[%parallel_loop3A_309], %parallel_loop3A_302 {strides = array<i32>} : memref<32768xf32, #tpu.memory_space<vmem>>, vector<16xf32>,
      %parallel_loop3A_311 = vector.extract_strided_slice %parallel_loop3A_166 {offsets = [15], sizes = [1], strides = [1]} : vector<16xi32> to vector<1xi32>
      %parallel_loop3A_312 = vector.extract %parallel_loop3A_311[0] : i32 from vector<1xi32>
      %parallel_loop3A_313 = arith.addi %parallel_loop3A_289, %parallel_loop3A_312 : i32
      %parallel_loop3A_314 = vector.broadcast %parallel_loop3A_313 : i32 to vector<16xi32>
      %parallel_loop3A_315 = arith.addi %parallel_loop3A_314, %parallel_loop3A_181 : vector<16xi32>
      %parallel_loop3A_316 = vector.broadcast %or3A_90 : i32 to vector<16xi32>
      %parallel_loop3A_317 = arith.cmpi slt, %parallel_loop3A_175, %parallel_loop3A_316 : vector<16xi32>
      %parallel_loop3A_318 = vector.broadcast %or3A_90 : i32 to vector<16xi32>
      %parallel_loop3A_319 = arith.cmpi eq, %parallel_loop3A_175, %parallel_loop3A_318 : vector<16xi32>
      %parallel_loop3A_320 = vector.broadcast %sub3A_87 : i32 to vector<16xi32>
      %parallel_loop3A_321 = arith.cmpi sle, %parallel_loop3A_315, %parallel_loop3A_320 : vector<16xi32>
      %parallel_loop3A_322 = arith.andi %parallel_loop3A_319, %parallel_loop3A_321 : vector<16xi1>
      %parallel_loop3A_323 = arith.ori %parallel_loop3A_317, %parallel_loop3A_322 : vector<16xi1>
      %parallel_loop3A_324 = arith.constant 0.000000e+00 : f32
      %parallel_loop3A_325 = vector.broadcast %parallel_loop3A_324 : f32 to vector<16xf32>
      %parallel_loop3A_326 = arith.select %parallel_loop3A_323, %parallel_loop3A_325, %parallel_loop3A_174 : vector<16xi1>, vector<16xf32>
      %parallel_loop3A_327 = arith.constant 8 : i32
      %parallel_loop3A_328 = arith.muli %parallel_loop3A_120, %parallel_loop3A_327 : i32
      %parallel_loop3A_329 = arith.constant 3 : i32
      %parallel_loop3A_330 = arith.addi %parallel_loop3A_328, %parallel_loop3A_329 : i32
      %parallel_loop3A_331 = arith.constant 16 : i32
      %parallel_loop3A_332 = arith.muli %parallel_loop3A_330, %parallel_loop3A_331 : i32
      %parallel_loop3A_333 = arith.index_cast %parallel_loop3A_332 : i32 to index
      %parallel_loop3A_334 = tpu.vector_load %arg4[%parallel_loop3A_333] {strides = array<i32>} : memref<32768xf32, #tpu.memory_space<vmem>>, vector<16xf32>,
      tpu.vector_store %arg4[%parallel_loop3A_333], %parallel_loop3A_326 {strides = array<i32>} : memref<32768xf32, #tpu.memory_space<vmem>>, vector<16xf32>,
      %parallel_loop3A_335 = vector.extract_strided_slice %parallel_loop3A_181 {offsets = [15], sizes = [1], strides = [1]} : vector<16xi32> to vector<1xi32>
      %parallel_loop3A_336 = vector.extract %parallel_loop3A_335[0] : i32 from vector<1xi32>
      %parallel_loop3A_337 = arith.addi %parallel_loop3A_313, %parallel_loop3A_336 : i32
      %parallel_loop3A_338 = vector.broadcast %parallel_loop3A_337 : i32 to vector<16xi32>
      %parallel_loop3A_339 = arith.addi %parallel_loop3A_338, %parallel_loop3A_196 : vector<16xi32>
      %parallel_loop3A_340 = vector.broadcast %or3A_90 : i32 to vector<16xi32>
      %parallel_loop3A_341 = arith.cmpi slt, %parallel_loop3A_190, %parallel_loop3A_340 : vector<16xi32>
      %parallel_loop3A_342 = vector.broadcast %or3A_90 : i32 to vector<16xi32>
      %parallel_loop3A_343 = arith.cmpi eq, %parallel_loop3A_190, %parallel_loop3A_342 : vector<16xi32>
      %parallel_loop3A_344 = vector.broadcast %sub3A_87 : i32 to vector<16xi32>
      %parallel_loop3A_345 = arith.cmpi sle, %parallel_loop3A_339, %parallel_loop3A_344 : vector<16xi32>
      %parallel_loop3A_346 = arith.andi %parallel_loop3A_343, %parallel_loop3A_345 : vector<16xi1>
      %parallel_loop3A_347 = arith.ori %parallel_loop3A_341, %parallel_loop3A_346 : vector<16xi1>
      %parallel_loop3A_348 = arith.constant 0.000000e+00 : f32
      %parallel_loop3A_349 = vector.broadcast %parallel_loop3A_348 : f32 to vector<16xf32>
      %parallel_loop3A_350 = arith.select %parallel_loop3A_347, %parallel_loop3A_349, %parallel_loop3A_189 : vector<16xi1>, vector<16xf32>
      %parallel_loop3A_351 = arith.constant 8 : i32
      %parallel_loop3A_352 = arith.muli %parallel_loop3A_120, %parallel_loop3A_351 : i32
      %parallel_loop3A_353 = arith.constant 4 : i32
      %parallel_loop3A_354 = arith.addi %parallel_loop3A_352, %parallel_loop3A_353 : i32
      %parallel_loop3A_355 = arith.constant 16 : i32
      %parallel_loop3A_356 = arith.muli %parallel_loop3A_354, %parallel_loop3A_355 : i32
      %parallel_loop3A_357 = arith.index_cast %parallel_loop3A_356 : i32 to index
      %parallel_loop3A_358 = tpu.vector_load %arg4[%parallel_loop3A_357] {strides = array<i32>} : memref<32768xf32, #tpu.memory_space<vmem>>, vector<16xf32>,
      tpu.vector_store %arg4[%parallel_loop3A_357], %parallel_loop3A_350 {strides = array<i32>} : memref<32768xf32, #tpu.memory_space<vmem>>, vector<16xf32>,
      %parallel_loop3A_359 = vector.extract_strided_slice %parallel_loop3A_196 {offsets = [15], sizes = [1], strides = [1]} : vector<16xi32> to vector<1xi32>
      %parallel_loop3A_360 = vector.extract %parallel_loop3A_359[0] : i32 from vector<1xi32>
      %parallel_loop3A_361 = arith.addi %parallel_loop3A_337, %parallel_loop3A_360 : i32
      %parallel_loop3A_362 = vector.broadcast %parallel_loop3A_361 : i32 to vector<16xi32>
      %parallel_loop3A_363 = arith.addi %parallel_loop3A_362, %parallel_loop3A_211 : vector<16xi32>
      %parallel_loop3A_364 = vector.broadcast %or3A_90 : i32 to vector<16xi32>
      %parallel_loop3A_365 = arith.cmpi slt, %parallel_loop3A_205, %parallel_loop3A_364 : vector<16xi32>
      %parallel_loop3A_366 = vector.broadcast %or3A_90 : i32 to vector<16xi32>
      %parallel_loop3A_367 = arith.cmpi eq, %parallel_loop3A_205, %parallel_loop3A_366 : vector<16xi32>
      %parallel_loop3A_368 = vector.broadcast %sub3A_87 : i32 to vector<16xi32>
      %parallel_loop3A_369 = arith.cmpi sle, %parallel_loop3A_363, %parallel_loop3A_368 : vector<16xi32>
      %parallel_loop3A_370 = arith.andi %parallel_loop3A_367, %parallel_loop3A_369 : vector<16xi1>
      %parallel_loop3A_371 = arith.ori %parallel_loop3A_365, %parallel_loop3A_370 : vector<16xi1>
      %parallel_loop3A_372 = arith.constant 0.000000e+00 : f32
      %parallel_loop3A_373 = vector.broadcast %parallel_loop3A_372 : f32 to vector<16xf32>
      %parallel_loop3A_374 = arith.select %parallel_loop3A_371, %parallel_loop3A_373, %parallel_loop3A_204 : vector<16xi1>, vector<16xf32>
      %parallel_loop3A_375 = arith.constant 8 : i32
      %parallel_loop3A_376 = arith.muli %parallel_loop3A_120, %parallel_loop3A_375 : i32
      %parallel_loop3A_377 = arith.constant 5 : i32
      %parallel_loop3A_378 = arith.addi %parallel_loop3A_376, %parallel_loop3A_377 : i32
      %parallel_loop3A_379 = arith.constant 16 : i32
      %parallel_loop3A_380 = arith.muli %parallel_loop3A_378, %parallel_loop3A_379 : i32
      %parallel_loop3A_381 = arith.index_cast %parallel_loop3A_380 : i32 to index
      %parallel_loop3A_382 = tpu.vector_load %arg4[%parallel_loop3A_381] {strides = array<i32>} : memref<32768xf32, #tpu.memory_space<vmem>>, vector<16xf32>,
      tpu.vector_store %arg4[%parallel_loop3A_381], %parallel_loop3A_374 {strides = array<i32>} : memref<32768xf32, #tpu.memory_space<vmem>>, vector<16xf32>,
      %parallel_loop3A_383 = vector.extract_strided_slice %parallel_loop3A_211 {offsets = [15], sizes = [1], strides = [1]} : vector<16xi32> to vector<1xi32>
      %parallel_loop3A_384 = vector.extract %parallel_loop3A_383[0] : i32 from vector<1xi32>
      %parallel_loop3A_385 = arith.addi %parallel_loop3A_361, %parallel_loop3A_384 : i32
      %parallel_loop3A_386 = vector.broadcast %parallel_loop3A_385 : i32 to vector<16xi32>
      %parallel_loop3A_387 = arith.addi %parallel_loop3A_386, %parallel_loop3A_226 : vector<16xi32>
      %parallel_loop3A_388 = vector.broadcast %or3A_90 : i32 to vector<16xi32>
      %parallel_loop3A_389 = arith.cmpi slt, %parallel_loop3A_220, %parallel_loop3A_388 : vector<16xi32>
      %parallel_loop3A_390 = vector.broadcast %or3A_90 : i32 to vector<16xi32>
      %parallel_loop3A_391 = arith.cmpi eq, %parallel_loop3A_220, %parallel_loop3A_390 : vector<16xi32>
      %parallel_loop3A_392 = vector.broadcast %sub3A_87 : i32 to vector<16xi32>
      %parallel_loop3A_393 = arith.cmpi sle, %parallel_loop3A_387, %parallel_loop3A_392 : vector<16xi32>
      %parallel_loop3A_394 = arith.andi %parallel_loop3A_391, %parallel_loop3A_393 : vector<16xi1>
      %parallel_loop3A_395 = arith.ori %parallel_loop3A_389, %parallel_loop3A_394 : vector<16xi1>
      %parallel_loop3A_396 = arith.constant 0.000000e+00 : f32
      %parallel_loop3A_397 = vector.broadcast %parallel_loop3A_396 : f32 to vector<16xf32>
      %parallel_loop3A_398 = arith.select %parallel_loop3A_395, %parallel_loop3A_397, %parallel_loop3A_219 : vector<16xi1>, vector<16xf32>
      %parallel_loop3A_399 = arith.constant 8 : i32
      %parallel_loop3A_400 = arith.muli %parallel_loop3A_120, %parallel_loop3A_399 : i32
      %parallel_loop3A_401 = arith.constant 6 : i32
      %parallel_loop3A_402 = arith.addi %parallel_loop3A_400, %parallel_loop3A_401 : i32
      %parallel_loop3A_403 = arith.constant 16 : i32
      %parallel_loop3A_404 = arith.muli %parallel_loop3A_402, %parallel_loop3A_403 : i32
      %parallel_loop3A_405 = arith.index_cast %parallel_loop3A_404 : i32 to index
      %parallel_loop3A_406 = tpu.vector_load %arg4[%parallel_loop3A_405] {strides = array<i32>} : memref<32768xf32, #tpu.memory_space<vmem>>, vector<16xf32>,
      tpu.vector_store %arg4[%parallel_loop3A_405], %parallel_loop3A_398 {strides = array<i32>} : memref<32768xf32, #tpu.memory_space<vmem>>, vector<16xf32>,
      %parallel_loop3A_407 = vector.extract_strided_slice %parallel_loop3A_226 {offsets = [15], sizes = [1], strides = [1]} : vector<16xi32> to vector<1xi32>
      %parallel_loop3A_408 = vector.extract %parallel_loop3A_407[0] : i32 from vector<1xi32>
      %parallel_loop3A_409 = arith.addi %parallel_loop3A_385, %parallel_loop3A_408 : i32
      %parallel_loop3A_410 = vector.broadcast %parallel_loop3A_409 : i32 to vector<16xi32>
      %parallel_loop3A_411 = arith.addi %parallel_loop3A_410, %parallel_loop3A_241 : vector<16xi32>
      %parallel_loop3A_412 = vector.broadcast %or3A_90 : i32 to vector<16xi32>
      %parallel_loop3A_413 = arith.cmpi slt, %parallel_loop3A_235, %parallel_loop3A_412 : vector<16xi32>
      %parallel_loop3A_414 = vector.broadcast %or3A_90 : i32 to vector<16xi32>
      %parallel_loop3A_415 = arith.cmpi eq, %parallel_loop3A_235, %parallel_loop3A_414 : vector<16xi32>
      %parallel_loop3A_416 = vector.broadcast %sub3A_87 : i32 to vector<16xi32>
      %parallel_loop3A_417 = arith.cmpi sle, %parallel_loop3A_411, %parallel_loop3A_416 : vector<16xi32>
      %parallel_loop3A_418 = arith.andi %parallel_loop3A_415, %parallel_loop3A_417 : vector<16xi1>
      %parallel_loop3A_419 = arith.ori %parallel_loop3A_413, %parallel_loop3A_418 : vector<16xi1>
      %parallel_loop3A_420 = arith.constant 0.000000e+00 : f32
      %parallel_loop3A_421 = vector.broadcast %parallel_loop3A_420 : f32 to vector<16xf32>
      %parallel_loop3A_422 = arith.select %parallel_loop3A_419, %parallel_loop3A_421, %parallel_loop3A_234 : vector<16xi1>, vector<16xf32>
      %parallel_loop3A_423 = arith.constant 8 : i32
      %parallel_loop3A_424 = arith.muli %parallel_loop3A_120, %parallel_loop3A_423 : i32
      %parallel_loop3A_425 = arith.constant 7 : i32
      %parallel_loop3A_426 = arith.addi %parallel_loop3A_424, %parallel_loop3A_425 : i32
      %parallel_loop3A_427 = arith.constant 16 : i32
      %parallel_loop3A_428 = arith.muli %parallel_loop3A_426, %parallel_loop3A_427 : i32
      %parallel_loop3A_429 = arith.index_cast %parallel_loop3A_428 : i32 to index
      %parallel_loop3A_430 = tpu.vector_load %arg4[%parallel_loop3A_429] {strides = array<i32>} : memref<32768xf32, #tpu.memory_space<vmem>>, vector<16xf32>,
      tpu.vector_store %arg4[%parallel_loop3A_429], %parallel_loop3A_422 {strides = array<i32>} : memref<32768xf32, #tpu.memory_space<vmem>>, vector<16xf32>,
      %parallel_loop3A_431 = vector.extract_strided_slice %parallel_loop3A_241 {offsets = [15], sizes = [1], strides = [1]} : vector<16xi32> to vector<1xi32>
      %parallel_loop3A_432 = vector.extract %parallel_loop3A_431[0] : i32 from vector<1xi32>
      %parallel_loop3A_433 = arith.addi %parallel_loop3A_409, %parallel_loop3A_432 : i32
      scf.yield %parallel_loop3A_433 : i32
    } {sc.loop_unroll_factor = 1 : i64, sc.parallel_access}
    %dma_wait3A_110 = arith.constant 0 : i32
    %dma_wait3A_111 = tpu.memref_slice %arg4[%dma_wait3A_110] : memref<32768xf32, #tpu.memory_space<vmem>> -> memref<16384xf32, #tpu.memory_space<vmem>>
    %dma_wait3A_112 = arith.constant 0 : i32
    %dma_wait3A_113 = tpu.memref_slice %arg3[%add3A, %dma_wait3A_112] : memref<32x32768xf32, #tpu.memory_space<hbm>> -> memref<1x16384xf32, #tpu.memory_space<hbm>>
    %dma_wait3A_114 = tpu.memref_squeeze %dma_wait3A_113 : memref<1x16384xf32, #tpu.memory_space<hbm>> -> memref<16384xf32, #tpu.memory_space<hbm>>
    %dma_wait3A_115 = arith.constant 0 : i32
    %dma_wait3A_116 = tpu.memref_slice %arg3[%add3A, %dma_wait3A_115] : memref<32x32768xf32, #tpu.memory_space<hbm>> -> memref<1x16384xf32, #tpu.memory_space<hbm>>
    %dma_wait3A_117 = tpu.memref_squeeze %dma_wait3A_116 : memref<1x16384xf32, #tpu.memory_space<hbm>> -> memref<16384xf32, #tpu.memory_space<hbm>>
    %dma_wait3A_118 = arith.constant 0 : i32
    %dma_wait3A_119 = tpu.memref_slice %arg4[%dma_wait3A_118] : memref<32768xf32, #tpu.memory_space<vmem>> -> memref<16384xf32, #tpu.memory_space<vmem>>
    tpu.wait_dma2 semaphore(%arg6 : memref<!tpu.dma_semaphore, #tpu.memory_space<semaphore_mem>>) src(%dma_wait3A_119 : memref<16384xf32, #tpu.memory_space<vmem>>) dst(%dma_wait3A_117 : memref<16384xf32, #tpu.memory_space<hbm>>)
    "tpu.region"() ({
      %run_scoped3A = tpu.sem_alloc : memref<!tpu.dma_semaphore, #tpu.memory_space<semaphore_mem>>
      %dma_start3A_120 = arith.constant 16384 : i32
      %dma_start3A_121 = tpu.memref_slice %arg4[%dma_start3A_120] : memref<32768xf32, #tpu.memory_space<vmem>> -> memref<16384xf32, #tpu.memory_space<vmem>>
      %dma_start3A_122 = arith.constant 16384 : i32
      %dma_start3A_123 = tpu.memref_slice %arg3[%add3A, %dma_start3A_122] : memref<32x32768xf32, #tpu.memory_space<hbm>> -> memref<1x16384xf32, #tpu.memory_space<hbm>>
      %dma_start3A_124 = tpu.memref_squeeze %dma_start3A_123 : memref<1x16384xf32, #tpu.memory_space<hbm>> -> memref<16384xf32, #tpu.memory_space<hbm>>
      %dma_start3A_125 = arith.constant 16384 : i32
      %dma_start3A_126 = tpu.memref_slice %arg3[%add3A, %dma_start3A_125] : memref<32x32768xf32, #tpu.memory_space<hbm>> -> memref<1x16384xf32, #tpu.memory_space<hbm>>
      %dma_start3A_127 = tpu.memref_squeeze %dma_start3A_126 : memref<1x16384xf32, #tpu.memory_space<hbm>> -> memref<16384xf32, #tpu.memory_space<hbm>>
      %dma_start3A_128 = arith.constant 16384 : i32
      %dma_start3A_129 = tpu.memref_slice %arg4[%dma_start3A_128] : memref<32768xf32, #tpu.memory_space<vmem>> -> memref<16384xf32, #tpu.memory_space<vmem>>
      tpu.enqueue_dma source(%dma_start3A_129 : memref<16384xf32, #tpu.memory_space<vmem>>) target(%dma_start3A_127 : memref<16384xf32, #tpu.memory_space<hbm>>) target_semaphore(%run_scoped3A : memref<!tpu.dma_semaphore, #tpu.memory_space<semaphore_mem>>)
      %dma_wait3A_130 = arith.constant 16384 : i32
      %dma_wait3A_131 = tpu.memref_slice %arg4[%dma_wait3A_130] : memref<32768xf32, #tpu.memory_space<vmem>> -> memref<16384xf32, #tpu.memory_space<vmem>>
      %dma_wait3A_132 = arith.constant 16384 : i32
      %dma_wait3A_133 = tpu.memref_slice %arg3[%add3A, %dma_wait3A_132] : memref<32x32768xf32, #tpu.memory_space<hbm>> -> memref<1x16384xf32, #tpu.memory_space<hbm>>
      %dma_wait3A_134 = tpu.memref_squeeze %dma_wait3A_133 : memref<1x16384xf32, #tpu.memory_space<hbm>> -> memref<16384xf32, #tpu.memory_space<hbm>>
      %dma_wait3A_135 = arith.constant 16384 : i32
      %dma_wait3A_136 = tpu.memref_slice %arg3[%add3A, %dma_wait3A_135] : memref<32x32768xf32, #tpu.memory_space<hbm>> -> memref<1x16384xf32, #tpu.memory_space<hbm>>
      %dma_wait3A_137 = tpu.memref_squeeze %dma_wait3A_136 : memref<1x16384xf32, #tpu.memory_space<hbm>> -> memref<16384xf32, #tpu.memory_space<hbm>>
      %dma_wait3A_138 = arith.constant 16384 : i32
      %dma_wait3A_139 = tpu.memref_slice %arg4[%dma_wait3A_138] : memref<32768xf32, #tpu.memory_space<vmem>> -> memref<16384xf32, #tpu.memory_space<vmem>>
      tpu.wait_dma2 semaphore(%run_scoped3A : memref<!tpu.dma_semaphore, #tpu.memory_space<semaphore_mem>>) src(%dma_wait3A_139 : memref<16384xf32, #tpu.memory_space<vmem>>) dst(%dma_wait3A_137 : memref<16384xf32, #tpu.memory_space<hbm>>)
      tpu.yield
    }) : () -> ()
    return
  }
}

</mosaic_0001>

<sc_bundles>
// kernel: kernel.3.cloned.1.call-start
scs
__scs_entry_jumppad:
0x0: {  	(pc) =	sbr.rel $0x88, $3  }
0x1: {  	(tag) =	ssettag $0x0;
	lr =	simm.s32 $0x1  }
0x2: {  	[smem:$0x3FA0] =	sst lr;
	_ =	strace $0xD0000000  }
0x3: {  	_ = 	snop  }
0x4: {  	_ = 	snop  }
0x5: {  	_ = 	snop  }
0x6: {  	_ = 	snop  }
0x7: {  	_ = 	snop  }
__scs_overlays_trampoline_lowered:
0x8: {  	[smem:$0x3FAF] =	sst s0  }
0x9: {  	[smem:$0x3FB0] =	sst s1  }
0xa: {  	[smem:$0x3FB1] =	sst s2  }
0xb: {  	[smem:$0x3FB2] =	sst s3  }
0xc: {  	[smem:$0x3FB3] =	sst s4  }
0xd: {  	[smem:$0x3FB4] =	sst s5  }
0xe: {  	[smem:$0x3FB5] =	sst s6  }
0xf: {  	[smem:$0x3FB6] =	sst s7  }
0x10: {  	[smem:$0x3FB7] =	sst s8  }
0x11: {  	[smem:$0x3FB8] =	sst s9;
	s0 =	simm.s32 @!p0 $0x0  }
0x12: {  	s1 =	sld [smem:$0x3F9E];
	s0 =	simm.s32 @p0 $0x1  }
0x13: {  	[smem:$0x3FB9] =	sst s0;
	s0 =	simm.s32 @!p1 $0x0  }
0x14: {  	s2 =	sld [smem:$0x3F9D];
	s0 =	simm.s32 @p1 $0x1  }
0x15: {  	[smem:$0x3FBA] =	sst s0;
	s0 =	simm.s32 @!p2 $0x0  }
0x16: {  	s3 =	sld [smem:$0x3FDB];
	s0 =	simm.s32 @p2 $0x1  }
0x17: {  	s4 =	simm.s32 $0x1BF5;
	[smem:$0x3FBC] =	sst s0  }
0x18: {  	s0 =	sld [smem:$0x3F9F];
	_ =	swait.ge [sflag:s4], $0x0  }
0x19: {  	s7 =	sld [smem:$0x3FA0]  }
0x1a: {  	s8 =	sadd.s32 $0xFFFFE003, lr  }
0x1b: {  	s9 =	sadd.s32 $0xFFFFFEF7, lr;
	s5 =	simm.s32 $0xFFFFFFFF;
	p2 =	slt.u32 s8, $0xFFFFF086  }
0x1c: {  	p1 =	slt.u32 s9, $0xF7A;
	s5 =	simm.s32 @!p2 $0x0  }
0x1d: {  	s5 =	simm.s32 @p1 $0x1;
	p0 =	seq.s32 s7, s2  }
0x1e: {  	s7 =	smul.u32 @!p0 $0xF7A, s2;
	p2 =	seq.s32 @!p0 s5, $0x0  }
0x1f: {  	s9 =	smul.u32 $0xF7A, s1;
	s8 =	simm.s32 @!p0 $0x1BF5;
	p2 =	por !p2, p0  }
0x20: {  	[sflag:s8] =	ssyncset.s32 @!p0 $0xFFFFF086;
	s6 =	sadd.s32 @!p0 s3, s7;
	s7 =	simm.s32 @!p0 $0x108  }
0x21: {  	s3 =	sadd.s32 s3, s9;
	s6 =	sadd.s32 @!p0 $0x88, s6;
	s7 =	simm.s32 @p2 $0x1082  }
0x22: {  	[simem:s7], [sflag:s8] =	dma.local @!p0 [hbm:s6], $0xF7A  }
0x23: {  	s9 =	sor.u32 $0xD0000000, s2;
	s6 =	simm.s32 $0x108;
	_ =	swait.ge @!p0 [sflag:s8], $0x0  }
0x24: {  	s3 =	sadd.s32 $0x88, s3;
	s6 =	simm.s32 @!p1 $0x1082;
	[sflag:s4] =	ssyncset.s32 $0xFFFFF086  }
0x25: {  	[simem:s6], [sflag:s4] =	dma.local [hbm:s3], $0xF7A  }
0x26: {  	[smem:$0x3FA0] =	sst s1;
	(tag) =	ssettag s2;
	_ =	strace s9  }
0x27: {  	s1 =	sld [smem:$0x3FB0]  }
0x28: {  	s2 =	sld [smem:$0x3FB1]  }
0x29: {  	s4 =	sld [smem:$0x3FB3]  }
0x2a: {  	p0 =	seq.s32 s5, $0x0;
	s5 =	sld [smem:$0x3FB4]  }
0x2b: {  	s6 =	sld [smem:$0x3FB5]  }
0x2c: {  	s7 =	sld [smem:$0x3FB6]  }
0x2d: {  	s3 =	simm.s32 $0x108;
	s8 =	sld [smem:$0x3FB7]  }
0x2e: {  	s3 =	simm.s32 @!p0 $0x1082;
	s9 =	sld [smem:$0x3FB8]  }
0x2f: {  	lr =	sadd.s32 s0, s3;
	s0 =	sld [smem:$0x3FAF]  }
0x30: {  	s3 =	sld [smem:$0x3FB2]  }
0x31: {  	[smem:$0x3FBB] =	sst s10  }
0x32: {  	s10 =	sld [smem:$0x3FB9];
	_ =	sdelay $0x3  }
0x33: {  	p0 =	seq.s32 s10, $0x1;
	s10 =	sld [smem:$0x3FBB];
	_ =	sdelay $0x3  }
0x34: {  	[smem:$0x3FBB] =	sst s10  }
0x35: {  	s10 =	sld [smem:$0x3FBA];
	_ =	sdelay $0x3  }
0x36: {  	p1 =	seq.s32 s10, $0x1;
	s10 =	sld [smem:$0x3FBB];
	_ =	sdelay $0x3  }
0x37: {  	[smem:$0x3FBB] =	sst s10  }
0x38: {  	s10 =	sld [smem:$0x3FBC]  }
0x39: {  	_ = 	snop;
	(pc) =	sbr.ind lr, $3  }
0x3a: {  	_ = 	snop  }
0x3b: {  	_ = 	snop  }
0x3c: {  	p2 =	seq.s32 s10, $0x1;
	s10 =	sld [smem:$0x3FBB]  }
0x3d: {  	_ =	shalt  }
0x3e: {  	_ =	shalt  }
0x3f: {  	_ =	shalt  }
0x40: {  	_ =	shalt  }
0x41: {  	_ =	shalt  }
0x42: {  	_ =	shalt  }
0x43: {  	_ =	shalt  }
0x44: {  	_ =	shalt  }
0x45: {  	_ =	shalt  }
0x46: {  	_ =	shalt  }
0x47: {  	_ =	shalt  }
0x48: {  	_ =	shalt  }
0x49: {  	_ =	shalt  }
0x4a: {  	_ =	shalt  }
0x4b: {  	_ =	shalt  }
0x4c: {  	_ =	shalt  }
0x4d: {  	_ =	shalt  }
0x4e: {  	_ =	shalt  }
0x4f: {  	_ =	shalt  }
0x50: {  	_ =	shalt  }
0x51: {  	_ =	shalt  }
0x52: {  	_ =	shalt  }
0x53: {  	_ =	shalt  }
0x54: {  	_ =	shalt  }
0x55: {  	_ =	shalt  }
0x56: {  	_ =	shalt  }
0x57: {  	_ =	shalt  }
0x58: {  	_ =	shalt  }
0x59: {  	_ =	shalt  }
0x5a: {  	_ =	shalt  }
0x5b: {  	_ =	shalt  }
0x5c: {  	_ =	shalt  }
0x5d: {  	_ =	shalt  }
0x5e: {  	_ =	shalt  }
0x5f: {  	_ =	shalt  }
0x60: {  	_ =	shalt  }
0x61: {  	_ =	shalt  }
0x62: {  	_ =	shalt  }
0x63: {  	_ =	shalt  }
0x64: {  	_ =	shalt  }
0x65: {  	_ =	shalt  }
0x66: {  	_ =	shalt  }
0x67: {  	_ =	shalt  }
0x68: {  	_ =	shalt  }
0x69: {  	_ =	shalt  }
0x6a: {  	_ =	shalt  }
0x6b: {  	_ =	shalt  }
0x6c: {  	_ =	shalt  }
0x6d: {  	_ =	shalt  }
0x6e: {  	_ =	shalt  }
0x6f: {  	_ =	shalt  }
0x70: {  	_ =	shalt  }
0x71: {  	_ =	shalt  }
0x72: {  	_ =	shalt  }
0x73: {  	_ =	shalt  }
0x74: {  	_ =	shalt  }
0x75: {  	_ =	shalt  }
0x76: {  	_ =	shalt  }
0x77: {  	_ =	shalt  }
0x78: {  	_ =	shalt  }
0x79: {  	_ =	shalt  }
0x7a: {  	_ =	shalt  }
0x7b: {  	_ =	shalt  }
0x7c: {  	_ =	shalt  }
0x7d: {  	_ =	shalt  }
0x7e: {  	_ =	shalt  }
0x7f: {  	_ =	shalt  }
0x80: {  	_ =	shalt  }
0x81: {  	_ =	shalt  }
0x82: {  	_ =	shalt  }
0x83: {  	_ =	shalt  }
0x84: {  	_ =	shalt  }
0x85: {  	_ =	shalt  }
0x86: {  	_ =	shalt  }
0x87: {  	_ =	shalt  }
.Lfunc_end0:
.L_simem_size_0:
called_computation_lowered:
.L_overlay_start_0:
0x88: {  	s2 =	sld [smem:$0x3FD9]  }
0x89: {  	s3 =	sld [smem:$0x3FFE];
	_ =	sdelay $0x1  }
0x8a: {  	s1 =	srdreg.scid  }
0x8b: {  	s0 =	sand.u32 $0x1, s1  }
0x8c: {  	s18 =	sshll.u32 s0, $0xA;
	s2 =	sadd.s32 s3, s2  }
0x8d: {  	s2 =	sadd.s32 s2, s18  }
0x8e: {  	[smem:$0x3FC7] =	sst s2  }
0x8f: {  	_ = 	snop  }
0x90: {  	s2 =	sld [smem:$0x3FC9]  }
0x91: {  	s19 =	sld [smem:$0x3FD0];
	(tm) =	ssettm $0x1  }
0x92: {  	s4 =	sld [smem:$0x3FFB];
	_ =	sdelay $0x3  }
0x93: {  	_ =	strace s4  }
0x94: {  	s4 =	sld [smem:$0x3FFC];
	_ =	sdelay $0x3  }
0x95: {  	_ =	strace s4  }
0x96: {  	s4 =	sld [smem:$0x3FFD];
	_ =	sdelay $0x3  }
0x97: {  	_ =	strace s4  }
0x98: {  	_ =	strace $0x8FFFFFFF  }
0x99: {  	s20 =	sld [smem:$0x3FDB];
	_ =	sdelay $0x1  }
0x9a: {  	s5 =	simm.s32 $_scs_section_size  }
0x9b: {  	s6 =	simm.s32 $_size__tile_overlayer_lowered;
	s7 =	simm.s32 $_tile_overlayer_lowered  }
0x9c: {  	s23 =	simm.s32 $0x1BFF;
	s22 =	sshll.u32 s7, $0x1;
	s4 =	sadd.s32 s5, s20  }
0x9d: {  	s8 =	simm.s32 $0x0;
	s21 =	sshll.u32 s6, $0x1;
	s6 =	sadd.s32 s22, s4  }
0x9e: {  	[timem:s8], [sflag:s23] =	dma.local [hbm:s6], s21  }
0x9f: {  	_ =	swait.ge [sflag:s23], s21  }
0xa0: {  	s5 =	ssub.s32 $0x0, s21;
	[sflag:s23] =	ssyncset.done $0x0  }
0xa1: {  	[sflag:s23] =	ssyncadd.s32 s5;
	_ =	sdelay $0x1  }
0xa2: {  	s24 =	simm.s32 $0x1B8B  }
0xa3: {  	_ =	swait.ge [sflag:s24], $0x1  }
0xa4: {  	[sflag:s24] =	ssyncset.done $0x0  }
0xa5: {  	s25 =	simm.s32 $0x1B8E;
	[sflag:s24] =	ssyncadd.s32 $0xFFFFFFFF  }
0xa6: {  	s26 =	simm.s32 $execute0_lowered;
	[smem:$0x3FD2] =	sst s25  }
0xa7: {  	s5 =	sshll.u32 s26, $0x1;
	_ =	strace $0x80000046;
	[dreg:$0x1] =	wrdreg $0xFFFFFFFF  }
0xa8: {  	s28 =	simm.s32 $_size_execute0_lowered;
	s4 =	sadd.s32 s4, s5;
	[dreg:$0x0] =	wrdreg $0x0  }
0xa9: {  	s5 =	sshll.u32 s28, $0x1;
	[dreg:$0x2] =	wrdreg s4  }
0xaa: {  	[dreg:$0x3] =	wrdreg s5  }
0xab: {  	[dreg:$0x4] =	wrdreg $0xC0  }
0xac: {  	_ =	task [dreg:s8], $0x5FFFF  }
0xad: {  	[dreg:$0x1] =	wrdreg $0xFFFFFFFF  }
0xae: {  	[dreg:$0x0] =	wrdreg $0x60  }
0xaf: {  	[dreg:$0x2] =	wrdreg s2  }
0xb0: {  	[dreg:$0x3] =	wrdreg s19  }
0xb1: {  	[dreg:$0x4] =	wrdreg $0x9  }
0xb2: {  	_ =	task.clear_ibuf [dreg:s8], $0x5FFFF;
	_ =	strace $0x90000046  }
0xb3: {  	s29 =	simm.s32 $0x9;
	_ =	strace $0x80000048  }
0xb4: {  	_ =	swait.ge [sflag:s29], $0x1  }
0xb5: {  	[sflag:s29] =	ssyncadd.s32 $0xFFFFFFFF  }
0xb6: {  	_ =	strace $0x90000048  }
0xb7: {  	_ =	sfence  }
0xb8: {  	s30 =	sld [smem:$0x0];
	_ =	sdelay $0x2  }
0xb9: {  	s31 =	sshll.u32 s1, $0xD;
	s1 =	sshrl.u32 s1, $0x2  }
0xba: {  	s3 =	sand.u32 $0x4000, s31;
	s1 =	sadd.s32 s1, s30  }
0xbb: {  	s0 =	sor.u32 s3, s0;
	s1 =	sshll.u32 s1, $0x11  }
0xbc: {  	s0 =	sor.u32 s1, s0  }
0xbd: {  	s0 =	sadd.s32 $0x8F2B, s0  }
0xbe: {  	[sflag:s0] =	ssyncadd.remote.s32 $0x1  }
0xbf: {  	_ =	sfence.sel $0xFFFF  }
0xc0: {  	[dreg:$0x0] =	wrdreg $0xFFFFFFFF;
	(pc) =	sbr.abs _section_cstart, $3  }
0xc1: {  	[dreg:$0x1] =	wrdreg $0xFFFFFFFF  }
0xc2: {  	_ =	task.clear_ibuf [dreg:s8], $0x2FFFF;
	_ =	strace $0x9FFFFFFF  }
0xc3: {  	(tm) =	ssettm $0x7FFFFFFF  }
tec
execute0_lowered:
.L_overlay_start_1:
0x0: {  	(tag) =	ssettag $0x1  }
0x1: {  	v0 =	vimm.s32 $0xBAAB9889  }
0x2: {  	v1 =	vimm.s32 $0xFEEFDCCD;
	vm0 =	vcmask $0x1F10;
	v2 =	vimm.s32 $0x76675445  }
0x3: {  	v3 =	vimm.s32 $0xB9A89B8A;
	v4 =	vimm.s32 $0xFDECDFCE;
	v5 =	vimm.s32 $0x31201302  }
0x4: {  	v6 =	vimm.s32 $0x75645746;
	v10 =	vimm.s32 $0xFAEBD8C9;
	v12 =	vimm.s32 $0x7F6E5D4C  }
0x5: {  	v13 =	vimm.s32 $0xB2A39081;
	v14 =	vimm.s32 $0xF6E7D4C5;
	v16 =	vimm.s32 $0x7B6A5948  }
0x6: {  	v17 =	vimm.s32 $0xB6A79485;
	v0 =	vunpack.c.0.s8.s32 v0;
	v1 =	vunpack.c.0.s8.s32 v1  }
0x7: {  	v18 =	vimm.s32 $0xF2E3D0C1;
	v19 =	vimm.s32 $0x79685B4A;
	v62 =	vlaneseq.u32  }
0x8: {  	v2 =	vunpack.c.0.s8.s32 v2;
	v0 =	vsel vm0, v1, v0;
	v1 =	vimm.s32 $0x32231001  }
0x9: {  	v3 =	vunpack.c.0.s8.s32 v3;
	v4 =	vunpack.c.0.s8.s32 v4;
	v1 =	vunpack.c.0.s8.s32 v1  }
0xa: {  	v10 =	vunpack.c.0.s8.s32 v10;
	v12 =	vunpack.c.0.s8.s32 v12;
	v16 =	vunpack.c.0.s8.s32 v16  }
0xb: {  	v3 =	vsel vm0, v4, v3;
	v4 =	vimm.s32 $0xB8A99A8B;
	v1 =	vsel vm0, v2, v1  }
0xc: {  	v2 =	vunpack.c.0.s8.s32 v5;
	v5 =	vunpack.c.0.s8.s32 v6;
	v6 =	vimm.s32 $0xFCEDDECF  }
0xd: {  	v49 =	vunpack.c.0.s8.s32 v18;
	v7 =	vunpack.c.0.s8.s32 v4;
	v6 =	vunpack.c.0.s8.s32 v6  }
0xe: {  	v4 =	vcombine.low v1, v0;
	v1 =	vimm.s32 $0x30211203;
	v2 =	vsel vm0, v5, v2  }
0xf: {  	v19 =	vunpack.c.0.s8.s32 v19;
	v1 =	vunpack.c.0.s8.s32 v1;
	v5 =	vcombine.low v2, v3  }
0x10: {  	v0 =	vsel vm0, v6, v7;
	v2 =	vimm.s32 $0x74655647;
	v3 =	vimm.s32 $0xBFAE9D8C  }
0x11: {  	v6 =	vimm.s32 $0xFBEAD9C8;
	v7 =	vimm.s32 $0x37261504;
	v2 =	vunpack.c.0.s8.s32 v2  }
0x12: {  	v3 =	vunpack.c.0.s8.s32 v3;
	v8 =	vunpack.c.0.s8.s32 v6;
	v6 =	vimm.s32 $0x73625140  }
0x13: {  	v7 =	vunpack.c.0.s8.s32 v7;
	v9 =	vunpack.c.0.s8.s32 v6;
	v6 =	vimm.s32 $0xBEAF9C8D  }
0x14: {  	v53 =	vmul.u32 $0x11, v62;
	v1 =	vsel vm0, v2, v1;
	v2 =	vunpack.c.0.s8.s32 v6  }
0x15: {  	v6 =	vcombine.low v1, v0;
	v0 =	vsel vm0, v8, v3;
	v1 =	vsel vm0, v9, v7  }
0x16: {  	v3 =	vimm.s32 $0xBDAC9F8E;
	v8 =	vimm.s32 $0xF9E8DBCA;
	v7 =	vcombine.low v1, v0  }
0x17: {  	v0 =	vsel vm0, v10, v2;
	v1 =	vimm.s32 $0x36271405;
	v2 =	vimm.s32 $0x72635041  }
0x18: {  	v9 =	vimm.s32 $0x35241706;
	v1 =	vunpack.c.0.s8.s32 v1;
	v2 =	vunpack.c.0.s8.s32 v2  }
0x19: {  	v3 =	vunpack.c.0.s8.s32 v3;
	v8 =	vunpack.c.0.s8.s32 v8;
	v10 =	vimm.s32 $0x71605342  }
0x1a: {  	v1 =	vsel vm0, v2, v1;
	v2 =	vunpack.c.0.s8.s32 v9;
	v9 =	vunpack.c.0.s8.s32 v10  }
0x1b: {  	v58 =	vmul.u32 $0xF, v62;
	v3 =	vsel vm0, v8, v3;
	v8 =	vimm.s32 $0xBCAD9E8F  }
0x1c: {  	v10 =	vimm.s32 $0xF8E9DACB;
	v8 =	vunpack.c.0.s8.s32 v8;
	v2 =	vsel vm0, v9, v2  }
0x1d: {  	v9 =	vunpack.c.0.s8.s32 v10;
	v10 =	vcombine.low v1, v0;
	v1 =	vimm.s32 $0x34251607  }
0x1e: {  	v11 =	vcombine.low v2, v3;
	v2 =	vimm.s32 $0x70615243;
	v1 =	vunpack.c.0.s8.s32 v1  }
0x1f: {  	v3 =	vimm.s32 $0xB3A29180;
	v0 =	vsel vm0, v9, v8;
	v2 =	vunpack.c.0.s8.s32 v2  }
0x20: {  	v3 =	vunpack.c.0.s8.s32 v3;
	v8 =	vimm.s32 $0xF7E6D5C4;
	v9 =	vimm.s32 $0x3B2A1908  }
0x21: {  	v8 =	vunpack.c.0.s8.s32 v8;
	v9 =	vunpack.c.0.s8.s32 v9;
	v1 =	vsel vm0, v2, v1  }
0x22: {  	v2 =	vunpack.c.0.s8.s32 v13;
	v13 =	vunpack.c.0.s8.s32 v14;
	v14 =	vcombine.low v1, v0  }
0x23: {  	v0 =	vsel vm0, v8, v3;
	v1 =	vsel vm0, v12, v9;
	v3 =	vimm.s32 $0xB1A09382  }
0x24: {  	v8 =	vimm.s32 $0xF5E4D7C6;
	v9 =	vimm.s32 $0x39281B0A;
	v12 =	vcombine.low v1, v0  }
0x25: {  	v0 =	vsel vm0, v13, v2;
	v1 =	vimm.s32 $0x3A2B1809;
	v2 =	vimm.s32 $0x7E6F5C4D  }
0x26: {  	v3 =	vunpack.c.0.s8.s32 v3;
	v1 =	vunpack.c.0.s8.s32 v1;
	v2 =	vunpack.c.0.s8.s32 v2  }
0x27: {  	v8 =	vunpack.c.0.s8.s32 v8;
	v13 =	vimm.s32 $0x7D6C5F4E;
	v55 =	vand.u32 $0xFF, v14  }
0x28: {  	v1 =	vsel vm0, v2, v1;
	v2 =	vunpack.c.0.s8.s32 v9;
	v9 =	vunpack.c.0.s8.s32 v13  }
0x29: {  	v3 =	vsel vm0, v8, v3;
	v8 =	vimm.s32 $0xB0A19283;
	v59 =	vand.u32 $0xFF, v12  }
0x2a: {  	v13 =	vimm.s32 $0xF4E5D6C7;
	v8 =	vunpack.c.0.s8.s32 v8;
	v2 =	vsel vm0, v9, v2  }
0x2b: {  	v9 =	vunpack.c.0.s8.s32 v13;
	v13 =	vcombine.low v1, v0;
	v1 =	vimm.s32 $0x38291A0B  }
0x2c: {  	v15 =	vcombine.low v2, v3;
	v2 =	vimm.s32 $0x7C6D5E4F;
	v1 =	vunpack.c.0.s8.s32 v1  }
0x2d: {  	v3 =	vimm.s32 $0xB7A69584;
	v0 =	vsel vm0, v9, v8;
	v2 =	vunpack.c.0.s8.s32 v2  }
0x2e: {  	s3 =	rddreg [dreg:$0x0];
	v3 =	vunpack.c.0.s8.s32 v3;
	v8 =	vimm.s32 $0xF3E2D1C0;
	v9 =	vimm.s32 $0x3F2E1D0C  }
0x2f: {  	s4 =	rddreg [dreg:$0x1];
	s2 =	simm.s32 $0x0;
	v13 =	vand.u32 $0xFF, v13;
	v8 =	vunpack.c.0.s8.s32 v8;
	v9 =	vunpack.c.0.s8.s32 v9  }
0x30: {  	[smem:$0x7FF] =	sst s2;
	v60 =	vand.u32 $0xFF, v15;
	v1 =	vsel vm0, v2, v1;
	v2 =	vunpack.c.0.s8.s32 v17  }
0x31: {  	s0 =	rddreg [dreg:$0x2];
	_ =	strace $0x80000047;
	[tilespmem:$0x1FF00] =	vst v53;
	v50 =	vcombine.low v1, v0;
	v0 =	vsel vm0, v8, v3;
	v1 =	vsel vm0, v16, v9  }
0x32: {  	[tilespmem:$0x1FF20] =	vst v55;
	v9 =	vimm.s32 $0x3D2C1F0E;
	v16 =	vcombine.low v1, v0;
	v17 =	vsel vm0, v49, v2  }
0x33: {  	[tilespmem:$0x1FF30] =	vst v59;
	v0 =	vimm.s32 $0x3E2F1C0D;
	v2 =	vimm.s32 $0xB5A49786;
	v9 =	vunpack.c.0.s8.s32 v9  }
0x34: {  	[tilespmem:$0x1FFF0] =	vst v13;
	v1 =	vunpack.c.0.s8.s32 v0;
	v0 =	vimm.s32 $0x7A6B5849;
	v2 =	vunpack.c.0.s8.s32 v2  }
0x35: {  	[tilespmem:$0x1FFB0] =	vst v60;
	v61 =	vand.u32 $0xFF, v50;
	v3 =	vunpack.c.0.s8.s32 v0;
	v0 =	vimm.s32 $0xF1E0D3C2  }
0x36: {  	v19 =	vsel vm0, v19, v9;
	v9 =	vand.u32 $0xFF, v11;
	[tilespmem:$0x1FF40] =	vst v61;
	v8 =	vunpack.c.0.s8.s32 v0  }
0x37: {  	[tilespmem:$0x1FF10] =	vst v9;
	v20 =	vsel vm0, v3, v1;
	v1 =	vand.u32 $0xFF, v4;
	v4 =	vadd.s32 $0xF, v58  }
0x38: {  	[tilespmem:$0x1FF80] =	vst v4  }
0x39: {  	s5 =	srdreg.scid;
	s1 =	stileid.u32;
	s9 =	simm.s32 $0x1;
	v21 =	vsel vm0, v8, v2;
	v8 =	vand.u32 $0xFF, v7;
	v7 =	vand.u32 $0xFF, v16;
	[tilespmem:$0x1FFE0] =	vst v1  }
0x3a: {  	s10 =	simm.s32 $0x8000;
	s11 =	simm.s32 $0x4000;
	s12 =	simm.s32 $0x2;
	v2 =	vand.u32 $0xFF, v5;
	[tilespmem:$0x1FF50] =	vst v7  }
0x3b: {  	s13 =	simm.s32 $0x0;
	s5 =	sand.u32 $0x1, s5;
	s6 =	sshll.u32 s1, $0x5;
	v5 =	vand.u32 $0xFF, v10;
	v17 =	vcombine.low v20, v17;
	[tilespmem:$0x1FF90] =	vst v2  }
0x3c: {  	s7 =	sshll.u32 s1, $0xD;
	s8 =	sshll.u32 s5, $0x4;
	s6 =	sand.u32 $0x60, s6;
	v19 =	vcombine.low v19, v21;
	v12 =	vmov v5;
	[tilespmem:$0x1FFC0] =	vst v8  }
0x3d: {  	s5 =	ssub.s32 $0x2, s5;
	s7 =	sand.u32 $0x18000, s7;
	s6 =	sor.u32 s8, s6;
	v3 =	vand.u32 $0xFF, v6;
	v11 =	vand.u32 $0xFF, v17;
	[tilespmem:$0x1FFD0] =	vst v12  }
0x3e: {  	s30 =	sshrl.u32 s5, $0x1;
	s8 =	simm.s32 $0x400;
	s6 =	sor.u32 s7, s6;
	v5 =	vmov v3;
	v3 =	vand.u32 $0xFF, v19;
	[tilespmem:$0x1FF60] =	vst v11  }
0x3f: {  	s31 =	ssub.s32 s5, s30;
	s7 =	simm.s32 $0x80;
	s4 =	sadd.s32 s4, s6;
	[tilespmem:$0x1FF70] =	vst v3  }
0x40: {  	v63 =	vimm.s32 $0x1;
	s3 =	sadd.s32 s3, s6;
	s6 =	smax.u32 s31, $0x1;
	s5 =	sadd.s32 $0x4000, s4;
	v0 =	vimm.s32 $0x0;
	v14 =	vmovc v1;
	v6 =	vmov v2;
	[tilespmem:$0x1FFA0] =	vst v5  }
.LBB2_1:
0x41: {  	[tilespmem:s2], [sflag:$0x1] =	stream.strided.gather [hbm4b:s3+s7], $0x8000, s8, s7, $0x38;
	[tilespmem:$0xC000] =	vst v63  }
0x42: {  	s14 =	simm.s32 $0x8040  }
0x43: {  	[tilespmem:s14+$0xFFFFFFC0] =	vst v0  }
0x44: {  	[tilespmem:s14+$0x30] =	vst v0  }
0x45: {  	[tilespmem:s14+$0x20] =	vst v0  }
0x46: {  	[tilespmem:s14+$0x10] =	vst v0  }
0x47: {  	[tilespmem:s14+$0x0] =	vst v0  }
0x48: {  	[tilespmem:s14+$0xFFFFFFF0] =	vst v0  }
0x49: {  	s15 =	simm.s32 $0x0;
	[tilespmem:s14+$0xFFFFFFE0] =	vst v0  }
.LBB2_2:
0x4a: {  	s15 =	sadd.s32 $0x8, s15;
	[tilespmem:s14+$0xFFFFFFD0] =	vst v0;
	s14 =	sadd.s32 $0x80, s14  }
0x4b: {  	[tilespmem:s14+$0xFFFFFFC0] =	vst v0;
	p0 =	slt.u32 s15, $0x3F8  }
0x4c: {  	[tilespmem:s14+$0x30] =	vst v0  }
.Ltmp0:
0x4d: {  	[tilespmem:s14+$0x20] =	vst v0;
	(pc) =	sbr.rel @p0 .LBB2_2-.Ltmp0, $4  }
0x4e: {  	[tilespmem:s14+$0x10] =	vst v0  }
0x4f: {  	[tilespmem:s14+$0x0] =	vst v0  }
0x50: {  	[tilespmem:s14+$0xFFFFFFF0] =	vst v0  }
0x51: {  	[tilespmem:s14+$0xFFFFFFE0] =	vst v0  }
0x52: {  	[tilespmem:s14+$0xFFFFFFD0] =	vst v0  }
0x53: {  	_ =	swait.ge [sflag:s9], $0x8000  }
0x54: {  	[sflag:s9] =	ssyncset.done $0x0  }
0x55: {  	s15 =	simm.s32 $0x40;
	[sflag:s9] =	ssyncadd.s32 $0xFFFF8000  }
0x56: {  	v19 =	vld [tilespmem:s15+$0x30];
	_ =	sdelay $0x1  }
0x57: {  	v20 =	vld [tilespmem:s15+$0xFFFFFFD0]  }
0x58: {  	v21 =	vld [tilespmem:s15+$0xFFFFFFE0];
	_ =	sdelay $0x1  }
0x59: {  	v22 =	vld [tilespmem:s15+$0xFFFFFFF0];
	v19 =	vmul.f32 $1.200000050e+00, v19;
	_ =	sdelay $0x1  }
0x5a: {  	v23 =	vld [tilespmem:s15+$0x0];
	v20 =	vmul.f32 $1.200000050e+00, v20;
	v19 =	vsub.f32 $0.0e+00, v19  }
0x5b: {  	v24 =	vld [tilespmem:s15+$0xFFFFFFC0];
	v21 =	vmul.f32 $1.200000050e+00, v21  }
0x5c: {  	v26 =	vld [tilespmem:s15+$0x20];
	v20 =	vsub.f32 $0.0e+00, v20;
	v19 =	vmul.f32 $1.442695020e+00, v19  }
0x5d: {  	v25 =	vld [tilespmem:s15+$0x10];
	v22 =	vmul.f32 $1.200000050e+00, v22;
	v21 =	vsub.f32 $0.0e+00, v21  }
0x5e: {  	v20 =	vmul.f32 $1.442695020e+00, v20;
	(erf) = vpow2.f32 v19  }
0x5f: {  	v21 =	vmul.f32 $1.442695020e+00, v21;
	v19 =	vmul.f32 $1.200000050e+00, v23  }
0x60: {  	v22 =	vsub.f32 $0.0e+00, v22;
	v23 =	vmul.f32 $1.200000050e+00, v24;
	(erf) = vpow2.f32 v20  }
0x61: {  	v19 =	vsub.f32 $0.0e+00, v19;
	(erf) = vpow2.f32 v21;
	v21 =	vmul.f32 $1.200000050e+00, v26  }
0x62: {  	v22 =	vmul.f32 $1.442695020e+00, v22;
	v20 =	vmul.f32 $1.200000050e+00, v25;
	v23 =	vsub.f32 $0.0e+00, v23  }
0x63: {  	v19 =	vmul.f32 $1.442695020e+00, v19;
	v21 =	vsub.f32 $0.0e+00, v21  }
0x64: {  	(erf) = vpow2.f32 v22;
	v20 =	vsub.f32 $0.0e+00, v20;
	v22 =	vmul.f32 $1.442695020e+00, v23  }
0x65: {  	(erf) = vpow2.f32 v19;
	v19 =	vmul.f32 $1.442695020e+00, v21  }
0x66: {  	v20 =	vmul.f32 $1.442695020e+00, v20  }
0x67: {  	(erf) = vpow2.f32 v22;
	v21 =	vpop (erf)  }
0x68: {  	(erf) = vpow2.f32 v20;
	v20 =	vadd.f32 $1.000000000e+00, v21  }
0x69: {  	(erf) = vpow2.f32 v19;
	v19 =	vpop (erf)  }
0x6a: {  	v19 =	vadd.f32 $1.000000000e+00, v19  }
0x6b: {  	(erf) = vrcp.f32 v20  }
0x6c: {  	v20 =	vpop (erf)  }
0x6d: {  	v20 =	vadd.f32 $1.000000000e+00, v20;
	v21 =	vpop (erf)  }
0x6e: {  	s14 =	simm.s32 $0xC0;
	(erf) = vrcp.f32 v19;
	v21 =	vadd.f32 $1.000000000e+00, v21;
	v19 =	vpop (erf)  }
0x6f: {  	v22 =	vld [tilespmem:s14+$0x30];
	v19 =	vadd.f32 $1.000000000e+00, v19  }
0x70: {  	v23 =	vld [tilespmem:s14+$0xFFFFFFD0]  }
0x71: {  	(erf) = vrcp.f32 v20;
	v20 =	vpop (erf)  }
0x72: {  	(erf) = vrcp.f32 v21;
	v20 =	vadd.f32 $1.000000000e+00, v20;
	v21 =	vpop (erf)  }
0x73: {  	v27 =	vld [tilespmem:s14+$0x10];
	(erf) = vrcp.f32 v19;
	v21 =	vadd.f32 $1.000000000e+00, v21;
	v19 =	vpop (erf)  }
0x74: {  	v22 =	vmul.f32 $1.200000050e+00, v22;
	v19 =	vadd.f32 $1.000000000e+00, v19;
	(erf) = vrcp.f32 v20;
	v20 =	vld [tilespmem:s14+$0xFFFFFFE0];
	v26 =	vpop (erf)  }
0x75: {  	v23 =	vmul.f32 $1.200000050e+00, v23;
	(erf) = vrcp.f32 v21;
	v21 =	vld [tilespmem:s14+$0xFFFFFFF0];
	v24 =	vshra.s32 v26, $0x14  }
0x76: {  	v22 =	vsub.f32 $0.0e+00, v22;
	(erf) = vrcp.f32 v19;
	v19 =	vld [tilespmem:s14+$0x0];
	v25 =	vand.u32 $0xF, v24  }
0x77: {  	v29 =	vld [tilespmem:s14+$0x20];
	v23 =	vsub.f32 $0.0e+00, v23;
	v24 =	vshll.u32 v24, $0x4;
	v25 =	vxor.u32 v62, v25  }
0x78: {  	v22 =	vmul.f32 $1.442695020e+00, v22;
	v31 =	vor.u32 v24, v25;
	v24 =	vld [tilespmem:s14+$0xFFFFFFC0]  }
0x79: {  	v27 =	vmul.f32 $1.200000050e+00, v27;
	v23 =	vmul.f32 $1.442695020e+00, v23  }
0x7a: {  	v28 =	vpop (erf);
	(erf) = vpow2.f32 v22;
	v20 =	vmul.f32 $1.200000050e+00, v20  }
0x7b: {  	v21 =	vmul.f32 $1.200000050e+00, v21;
	v19 =	vmul.f32 $1.200000050e+00, v19  }
0x7c: {  	v29 =	vmul.f32 $1.200000050e+00, v29;
	v25 =	vpop (erf);
	(erf) = vpow2.f32 v23;
	v20 =	vsub.f32 $0.0e+00, v20  }
0x7d: {  	v21 =	vsub.f32 $0.0e+00, v21;
	v19 =	vsub.f32 $0.0e+00, v19;
	v22 =	vmul.f32 $1.200000050e+00, v24  }
0x7e: {  	v20 =	vmul.f32 $1.442695020e+00, v20;
	v24 =	vsub.f32 $0.0e+00, v27;
	v27 =	vsub.f32 $0.0e+00, v29  }
0x7f: {  	v21 =	vmul.f32 $1.442695020e+00, v21;
	v19 =	vmul.f32 $1.442695020e+00, v19;
	v22 =	vsub.f32 $0.0e+00, v22  }
0x80: {  	v33 =	vpop (erf);
	v23 =	vmul.f32 $1.442695020e+00, v27;
	(erf) = vpow2.f32 v20  }
0x81: {  	v35 =	vpop (erf);
	(erf) = vpow2.f32 v21;
	v20 =	vmul.f32 $1.442695020e+00, v22  }
0x82: {  	v29 =	vpop (erf);
	v24 =	vmul.f32 $1.442695020e+00, v24;
	(erf) = vpow2.f32 v19  }
0x83: {  	v36 =	vpop (erf);
	(erf) = vpow2.f32 v20  }
0x84: {  	v37 =	vpop (erf);
	(erf) = vpow2.f32 v24  }
0x85: {  	v30 =	vshra.s32 v28, $0x14;
	(erf) = vpow2.f32 v23;
	v23 =	vpop (erf)  }
0x86: {  	v32 =	vshra.s32 v25, $0x14;
	v38 =	vshra.s32 v35, $0x14;
	v23 =	vadd.f32 $1.000000000e+00, v23  }
0x87: {  	v34 =	vshra.s32 v33, $0x14;
	v41 =	vand.u32 $0xF, v38;
	v27 =	vshra.s32 v29, $0x14  }
0x88: {  	[tilespmem:s15+$0xFFFFFFC0] =	vst v29;
	v39 =	vshra.s32 v36, $0x14;
	v29 =	vshll.u32 v30, $0x4;
	v40 =	vshra.s32 v37, $0x14  }
0x89: {  	[tilespmem:s15+$0x30] =	vst v26;
	v21 =	vand.u32 $0xF, v32;
	v42 =	vand.u32 $0xF, v39;
	v19 =	vand.u32 $0xF, v27  }
0x8a: {  	[tilespmem:s15+$0xFFFFFFD0] =	vst v28;
	v22 =	vand.u32 $0xF, v34;
	v28 =	vand.u32 $0xF, v40;
	(erf) = vrcp.f32 v23;
	v23 =	vpop (erf)  }
0x8b: {  	[tilespmem:v31+s10+$0x0] =	vst.idx.add.s32.msk $0xffff, v63;
	v27 =	vshll.u32 v27, $0x4;
	v20 =	vand.u32 $0xF, v30;
	v31 =	vadd.f32 $1.000000000e+00, v23  }
0x8c: {  	[tilespmem:s15+$0xFFFFFFE0] =	vst v25;
	v24 =	vxor.u32 v62, v19;
	v25 =	vxor.u32 v62, v20;
	v19 =	vxor.u32 v62, v21  }
0x8d: {  	v21 =	vxor.u32 v62, v22;
	v22 =	vxor.u32 v62, v41;
	v20 =	vxor.u32 v62, v42;
	v26 =	vpop (erf)  }
0x8e: {  	v23 =	vxor.u32 v62, v28;
	v54 =	vadd.f32 $1.000000000e+00, v26;
	v28 =	vpop (erf);
	v26 =	vshll.u32 v32, $0x4  }
0x8f: {  	[tilespmem:s15+$0xFFFFFFF0] =	vst v33;
	v32 =	vshll.u32 v40, $0x4;
	v30 =	vadd.f32 $1.000000000e+00, v28;
	(erf) = vrcp.f32 v31;
	v31 =	vpop (erf)  }
0x90: {  	[tilespmem:s15+$0x0] =	vst v35;
	v28 =	vshll.u32 v34, $0x4;
	(erf) = vrcp.f32 v54;
	v56 =	vadd.f32 $1.000000000e+00, v31;
	v57 =	vpop (erf)  }
0x91: {  	[tilespmem:s15+$0x10] =	vst v36;
	(erf) = vrcp.f32 v30;
	v30 =	vshll.u32 v39, $0x4;
	v33 =	vadd.f32 $1.000000000e+00, v57;
	v58 =	vpop (erf)  }
0x92: {  	s16 =	simm.s32 $0x8;
	[tilespmem:s15+$0x20] =	vst v37;
	s15 =	simm.s32 $0x140;
	v31 =	vshll.u32 v38, $0x4;
	v34 =	vadd.f32 $1.000000000e+00, v58;
	(erf) = vrcp.f32 v56;
	v35 =	vpop (erf)  }
.LBB2_4:
0x93: {  	v36 =	vld [tilespmem:s15+$0x30];
	s16 =	sadd.s32 $0x8, s16;
	v35 =	vadd.f32 $1.000000000e+00, v35;
	(erf) = vrcp.f32 v33;
	v24 =	vor.u32 v27, v24  }
0x94: {  	v25 =	vor.u32 v29, v25;
	v19 =	vor.u32 v26, v19;
	v27 =	vld [tilespmem:s15+$0xFFFFFFD0];
	p0 =	slt.u32 s16, $0x7F8;
	(erf) = vrcp.f32 v34  }
0x95: {  	v21 =	vor.u32 v28, v21;
	v22 =	vor.u32 v31, v22;
	v26 =	vld [tilespmem:s15+$0xFFFFFFE0];
	(erf) = vrcp.f32 v35;
	v29 =	vpop (erf)  }
0x96: {  	v20 =	vor.u32 v30, v20;
	v23 =	vor.u32 v32, v23;
	v28 =	vld [tilespmem:s15+$0xFFFFFFF0];
	v31 =	vshra.s32 v29, $0x14  }
0x97: {  	v30 =	vld [tilespmem:s15+$0x0];
	v2 =	vand.u32 $0xF, v31  }
0x98: {  	v31 =	vshll.u32 v31, $0x4;
	v33 =	vld [tilespmem:s15+$0x10];
	v34 =	vmul.f32 $1.200000050e+00, v36;
	v1 =	vxor.u32 v62, v2;
	v35 =	vpop (erf)  }
0x99: {  	v27 =	vmul.f32 $1.200000050e+00, v27;
	v36 =	vld [tilespmem:s15+$0x20];
	[tilespmem:s14+$0xFFFFFFD0] =	vst v35;
	v35 =	vshra.s32 v35, $0x14;
	v31 =	vor.u32 v31, v1;
	v32 =	vpop (erf)  }
0x9a: {  	v37 =	vld [tilespmem:s15+$0xFFFFFFC0];
	v26 =	vmul.f32 $1.200000050e+00, v26;
	v1 =	vsub.f32 $0.0e+00, v34;
	[tilespmem:s14+$0xFFFFFFE0] =	vst v32;
	v32 =	vshra.s32 v32, $0x14;
	v38 =	vpop (erf)  }
0x9b: {  	v27 =	vsub.f32 $0.0e+00, v27;
	v28 =	vmul.f32 $1.200000050e+00, v28;
	v39 =	vshra.s32 v38, $0x14;
	v40 =	vpop (erf);
	[tilespmem:v24+s10+$0x0] =	vst.idx.add.s32.msk $0xffff, v63  }
0x9c: {  	v24 =	vsub.f32 $0.0e+00, v26;
	v26 =	vmul.f32 $1.200000050e+00, v30;
	v1 =	vmul.f32 $1.442695020e+00, v1;
	v34 =	vpop (erf);
	[tilespmem:v25+s10+$0x0] =	vst.idx.add.s32.msk $0xffff, v63  }
0x9d: {  	v25 =	vmul.f32 $1.442695020e+00, v27;
	v27 =	vsub.f32 $0.0e+00, v28;
	v28 =	vmul.f32 $1.200000050e+00, v33;
	[tilespmem:s14+$0x30] =	vst v29;
	v29 =	vpop (erf)  }
0x9e: {  	v26 =	vsub.f32 $0.0e+00, v26;
	v33 =	vmul.f32 $1.200000050e+00, v36;
	(erf) = vpow2.f32 v1;
	[tilespmem:v31+s10+$0x0] =	vst.idx.add.s32.msk $0xffff, v63;
	v30 =	vpop (erf)  }
0x9f: {  	v24 =	vmul.f32 $1.442695020e+00, v24;
	v31 =	vmul.f32 $1.200000050e+00, v37;
	v28 =	vsub.f32 $0.0e+00, v28;
	[tilespmem:v21+s10+$0x0] =	vst.idx.add.s32.msk $0xffff, v63  }
0xa0: {  	v21 =	vmul.f32 $1.442695020e+00, v27;
	v26 =	vmul.f32 $1.442695020e+00, v26;
	v27 =	vsub.f32 $0.0e+00, v33;
	[tilespmem:v22+s10+$0x0] =	vst.idx.add.s32.msk $0xffff, v63  }
0xa1: {  	v22 =	vsub.f32 $0.0e+00, v31;
	v28 =	vmul.f32 $1.442695020e+00, v28;
	(erf) = vpow2.f32 v25;
	[tilespmem:v23+s10+$0x0] =	vst.idx.add.s32.msk $0xffff, v63  }
0xa2: {  	v23 =	vmul.f32 $1.442695020e+00, v27;
	(erf) = vpow2.f32 v24;
	[tilespmem:s14+$0xFFFFFFC0] =	vst v34;
	v27 =	vshra.s32 v34, $0x14  }
0xa3: {  	v31 =	vshra.s32 v40, $0x14;
	v22 =	vmul.f32 $1.442695020e+00, v22;
	(erf) = vpow2.f32 v21;
	[tilespmem:v19+s10+$0x0] =	vst.idx.add.s32.msk $0xffff, v63  }
0xa4: {  	v36 =	vshra.s32 v30, $0x14;
	v34 =	vshra.s32 v29, $0x14;
	(erf) = vpow2.f32 v26;
	[tilespmem:v20+s10+$0x0] =	vst.idx.add.s32.msk $0xffff, v63  }
0xa5: {  	v19 =	vand.u32 $0xF, v27;
	v20 =	vand.u32 $0xF, v35;
	(erf) = vpow2.f32 v22;
	[tilespmem:s14+$0xFFFFFFF0] =	vst v38  }
0xa6: {  	v21 =	vand.u32 $0xF, v32;
	v22 =	vand.u32 $0xF, v39;
	(erf) = vpow2.f32 v28;
	[tilespmem:s14+$0x0] =	vst v40  }
0xa7: {  	v26 =	vand.u32 $0xF, v31;
	v28 =	vand.u32 $0xF, v34;
	(erf) = vpow2.f32 v23;
	v23 =	vpop (erf);
	[tilespmem:s14+$0x10] =	vst v29  }
0xa8: {  	v24 =	vxor.u32 v62, v19;
	v29 =	vand.u32 $0xF, v36;
	v23 =	vadd.f32 $1.000000000e+00, v23;
	[tilespmem:s14+$0x20] =	vst v30;
	s14 =	smov.u32 s15  }
0xa9: {  	v19 =	vxor.u32 v62, v21;
	v25 =	vxor.u32 v62, v20;
	v21 =	vxor.u32 v62, v22  }
0xaa: {  	v22 =	vxor.u32 v62, v26;
	v20 =	vxor.u32 v62, v28;
	v30 =	vpop (erf);
	(erf) = vrcp.f32 v23  }
0xab: {  	v27 =	vshll.u32 v27, $0x4;
	v23 =	vxor.u32 v62, v29;
	v28 =	vadd.f32 $1.000000000e+00, v30;
	v26 =	vpop (erf)  }
.Ltmp1:
0xac: {  	v29 =	vshll.u32 v35, $0x4;
	v30 =	vadd.f32 $1.000000000e+00, v26;
	v33 =	vpop (erf);
	v26 =	vshll.u32 v32, $0x4;
	(pc) =	sbr.rel @p0 .LBB2_4-.Ltmp1, $4  }
0xad: {  	v1 =	vadd.f32 $1.000000000e+00, v33;
	(erf) = vrcp.f32 v28;
	v33 =	vpop (erf);
	v28 =	vshll.u32 v39, $0x4  }
0xae: {  	v31 =	vshll.u32 v31, $0x4;
	v2 =	vadd.f32 $1.000000000e+00, v33;
	v33 =	vpop (erf);
	(erf) = vrcp.f32 v30  }
0xaf: {  	v30 =	vshll.u32 v34, $0x4;
	v33 =	vadd.f32 $1.000000000e+00, v33;
	(erf) = vrcp.f32 v1;
	v32 =	vpop (erf)  }
0xb0: {  	s15 =	sadd.s32 $0x80, s15;
	v34 =	vadd.f32 $1.000000000e+00, v32;
	(erf) = vrcp.f32 v2;
	v35 =	vpop (erf);
	v32 =	vshll.u32 v36, $0x4  }
0xb1: {  	v24 =	vor.u32 v27, v24  }
0xb2: {  	v25 =	vor.u32 v29, v25  }
0xb3: {  	(erf) = vrcp.f32 v33;
	v21 =	vor.u32 v28, v21;
	v45 =	vpop (erf)  }
0xb4: {  	v35 =	vadd.f32 $1.000000000e+00, v35;
	v22 =	vor.u32 v31, v22;
	v27 =	vshra.s32 v45, $0x14  }
0xb5: {  	v20 =	vor.u32 v30, v20;
	(erf) = vrcp.f32 v34;
	[tilespmem:s14+$0x30] =	vst v45;
	v29 =	vand.u32 $0xF, v27  }
0xb6: {  	v27 =	vshll.u32 v27, $0x4;
	v29 =	vxor.u32 v62, v29;
	[tilespmem:v24+s10+$0x0] =	vst.idx.add.s32.msk $0xffff, v63  }
0xb7: {  	(erf) = vrcp.f32 v35;
	[tilespmem:v25+s10+$0x0] =	vst.idx.add.s32.msk $0xffff, v63;
	v27 =	vor.u32 v27, v29  }
0xb8: {  	v23 =	vor.u32 v32, v23;
	v46 =	vpop (erf);
	[tilespmem:v21+s10+$0x0] =	vst.idx.add.s32.msk $0xffff, v63  }
0xb9: {  	v19 =	vor.u32 v26, v19;
	[tilespmem:v22+s10+$0x0] =	vst.idx.add.s32.msk $0xffff, v63;
	v26 =	vshra.s32 v46, $0x14;
	v29 =	vpop (erf)  }
0xba: {  	[tilespmem:v20+s10+$0x0] =	vst.idx.add.s32.msk $0xffff, v63;
	v34 =	vand.u32 $0xF, v26;
	v28 =	vpop (erf)  }
0xbb: {  	v26 =	vshll.u32 v26, $0x4;
	v20 =	vxor.u32 v62, v34;
	[tilespmem:s14+$0xFFFFFFE0] =	vst v29;
	v24 =	vpop (erf)  }
0xbc: {  	v20 =	vor.u32 v26, v20;
	v25 =	vpop (erf);
	[tilespmem:v27+s10+$0x0] =	vst.idx.add.s32.msk $0xffff, v63;
	v27 =	vshra.s32 v29, $0x14;
	v29 =	vshra.s32 v28, $0x14  }
0xbd: {  	[tilespmem:v23+s10+$0x0] =	vst.idx.add.s32.msk $0xffff, v63;
	v22 =	vshra.s32 v24, $0x14;
	v21 =	vshra.s32 v25, $0x14;
	v49 =	vand.u32 $0xF, v27  }
0xbe: {  	v30 =	vpop (erf);
	[tilespmem:s14+$0xFFFFFFC0] =	vst v25;
	v25 =	vand.u32 $0xF, v29;
	v36 =	vand.u32 $0xF, v22;
	v22 =	vshll.u32 v22, $0x4  }
0xbf: {  	[tilespmem:v19+s10+$0x0] =	vst.idx.add.s32.msk $0xffff, v63;
	v26 =	vshll.u32 v27, $0x4;
	v47 =	vshra.s32 v30, $0x14;
	v23 =	vand.u32 $0xF, v21  }
0xc0: {  	[tilespmem:s14+$0x0] =	vst v24;
	v31 =	vpop (erf);
	v21 =	vshll.u32 v21, $0x4;
	v24 =	vxor.u32 v62, v36;
	v19 =	vxor.u32 v62, v23  }
0xc1: {  	[tilespmem:s14+$0xFFFFFFD0] =	vst v46;
	v48 =	vshra.s32 v31, $0x14;
	v37 =	vand.u32 $0xF, v47;
	v19 =	vor.u32 v21, v19  }
0xc2: {  	[tilespmem:s14+$0xFFFFFFF0] =	vst v28;
	v22 =	vor.u32 v22, v24;
	v21 =	vxor.u32 v62, v25;
	v25 =	vshll.u32 v29, $0x4  }
0xc3: {  	[tilespmem:s14+$0x10] =	vst v30;
	v24 =	vxor.u32 v62, v49;
	v23 =	vand.u32 $0xF, v48;
	v21 =	vor.u32 v25, v21  }
0xc4: {  	[tilespmem:s14+$0x20] =	vst v31;
	v24 =	vor.u32 v26, v24;
	v23 =	vxor.u32 v62, v23;
	v25 =	vshll.u32 v48, $0x4  }
0xc5: {  	v27 =	vshll.u32 v47, $0x4;
	[tilespmem:v20+s10+$0x0] =	vst.idx.add.s32.msk $0xffff, v63;
	v23 =	vor.u32 v25, v23;
	v25 =	vxor.u32 v62, v37  }
0xc6: {  	s17 =	simm.s32 $0x0;
	[tilespmem:v19+s10+$0x0] =	vst.idx.add.s32.msk $0xffff, v63;
	v19 =	vor.u32 v27, v25  }
0xc7: {  	s14 =	simm.s32 $0x300;
	v20 =	vor.u32 s17, v53;
	[tilespmem:v22+s10+$0x0] =	vst.idx.add.s32.msk $0xffff, v63  }
0xc8: {  	[tilespmem:v21+s10+$0x0] =	vst.idx.add.s32.msk $0xffff, v63;
	v21 =	vor.u32 s14, v53  }
0xc9: {  	s16 =	simm.s32 $0x100;
	v22 =	vor.u32 s17, v14;
	[tilespmem:v24+s10+$0x0] =	vst.idx.add.s32.msk $0xffff, v63  }
0xca: {  	[tilespmem:v23+s10+$0x0] =	vst.idx.add.s32.msk $0xffff, v63;
	v23 =	vor.u32 s16, v53  }
0xcb: {  	[tilespmem:v19+s10+$0x0] =	vst.idx.add.s32.msk $0xffff, v63;
	v19 =	vor.u32 s17, v6  }
0xcc: {  	v24 =	vor.u32 s16, v14;
	v25 =	vld.idx.msk [tilespmem:v20+s10+$0x0], $0xffff;
	[tilespmem:v20+s10+$0x0] =	vst.idx.msk $0xffff, v0  }
0xcd: {  	v27 =	vor.u32 s17, v5;
	v26 =	vld.idx.msk [tilespmem:v21+s10+$0x0], $0xffff;
	[tilespmem:v21+s10+$0x0] =	vst.idx.msk $0xffff, v0  }
0xce: {  	v20 =	vor.u32 s16, v6;
	v28 =	vld.idx.msk [tilespmem:v22+s10+$0x0], $0xffff;
	[tilespmem:v22+s10+$0x0] =	vst.idx.msk $0xffff, v0  }
0xcf: {  	v30 =	vor.u32 s17, v8;
	v29 =	vld.idx.msk [tilespmem:v23+s10+$0x0], $0xffff;
	[tilespmem:v23+s10+$0x0] =	vst.idx.msk $0xffff, v0  }
0xd0: {  	v22 =	vor.u32 s14, v14;
	v23 =	vld.idx.msk [tilespmem:v19+s10+$0x0], $0xffff;
	[tilespmem:v19+s10+$0x0] =	vst.idx.msk $0xffff, v0  }
0xd1: {  	v31 =	vor.u32 s17, v12;
	v19 =	vld.idx.msk [tilespmem:v24+s10+$0x0], $0xffff;
	[tilespmem:v24+s10+$0x0] =	vst.idx.msk $0xffff, v0  }
0xd2: {  	v50 =	vor.u32 s16, v5;
	v33 =	vld.idx.msk [tilespmem:v27+s10+$0x0], $0xffff;
	[tilespmem:v27+s10+$0x0] =	vst.idx.msk $0xffff, v0  }
0xd3: {  	v24 =	vor.u32 s17, v9;
	v27 =	vld.idx.msk [tilespmem:v20+s10+$0x0], $0xffff;
	[tilespmem:v20+s10+$0x0] =	vst.idx.msk $0xffff, v0  }
0xd4: {  	v21 =	vor.u32 s16, v8;
	v34 =	vld.idx.msk [tilespmem:v30+s10+$0x0], $0xffff;
	[tilespmem:v30+s10+$0x0] =	vst.idx.msk $0xffff, v0  }
0xd5: {  	v51 =	vor.u32 s17, v55;
	v30 =	vld.idx.msk [tilespmem:v22+s10+$0x0], $0xffff;
	[tilespmem:v22+s10+$0x0] =	vst.idx.msk $0xffff, v0  }
0xd6: {  	v52 =	vor.u32 s16, v12;
	v37 =	vld.idx.msk [tilespmem:v31+s10+$0x0], $0xffff;
	[tilespmem:v31+s10+$0x0] =	vst.idx.msk $0xffff, v0  }
0xd7: {  	s15 =	simm.s32 $0x200;
	v20 =	vor.u32 s17, v59;
	v31 =	vld.idx.msk [tilespmem:v50+s10+$0x0], $0xffff;
	[tilespmem:v50+s10+$0x0] =	vst.idx.msk $0xffff, v0  }
0xd8: {  	v38 =	vor.u32 s15, v53;
	v39 =	vld.idx.msk [tilespmem:v24+s10+$0x0], $0xffff;
	[tilespmem:v24+s10+$0x0] =	vst.idx.msk $0xffff, v0  }
0xd9: {  	v43 =	vor.u32 s16, v9;
	v24 =	vld.idx.msk [tilespmem:v21+s10+$0x0], $0xffff;
	[tilespmem:v21+s10+$0x0] =	vst.idx.msk $0xffff, v0  }
0xda: {  	v54 =	vor.u32 s17, v13;
	v41 =	vld.idx.msk [tilespmem:v51+s10+$0x0], $0xffff;
	[tilespmem:v51+s10+$0x0] =	vst.idx.msk $0xffff, v0  }
0xdb: {  	v40 =	vor.u32 s15, v14;
	v35 =	vld.idx.msk [tilespmem:v52+s10+$0x0], $0xffff;
	[tilespmem:v52+s10+$0x0] =	vst.idx.msk $0xffff, v0  }
0xdc: {  	v57 =	vor.u32 s16, v55;
	v42 =	vld.idx.msk [tilespmem:v20+s10+$0x0], $0xffff;
	[tilespmem:v20+s10+$0x0] =	vst.idx.msk $0xffff, v0  }
0xdd: {  	v21 =	vor.u32 s17, v60;
	v20 =	vld.idx.msk [tilespmem:v38+s10+$0x0], $0xffff;
	[tilespmem:v38+s10+$0x0] =	vst.idx.msk $0xffff, v0  }
0xde: {  	v56 =	vor.u32 s15, v6;
	v25 =	vadd.s32 v25, v28;
	v28 =	vld.idx.msk [tilespmem:v43+s10+$0x0], $0xffff;
	[tilespmem:v43+s10+$0x0] =	vst.idx.msk $0xffff, v0  }
0xdf: {  	v44 =	vor.u32 s15, v5;
	v45 =	vld.idx.msk [tilespmem:v54+s10+$0x0], $0xffff;
	[tilespmem:v54+s10+$0x0] =	vst.idx.msk $0xffff, v0  }
0xe0: {  	v46 =	vor.u32 s17, v61;
	v32 =	vld.idx.msk [tilespmem:v40+s10+$0x0], $0xffff;
	[tilespmem:v40+s10+$0x0] =	vst.idx.msk $0xffff, v0  }
0xe1: {  	v58 =	vor.u32 s15, v8;
	v48 =	vor.u32 s17, v7;
	v43 =	vld.idx.msk [tilespmem:v57+s10+$0x0], $0xffff;
	[tilespmem:v57+s10+$0x0] =	vst.idx.msk $0xffff, v0  }
0xe2: {  	v23 =	vadd.s32 v23, v25;
	v19 =	vadd.s32 v29, v19;
	v47 =	vld.idx.msk [tilespmem:v21+s10+$0x0], $0xffff;
	[tilespmem:v21+s10+$0x0] =	vst.idx.msk $0xffff, v0  }
0xe3: {  	v36 =	vor.u32 s15, v12;
	v23 =	vadd.s32 v33, v23;
	v52 =	vor.u32 s15, v9;
	v21 =	vld.idx.msk [tilespmem:v56+s10+$0x0], $0xffff;
	[tilespmem:v56+s10+$0x0] =	vst.idx.msk $0xffff, v0  }
0xe4: {  	v19 =	vadd.s32 v27, v19;
	v23 =	vadd.s32 v34, v23;
	v25 =	vld.idx.msk [tilespmem:v44+s10+$0x0], $0xffff;
	[tilespmem:v44+s10+$0x0] =	vst.idx.msk $0xffff, v0  }
0xe5: {  	v30 =	vadd.s32 v26, v30;
	v56 =	vor.u32 s17, v11;
	v34 =	vld.idx.msk [tilespmem:v46+s10+$0x0], $0xffff;
	[tilespmem:v46+s10+$0x0] =	vst.idx.msk $0xffff, v0  }
0xe6: {  	v23 =	vadd.s32 v37, v23;
	v57 =	vor.u32 s15, v55;
	v44 =	vld.idx.msk [tilespmem:v58+s10+$0x0], $0xffff;
	[tilespmem:v58+s10+$0x0] =	vst.idx.msk $0xffff, v0  }
0xe7: {  	v54 =	vor.u32 s17, v3;
	v23 =	vadd.s32 v39, v23;
	v39 =	vld.idx.msk [tilespmem:v48+s10+$0x0], $0xffff;
	[tilespmem:v48+s10+$0x0] =	vst.idx.msk $0xffff, v0  }
0xe8: {  	v26 =	vor.u32 s17, v4;
	v23 =	vadd.s32 v41, v23;
	v41 =	vld.idx.msk [tilespmem:v36+s10+$0x0], $0xffff;
	[tilespmem:v36+s10+$0x0] =	vst.idx.msk $0xffff, v0  }
0xe9: {  	v37 =	vor.u32 s14, v5;
	v58 =	vor.u32 s14, v6;
	v23 =	vadd.s32 v42, v23;
	v29 =	vld.idx.msk [tilespmem:v52+s10+$0x0], $0xffff;
	[tilespmem:v52+s10+$0x0] =	vst.idx.msk $0xffff, v0  }
0xea: {  	v19 =	vadd.s32 v31, v19;
	v23 =	vadd.s32 v45, v23;
	v48 =	vld.idx.msk [tilespmem:v56+s10+$0x0], $0xffff;
	[tilespmem:v56+s10+$0x0] =	vst.idx.msk $0xffff, v0  }
0xeb: {  	v1 =	vmov v53;
	v20 =	vadd.s32 v20, v32;
	v56 =	vor.u32 s16, v59;
	v32 =	vld.idx.msk [tilespmem:v57+s10+$0x0], $0xffff;
	[tilespmem:v57+s10+$0x0] =	vst.idx.msk $0xffff, v0  }
0xec: {  	v49 =	vor.u32 s16, v13;
	v23 =	vadd.s32 v47, v23;
	v47 =	vor.u32 s15, v59;
	v33 =	vld.idx.msk [tilespmem:v54+s10+$0x0], $0xffff;
	[tilespmem:v54+s10+$0x0] =	vst.idx.msk $0xffff, v0  }
0xed: {  	v20 =	vadd.s32 v21, v20;
	v22 =	vadd.s32 v34, v23;
	v40 =	vld.idx.msk [tilespmem:v26+s10+$0x0], $0xffff;
	[tilespmem:v26+s10+$0x0] =	vst.idx.msk $0xffff, v0  }
0xee: {  	v53 =	vor.u32 s16, v60;
	v20 =	vadd.s32 v25, v20;
	v34 =	vld.idx.msk [tilespmem:v58+s10+$0x0], $0xffff;
	v26 =	vor.u32 s14, v8;
	[tilespmem:v58+s10+$0x0] =	vst.idx.msk $0xffff, v0  }
0xef: {  	v50 =	vor.u32 s15, v13;
	v57 =	vor.u32 s16, v61;
	v20 =	vadd.s32 v44, v20;
	v36 =	vld.idx.msk [tilespmem:v37+s10+$0x0], $0xffff;
	[tilespmem:v37+s10+$0x0] =	vst.idx.msk $0xffff, v0  }
0xf0: {  	v22 =	vadd.s32 v39, v22;
	v20 =	vadd.s32 v41, v20;
	v39 =	vld.idx.msk [tilespmem:v56+s10+$0x0], $0xffff;
	[tilespmem:v56+s10+$0x0] =	vst.idx.msk $0xffff, v0  }
0xf1: {  	v20 =	vadd.s32 v29, v20;
	v22 =	vadd.s32 v48, v22;
	v23 =	vld.idx.msk [tilespmem:v47+s10+$0x0], $0xffff;
	[tilespmem:v47+s10+$0x0] =	vst.idx.msk $0xffff, v0  }
0xf2: {  	v25 =	vor.u32 s16, v7;
	v48 =	vor.u32 s14, v12;
	v22 =	vadd.s32 v33, v22;
	v58 =	vld.idx.msk [tilespmem:v49+s10+$0x0], $0xffff;
	[tilespmem:v49+s10+$0x0] =	vst.idx.msk $0xffff, v0  }
0xf3: {  	v32 =	vadd.s32 v32, v20;
	v21 =	vadd.s32 v40, v22;
	v37 =	vld.idx.msk [tilespmem:v26+s10+$0x0], $0xffff;
	[tilespmem:v26+s10+$0x0] =	vst.idx.msk $0xffff, v0  }
0xf4: {  	v54 =	vor.u32 s14, v9;
	v20 =	vadd.s32 v34, v30;
	(xrf0) =	vadd.scan.msk.s32 $0xffff, v21;
	v21 =	vld.idx.msk [tilespmem:v53+s10+$0x0], $0xffff;
	[tilespmem:v53+s10+$0x0] =	vst.idx.msk $0xffff, v0  }
0xf5: {  	v46 =	vor.u32 s16, v11;
	v20 =	vadd.s32 v36, v20;
	v36 =	vld.idx.msk [tilespmem:v50+s10+$0x0], $0xffff;
	[tilespmem:v50+s10+$0x0] =	vst.idx.msk $0xffff, v0  }
0xf6: {  	v19 =	vadd.s32 v24, v19;
	v52 =	vor.u32 s14, v55;
	v24 =	vld.idx.msk [tilespmem:v57+s10+$0x0], $0xffff;
	[tilespmem:v57+s10+$0x0] =	vst.idx.msk $0xffff, v0  }
0xf7: {  	v42 =	vor.u32 s15, v60;
	v22 =	vld.idx.msk [tilespmem:v48+s10+$0x0], $0xffff;
	[tilespmem:v48+s10+$0x0] =	vst.idx.msk $0xffff, v0  }
0xf8: {  	v18 =	vmov v55;
	v51 =	vor.u32 s14, v59;
	v19 =	vadd.s32 v35, v19;
	v55 =	vld.idx.msk [tilespmem:v25+s10+$0x0], $0xffff;
	[tilespmem:v25+s10+$0x0] =	vst.idx.msk $0xffff, v0  }
0xf9: {  	v38 =	vor.u32 s15, v61;
	v27 =	vadd.s32 v28, v19;
	v45 =	vor.u32 s14, v13;
	v26 =	vld.idx.msk [tilespmem:v54+s10+$0x0], $0xffff;
	[tilespmem:v54+s10+$0x0] =	vst.idx.msk $0xffff, v0  }
0xfa: {  	v28 =	vadd.s32 v43, v27;
	v43 =	vor.u32 s14, v61;
	v44 =	vor.u32 s15, v3;
	v56 =	vld.idx.msk [tilespmem:v46+s10+$0x0], $0xffff;
	[tilespmem:v46+s10+$0x0] =	vst.idx.msk $0xffff, v0  }
0xfb: {  	v29 =	vor.u32 s15, v7;
	v57 =	vor.u32 s16, v3;
	v28 =	vadd.s32 v39, v28;
	v27 =	vld.idx.msk [tilespmem:v52+s10+$0x0], $0xffff;
	[tilespmem:v52+s10+$0x0] =	vst.idx.msk $0xffff, v0  }
0xfc: {  	p0 =	por $0x1, $0x1;
	v19 =	vimm.s32 $0x0;
	v28 =	vadd.s32 v58, v28;
	v34 =	vadd.s32 v37, v20;
	v37 =	vld.idx.msk [tilespmem:v42+s10+$0x0], $0xffff;
	[tilespmem:v42+s10+$0x0] =	vst.idx.msk $0xffff, v0  }
.Ltmp2:
0xfd: {  	v41 =	vor.u32 s14, v7;
	v20 =	vor.u32 s16, v4;
	v30 =	vld.idx.msk [tilespmem:v51+s10+$0x0], $0xffff;
	v21 =	vadd.s32 v21, v28;
	[tilespmem:v51+s10+$0x0] =	vst.idx.msk $0xffff, v0;
	v25, _, _ =	vpop (xrf0);
	(pc) =	sbr.rel @!p0 .LBB2_7-.Ltmp2, $4  }
0xfe: {  	v42 =	vor.u32 s15, v11;
	v28 =	vor.u32 s14, v60;
	v35 =	vld.idx.msk [tilespmem:v38+s10+$0x0], $0xffff;
	[tilespmem:v38+s10+$0x0] =	vst.idx.msk $0xffff, v0;
	v25 =	vadd.s32 v19, v25  }
0xff: {  	v21 =	vadd.s32 v24, v21;
	v31 =	vld.idx.msk [tilespmem:v45+s10+$0x0], $0xffff;
	[tilespmem:v45+s10+$0x0] =	vst.idx.msk $0xffff, v0;
	v24 =	vor.u32 s14, v4;
	vm0 =	vlt.s32 v25, $0x4000  }
0x100: {  	v40 =	vld.idx.msk [tilespmem:v57+s10+$0x0], $0xffff;
	[tilespmem:v57+s10+$0x0] =	vst.idx.msk $0xffff, v0;
	v21 =	vadd.s32 v55, v21;
	v58 =	vsel vm0, $0x1, v0;
	v33 =	vnsel vm0, $0x0, v25  }
0x101: {  	s17 =	simm.s32 $0x700;
	s16 =	simm.s32 $0x0;
	v38 =	vld.idx.msk [tilespmem:v29+s10+$0x0], $0xffff;
	v39 =	vadd.s32 v56, v21;
	vm0 =	vgt.s32 v19, v33;
	v21 =	vadd.s32 v58, v19  }
.LBB2_6:
0x102: {  	v46 =	vld.idx.msk [tilespmem:v20+s10+$0x0], $0xffff;
	[tilespmem:v29+s10+$0x0] =	vst.idx.msk $0xffff, v0  }
0x103: {  	v47 =	vor.u32 s15, v4;
	[tilespmem:v20+s10+$0x0] =	vst.idx.msk $0xffff, v0;
	v49 =	vld.idx.msk [tilespmem:v28+s10+$0x0], $0xffff  }
0x104: {  	s19 =	sadd.s32 $0xFFFFFD00, s17;
	v20 =	vadd.s32 v23, v32;
	[tilespmem:v28+s10+$0x0] =	vst.idx.msk $0xffff, v0;
	v56 =	vld.idx.msk [tilespmem:v42+s10+$0x0], $0xffff;
	v45 =	vor.u32 s17, v1  }
0x105: {  	s18 =	sadd.s32 $0xFFFFFE00, s17;
	v20 =	vadd.s32 v36, v20;
	[tilespmem:v42+s10+$0x0] =	vst.idx.msk $0xffff, v0;
	v36 =	vld.idx.msk [tilespmem:v43+s10+$0x0], $0xffff;
	v48 =	vor.u32 s19, v1  }
0x106: {  	s15 =	sadd.s32 $0xFFFFFF00, s17;
	v57 =	vld.idx.msk [tilespmem:v44+s10+$0x0], $0xffff;
	v50 =	vor.u32 s18, v1  }
0x107: {  	v33 =	vsel vm0, v19, v33;
	[tilespmem:v44+s10+$0x0] =	vst.idx.msk $0xffff, v0;
	v19 =	vor.u32 s15, v1;
	v1 =	vld [tilespmem:$0x1FF20]  }
0x108: {  	[tilespmem:v43+s10+$0x0] =	vst.idx.msk $0xffff, v0;
	v39 =	vadd.s32 v40, v39;
	v58 =	vld.idx.msk [tilespmem:v47+s10+$0x0], $0xffff  }
0x109: {  	v34 =	vadd.s32 v22, v34;
	v51 =	vor.u32 s19, v14;
	v39 =	vadd.s32 v46, v39;
	v29 =	vld.idx.msk [tilespmem:v45+s10+$0x0], $0xffff  }
0x10a: {  	v42 =	vor.u32 s14, v11;
	v28 =	vadd.s32 v37, v20;
	[tilespmem:v47+s10+$0x0] =	vst.idx.msk $0xffff, v0;
	(xrf0) =	vadd.scan.msk.s32 $0xffff, v39;
	v39 =	vld.idx.msk [tilespmem:v48+s10+$0x0], $0xffff  }
0x10b: {  	v43 =	vor.u32 s19, v6;
	v35 =	vadd.s32 v35, v28;
	[tilespmem:v45+s10+$0x0] =	vst.idx.msk $0xffff, v0;
	v32 =	vld.idx.msk [tilespmem:v50+s10+$0x0], $0xffff  }
0x10c: {  	v52 =	vor.u32 s18, v14;
	v40 =	vor.u32 s14, v3;
	v35 =	vadd.s32 v38, v35;
	[tilespmem:v50+s10+$0x0] =	vst.idx.msk $0xffff, v0;
	v50 =	vld.idx.msk [tilespmem:v19+s10+$0x0], $0xffff  }
0x10d: {  	v26 =	vadd.s32 v26, v34;
	v35 =	vadd.s32 v56, v35;
	[tilespmem:v48+s10+$0x0] =	vst.idx.msk $0xffff, v0;
	v47 =	vld.idx.msk [tilespmem:v41+s10+$0x0], $0xffff  }
0x10e: {  	v26 =	vadd.s32 v27, v26;
	v35 =	vadd.s32 v57, v35;
	[tilespmem:v41+s10+$0x0] =	vst.idx.msk $0xffff, v0;
	v57 =	vld.idx.msk [tilespmem:v51+s10+$0x0], $0xffff  }
0x10f: {  	v22 =	vor.u32 s17, v14;
	v26 =	vadd.s32 v30, v26;
	v46 =	vor.u32 s19, v5;
	[tilespmem:v51+s10+$0x0] =	vst.idx.msk $0xffff, v0;
	v56 =	vld.idx.msk [tilespmem:v42+s10+$0x0], $0xffff  }
0x110: {  	v25 =	vbroadcast v25, $0xF;
	v44 =	vor.u32 s18, v6;
	v26 =	vadd.s32 v31, v26;
	[tilespmem:v42+s10+$0x0] =	vst.idx.msk $0xffff, v0;
	v42 =	vld.idx.msk [tilespmem:v43+s10+$0x0], $0xffff  }
0x111: {  	v53 =	vor.u32 s18, v5;
	[tilespmem:v19+s10+$0x0] =	vst.idx.msk $0xffff, v0;
	v41 =	vor.u32 s19, v8;
	v31 =	vadd.s32 v58, v35;
	v30 =	vld.idx.msk [tilespmem:v40+s10+$0x0], $0xffff  }
0x112: {  	v27 =	vor.u32 s18, v8;
	v26 =	vadd.s32 v49, v26;
	[tilespmem:v40+s10+$0x0] =	vst.idx.msk $0xffff, v0;
	v58, _, _ =	vpop (xrf0);
	(xrf0) =	vadd.scan.msk.s32 $0xffff, v31;
	v31 =	vld.idx.msk [tilespmem:v52+s10+$0x0], $0xffff  }
0x113: {  	v37 =	vor.u32 s18, v12;
	v26 =	vadd.s32 v36, v26;
	v45 =	vor.u32 s19, v12;
	[tilespmem:v43+s10+$0x0] =	vst.idx.msk $0xffff, v0;
	v35 =	vld.idx.msk [tilespmem:v24+s10+$0x0], $0xffff  }
0x114: {  	[tilespmem:v52+s10+$0x0] =	vst.idx.msk $0xffff, v0;
	v54 =	vadd.s32 v25, v58;
	v25 =	vadd.s32 v47, v26;
	v26 =	vld.idx.msk [tilespmem:v46+s10+$0x0], $0xffff  }
0x115: {  	v28 =	vor.u32 s19, v7;
	v55 =	vor.u32 s19, v9;
	[tilespmem:v46+s10+$0x0] =	vst.idx.msk $0xffff, v0;
	v34 =	vadd.s32 v56, v25;
	v25 =	vld.idx.msk [tilespmem:v44+s10+$0x0], $0xffff  }
0x116: {  	v49 =	vor.u32 s19, v61;
	v43 =	vor.u32 s19, v18;
	[tilespmem:v24+s10+$0x0] =	vst.idx.msk $0xffff, v0;
	v56 =	vadd.s32 v39, v57;
	v57 =	vld.idx.msk [tilespmem:v41+s10+$0x0], $0xffff  }
0x117: {  	v58 =	vor.u32 s19, v59;
	vm0 =	vlt.s32 v54, $0x4000;
	[tilespmem:v41+s10+$0x0] =	vst.idx.msk $0xffff, v0;
	v41 =	vld.idx.msk [tilespmem:v22+s10+$0x0], $0xffff;
	v30 =	vadd.s32 v30, v34  }
0x118: {  	v36 =	vbroadcast v54, $0xF;
	v46 =	vor.u32 s15, v14;
	[tilespmem:v44+s10+$0x0] =	vst.idx.msk $0xffff, v0;
	v24 =	vadd.s32 v35, v30;
	v30 =	vld.idx.msk [tilespmem:v45+s10+$0x0], $0xffff  }
0x119: {  	v52 =	vnsel vm0, $0x0, v54;
	v44 =	vor.u32 s19, v13;
	v54, _, _ =	vpop (xrf0);
	[tilespmem:v45+s10+$0x0] =	vst.idx.msk $0xffff, v0;
	(xrf0) =	vadd.scan.msk.s32 $0xffff, v24;
	v24 =	vld.idx.msk [tilespmem:v53+s10+$0x0], $0xffff  }
0x11a: {  	v34 =	vadd.s32 v42, v56;
	v56 =	vor.u32 s19, v60;
	v35 =	vsel vm0, $0x1, v0;
	v42 =	vld.idx.msk [tilespmem:v55+s10+$0x0], $0xffff;
	[tilespmem:v53+s10+$0x0] =	vst.idx.msk $0xffff, v0  }
0x11b: {  	vm0 =	vgt.s32 v33, v52;
	[tilespmem:v55+s10+$0x0] =	vst.idx.msk $0xffff, v0;
	v34 =	vadd.s32 v26, v34;
	v26 =	vld.idx.msk [tilespmem:v27+s10+$0x0], $0xffff  }
0x11c: {  	v36 =	vadd.s32 v36, v54;
	v33 =	vsel vm0, v33, v52;
	v38 =	vld.idx.msk [tilespmem:v43+s10+$0x0], $0xffff;
	[tilespmem:v27+s10+$0x0] =	vst.idx.msk $0xffff, v0  }
0x11d: {  	v48 =	vor.u32 s18, v9;
	v19 =	vadd.s32 v35, v21;
	vm1 =	vlt.s32 v36, $0x4000;
	[tilespmem:v43+s10+$0x0] =	vst.idx.msk $0xffff, v0;
	v27 =	vld.idx.msk [tilespmem:v37+s10+$0x0], $0xffff  }
0x11e: {  	v39 =	vor.u32 s18, v18;
	v55 =	vnsel vm1, $0x0, v36;
	v34 =	vadd.s32 v57, v34;
	v45 =	vld.idx.msk [tilespmem:v58+s10+$0x0], $0xffff;
	[tilespmem:v58+s10+$0x0] =	vst.idx.msk $0xffff, v0  }
0x11f: {  	v40 =	vsel vm1, $0x1, v0;
	[tilespmem:v37+s10+$0x0] =	vst.idx.msk $0xffff, v0;
	v37 =	vor.u32 s15, v6;
	vm0 =	vgt.s32 v33, v55;
	v58 =	vld.idx.msk [tilespmem:v44+s10+$0x0], $0xffff  }
0x120: {  	[tilespmem:v44+s10+$0x0] =	vst.idx.msk $0xffff, v0;
	v33 =	vsel vm0, v33, v55;
	v34 =	vadd.s32 v30, v34;
	v55 =	vld.idx.msk [tilespmem:v46+s10+$0x0], $0xffff  }
0x121: {  	v19 =	vadd.s32 v40, v19;
	v40 =	vld.idx.msk [tilespmem:v56+s10+$0x0], $0xffff;
	[tilespmem:v46+s10+$0x0] =	vst.idx.msk $0xffff, v0;
	v34 =	vadd.s32 v42, v34  }
0x122: {  	v57 =	vor.u32 s15, v5;
	[tilespmem:v56+s10+$0x0] =	vst.idx.msk $0xffff, v0;
	v56 =	vadd.s32 v38, v34;
	v34 =	vld.idx.msk [tilespmem:v48+s10+$0x0], $0xffff  }
0x123: {  	[tilespmem:v48+s10+$0x0] =	vst.idx.msk $0xffff, v0;
	v38 =	vld.idx.msk [tilespmem:v49+s10+$0x0], $0xffff  }
0x124: {  	v47 =	vor.u32 s15, v8;
	v36 =	vbroadcast v36, $0xF;
	[tilespmem:v49+s10+$0x0] =	vst.idx.msk $0xffff, v0;
	v42 =	vld.idx.msk [tilespmem:v37+s10+$0x0], $0xffff  }
0x125: {  	v23 =	vor.u32 s17, v6;
	v20 =	vor.u32 s15, v12;
	v51 =	vor.u32 s18, v59;
	v30, _, _ =	vpop (xrf0);
	[tilespmem:v37+s10+$0x0] =	vst.idx.msk $0xffff, v0;
	v37 =	vld.idx.msk [tilespmem:v39+s10+$0x0], $0xffff  }
0x126: {  	[tilespmem:v22+s10+$0x0] =	vst.idx.msk $0xffff, v0;
	v31 =	vadd.s32 v32, v31;
	v36 =	vadd.s32 v36, v30;
	v44 =	vld.idx.msk [tilespmem:v28+s10+$0x0], $0xffff  }
0x127: {  	v53 =	vor.u32 s17, v5;
	vm0 =	vlt.s32 v36, $0x4000;
	v32 =	vld.idx.msk [tilespmem:v57+s10+$0x0], $0xffff;
	[tilespmem:v57+s10+$0x0] =	vst.idx.msk $0xffff, v0;
	v57 =	vor.u32 s15, v9  }
0x128: {  	[tilespmem:v39+s10+$0x0] =	vst.idx.msk $0xffff, v0;
	v30 =	vbroadcast v36, $0xF;
	v9 =	vld [tilespmem:$0x1FF10];
	v21 =	vsel vm0, $0x1, v0;
	v36 =	vnsel vm0, $0x0, v36  }
0x129: {  	v43 =	vld.idx.msk [tilespmem:v47+s10+$0x0], $0xffff;
	[tilespmem:v47+s10+$0x0] =	vst.idx.msk $0xffff, v0;
	v21 =	vadd.s32 v21, v19;
	vm0 =	vgt.s32 v33, v36  }
0x12a: {  	v47 =	vld.idx.msk [tilespmem:v20+s10+$0x0], $0xffff;
	v19 =	vsel vm0, v33, v36;
	v36 =	vadd.s32 v29, v41;
	v29 =	vadd.s32 v45, v56  }
0x12b: {  	[tilespmem:v20+s10+$0x0] =	vst.idx.msk $0xffff, v0;
	v45 =	vor.u32 s15, v18;
	v18 =	vld [tilespmem:$0x1FF20];
	v33 =	vadd.s32 v58, v29  }
0x12c: {  	[tilespmem:v28+s10+$0x0] =	vst.idx.msk $0xffff, v0;
	v29 =	vor.u32 s19, v11;
	v49 =	vld.idx.msk [tilespmem:v57+s10+$0x0], $0xffff;
	v33 =	vadd.s32 v40, v33  }
0x12d: {  	v58 =	vor.u32 s19, v3;
	[tilespmem:v57+s10+$0x0] =	vst.idx.msk $0xffff, v0;
	v22 =	vadd.s32 v38, v33;
	v38 =	vld.idx.msk [tilespmem:v23+s10+$0x0], $0xffff  }
0x12e: {  	[tilespmem:v23+s10+$0x0] =	vst.idx.msk $0xffff, v0;
	v22 =	vadd.s32 v44, v22;
	v44 =	vld.idx.msk [tilespmem:v51+s10+$0x0], $0xffff  }
0x12f: {  	v46 =	vor.u32 s19, v4;
	[tilespmem:v51+s10+$0x0] =	vst.idx.msk $0xffff, v0;
	v51 =	vld.idx.msk [tilespmem:v53+s10+$0x0], $0xffff  }
0x130: {  	v40 =	vor.u32 s15, v59;
	v39 =	vld.idx.msk [tilespmem:v45+s10+$0x0], $0xffff;
	[tilespmem:v45+s10+$0x0] =	vst.idx.msk $0xffff, v0  }
0x131: {  	v45 =	vor.u32 s15, v13;
	v48 =	vld.idx.msk [tilespmem:v29+s10+$0x0], $0xffff;
	[tilespmem:v29+s10+$0x0] =	vst.idx.msk $0xffff, v0  }
0x132: {  	v35 =	vadd.s32 v50, v55;
	v56 =	vor.u32 s18, v13;
	v50 =	vld.idx.msk [tilespmem:v58+s10+$0x0], $0xffff  }
0x133: {  	v52 =	vor.u32 s15, v61;
	v57 =	vor.u32 s17, v59;
	[tilespmem:v58+s10+$0x0] =	vst.idx.msk $0xffff, v0;
	v58 =	vor.u32 s17, v1;
	v1 =	vld [tilespmem:$0x1FF10]  }
0x134: {  	v59 =	vor.u32 s18, v60;
	v23 =	vadd.s32 v42, v35;
	v55 =	vld.idx.msk [tilespmem:v46+s10+$0x0], $0xffff;
	[tilespmem:v46+s10+$0x0] =	vst.idx.msk $0xffff, v0;
	v46 =	vor.u32 s17, v8  }
0x135: {  	v32 =	vadd.s32 v32, v23;
	v23 =	vld.idx.msk [tilespmem:v40+s10+$0x0], $0xffff;
	[tilespmem:v40+s10+$0x0] =	vst.idx.msk $0xffff, v0;
	v15 =	vadd.s32 v38, v36  }
0x136: {  	v36 =	vld.idx.msk [tilespmem:v45+s10+$0x0], $0xffff;
	v22 =	vadd.s32 v48, v22;
	v48 =	vor.u32 s18, v61;
	v61 =	vor.u32 s17, v12  }
0x137: {  	[tilespmem:v53+s10+$0x0] =	vst.idx.msk $0xffff, v0;
	v22 =	vadd.s32 v50, v22;
	v50 =	vld.idx.msk [tilespmem:v56+s10+$0x0], $0xffff  }
0x138: {  	v2 =	vmovc v60;
	v28 =	vor.u32 s17, v60;
	v41 =	vor.u32 s15, v60;
	[tilespmem:v45+s10+$0x0] =	vst.idx.msk $0xffff, v0;
	v60 =	vor.u32 s17, v1;
	v1 =	vld [tilespmem:$0x1FF00]  }
0x139: {  	v32 =	vadd.s32 v43, v32;
	[tilespmem:v56+s10+$0x0] =	vst.idx.msk $0xffff, v0;
	v22 =	vadd.s32 v55, v22;
	v55 =	vld.idx.msk [tilespmem:v46+s10+$0x0], $0xffff  }
0x13a: {  	v35 =	vor.u32 s18, v7;
	[tilespmem:v46+s10+$0x0] =	vst.idx.msk $0xffff, v0;
	(xrf0) =	vadd.scan.msk.s32 $0xffff, v22;
	v22 =	vadd.s32 v25, v31;
	v31 =	vld.idx.msk [tilespmem:v59+s10+$0x0], $0xffff  }
0x13b: {  	v25 =	vadd.s32 v47, v32;
	[tilespmem:v59+s10+$0x0] =	vst.idx.msk $0xffff, v0;
	v24 =	vadd.s32 v24, v22;
	v22 =	vld.idx.msk [tilespmem:v61+s10+$0x0], $0xffff  }
0x13c: {  	v33 =	vor.u32 s18, v11;
	v25 =	vadd.s32 v49, v25;
	v49 =	vld.idx.msk [tilespmem:v48+s10+$0x0], $0xffff;
	[tilespmem:v61+s10+$0x0] =	vst.idx.msk $0xffff, v0  }
0x13d: {  	v61 =	vld [tilespmem:$0x1FF40];
	[tilespmem:v48+s10+$0x0] =	vst.idx.msk $0xffff, v0  }
0x13e: {  	v56 =	vor.u32 s18, v3;
	v24 =	vadd.s32 v26, v24;
	v26 =	vld.idx.msk [tilespmem:v60+s10+$0x0], $0xffff;
	[tilespmem:v60+s10+$0x0] =	vst.idx.msk $0xffff, v0  }
0x13f: {  	v54 =	vor.u32 s17, v13;
	v29 =	vor.u32 s15, v7;
	v53 =	vld.idx.msk [tilespmem:v35+s10+$0x0], $0xffff;
	[tilespmem:v35+s10+$0x0] =	vst.idx.msk $0xffff, v0  }
0x140: {  	v10 =	vadd.s32 v51, v15;
	v24 =	vadd.s32 v27, v24;
	v27 =	vld.idx.msk [tilespmem:v58+s10+$0x0], $0xffff;
	[tilespmem:v58+s10+$0x0] =	vst.idx.msk $0xffff, v0  }
0x141: {  	v24 =	vadd.s32 v34, v24;
	v34 =	vadd.s32 v55, v10;
	v55 =	vld.idx.msk [tilespmem:v33+s10+$0x0], $0xffff;
	[tilespmem:v33+s10+$0x0] =	vst.idx.msk $0xffff, v0  }
0x142: {  	s16 =	sadd.s32 $0x4, s16;
	v20 =	vor.u32 s18, v4;
	v42 =	vor.u32 s15, v11;
	v24 =	vadd.s32 v37, v24;
	v37 =	vld.idx.msk [tilespmem:v41+s10+$0x0], $0xffff;
	[tilespmem:v41+s10+$0x0] =	vst.idx.msk $0xffff, v0  }
0x143: {  	p0 =	slt.u32 s16, $0x3C;
	s14 =	smov.u32 s17;
	v32 =	vadd.s32 v39, v25;
	v40 =	vld.idx.msk [tilespmem:v56+s10+$0x0], $0xffff;
	[tilespmem:v56+s10+$0x0] =	vst.idx.msk $0xffff, v0;
	v25, _, _ =	vpop (xrf0);
	v24 =	vadd.s32 v44, v24  }
.Ltmp3:
0x144: {  	v41 =	vor.u32 s14, v7;
	v35 =	vld.idx.msk [tilespmem:v52+s10+$0x0], $0xffff;
	v25 =	vadd.s32 v30, v25;
	v24 =	vadd.s32 v50, v24;
	(pc) =	sbr.rel @p0 .LBB2_6-.Ltmp3, $4  }
0x145: {  	[tilespmem:v52+s10+$0x0] =	vst.idx.msk $0xffff, v0;
	v44 =	vor.u32 s15, v3;
	v30 =	vld.idx.msk [tilespmem:v57+s10+$0x0], $0xffff;
	vm0 =	vlt.s32 v25, $0x4000;
	v24 =	vadd.s32 v31, v24  }
0x146: {  	[tilespmem:v57+s10+$0x0] =	vst.idx.msk $0xffff, v0;
	v43 =	vor.u32 s17, v61;
	v38 =	vld.idx.msk [tilespmem:v29+s10+$0x0], $0xffff;
	v33 =	vnsel vm0, $0x0, v25;
	v24 =	vadd.s32 v49, v24  }
0x147: {  	v60 =	vmovc v2;
	v31 =	vld.idx.msk [tilespmem:v54+s10+$0x0], $0xffff;
	v58 =	vsel vm0, $0x1, v0;
	vm0 =	vgt.s32 v19, v33;
	v24 =	vadd.s32 v53, v24  }
0x148: {  	v59 =	vld [tilespmem:$0x1FF30];
	[tilespmem:v54+s10+$0x0] =	vst.idx.msk $0xffff, v0;
	v21 =	vadd.s32 v58, v21;
	v39 =	vadd.s32 v55, v24;
	v24 =	vor.u32 s17, v4;
	s17 =	sadd.s32 $0x400, s17  }
.LBB2_7:
0x149: {  	_ =	sdelay $0x3  }
0x14a: {  	v45 =	vld.idx.msk [tilespmem:v28+s10+$0x0], $0xffff;
	[tilespmem:v28+s10+$0x0] =	vst.idx.msk $0xffff, v0  }
0x14b: {  	v46 =	vld.idx.msk [tilespmem:v20+s10+$0x0], $0xffff;
	[tilespmem:v29+s10+$0x0] =	vst.idx.msk $0xffff, v0;
	v29 =	vor.u32 s15, v4  }
0x14c: {  	v28 =	vor.u32 s14, v11;
	v47 =	vld.idx.msk [tilespmem:v43+s10+$0x0], $0xffff;
	[tilespmem:v43+s10+$0x0] =	vst.idx.msk $0xffff, v0  }
0x14d: {  	v58 =	vor.u32 s14, v3;
	v23 =	vadd.s32 v23, v32;
	v48 =	vld.idx.msk [tilespmem:v42+s10+$0x0], $0xffff;
	[tilespmem:v42+s10+$0x0] =	vst.idx.msk $0xffff, v0  }
0x14e: {  	v22 =	vadd.s32 v22, v34;
	v23 =	vadd.s32 v36, v23;
	v42 =	vld.idx.msk [tilespmem:v41+s10+$0x0], $0xffff;
	[tilespmem:v41+s10+$0x0] =	vst.idx.msk $0xffff, v0  }
0x14f: {  	v22 =	vadd.s32 v26, v22;
	v49 =	vld.idx.msk [tilespmem:v44+s10+$0x0], $0xffff;
	v23 =	vadd.s32 v37, v23;
	[tilespmem:v44+s10+$0x0] =	vst.idx.msk $0xffff, v0  }
0x150: {  	v22 =	vadd.s32 v27, v22;
	v50 =	vadd.s32 v40, v39;
	v23 =	vadd.s32 v35, v23;
	v51 =	vld.idx.msk [tilespmem:v29+s10+$0x0], $0xffff  }
0x151: {  	v22 =	vadd.s32 v30, v22;
	v23 =	vadd.s32 v38, v23;
	v26 =	vld.idx.msk [tilespmem:v28+s10+$0x0], $0xffff;
	[tilespmem:v28+s10+$0x0] =	vst.idx.msk $0xffff, v0  }
0x152: {  	v22 =	vadd.s32 v31, v22;
	v27 =	vadd.s32 v46, v50;
	v28 =	vld.idx.msk [tilespmem:v58+s10+$0x0], $0xffff;
	[tilespmem:v58+s10+$0x0] =	vst.idx.msk $0xffff, v0  }
0x153: {  	v22 =	vadd.s32 v45, v22;
	(xrf0) =	vadd.scan.msk.s32 $0xffff, v27;
	v23 =	vadd.s32 v48, v23;
	v27 =	vld.idx.msk [tilespmem:v24+s10+$0x0], $0xffff  }
0x154: {  	v22 =	vadd.s32 v47, v22;
	v23 =	vadd.s32 v49, v23  }
0x155: {  	v22 =	vadd.s32 v42, v22;
	v23 =	vadd.s32 v51, v23  }
0x156: {  	v22 =	vadd.s32 v26, v22;
	(xrf0) =	vadd.scan.msk.s32 $0xffff, v23  }
0x157: {  	v22 =	vadd.s32 v28, v22  }
0x158: {  	v23 =	vbroadcast v25, $0xF;
	v22 =	vadd.s32 v27, v22  }
0x159: {  	v25, _, _ =	vpop (xrf0);
	(xrf0) =	vadd.scan.msk.s32 $0xffff, v22  }
0x15a: {  	v22 =	vadd.s32 v23, v25  }
0x15b: {  	v23 =	vbroadcast v22, $0xF  }
0x15c: {  	v25, _, _ =	vpop (xrf0)  }
0x15d: {  	v23 =	vadd.s32 v23, v25  }
0x15e: {  	v25 =	vbroadcast v23, $0xF  }
0x15f: {  	vm1 =	vlt.s32 v22, $0x4000;
	v26, _, _ =	vpop (xrf0)  }
0x160: {  	v27 =	vsel vm1, $0x1, v0;
	vm2 =	vlt.s32 v23, $0x4000;
	v25 =	vadd.s32 v25, v26  }
0x161: {  	v21 =	vadd.s32 v27, v21;
	v26 =	vsel vm2, $0x1, v0;
	vm3 =	vlt.s32 v25, $0x4000  }
0x162: {  	v21 =	vadd.s32 v26, v21;
	v26 =	vsel vm3, $0x1, v0  }
0x163: {  	v21 =	vadd.s32 v26, v21  }
0x164: {  	(xrf0) =	vadd.scan.msk.s32 $0xffff, v21;
	_ =	sdelay $0x3  }
0x165: {  	[tilespmem:v20+s10+$0x0] =	vst.idx.msk $0xffff, v0  }
0x166: {  	[tilespmem:v29+s10+$0x0] =	vst.idx.msk $0xffff, v0  }
0x167: {  	v19 =	vsel vm0, v19, v33;
	[tilespmem:v24+s10+$0x0] =	vst.idx.msk $0xffff, v0;
	v21 =	vnsel vm1, $0x0, v22;
	v2, _, _ =	vpop (xrf0)  }
0x168: {  	s31 =	simm.s32 $0x40;
	vm0 =	vgt.s32 v19, v21;
	[tilespmem:$0x1FEF0] =	vst v2  }
0x169: {  	v19 =	vsel vm0, v19, v21;
	v21 =	vnsel vm2, $0x0, v23;
	v23 =	vld [tilespmem:s31+$0x30]  }
0x16a: {  	v32 =	vld [tilespmem:s31+$0xFFFFFFD0]  }
0x16b: {  	v33 =	vld [tilespmem:s31+$0xFFFFFFE0]  }
0x16c: {  	v34 =	vld [tilespmem:s31+$0xFFFFFFF0]  }
0x16d: {  	v22 =	vld [tilespmem:s31+$0x20]  }
0x16e: {  	vm0 =	vgt.s32 v19, v21;
	v31 =	vld [tilespmem:s31+$0xFFFFFFC0]  }
0x16f: {  	v20 =	vsel vm0, v19, v21;
	v21 =	vnsel vm3, $0x0, v25;
	v35 =	vld [tilespmem:s31+$0x0]  }
0x170: {  	vm0 =	vgt.s32 v20, v21;
	v36 =	vld [tilespmem:s31+$0x10]  }
0x171: {  	v20 =	vsel vm0, v20, v21;
	v21 =	vbroadcast v2, $0xF;
	v24 =	vshrl.u32 v23, $0xA  }
0x172: {  	v25 =	vshrl.u32 v32, $0xA;
	v26 =	vshrl.u32 v23, $0x6;
	v23 =	vshra.s32 v23, $0x14  }
0x173: {  	v28 =	vshrl.u32 v22, $0xA;
	v29 =	vshrl.u32 v31, $0xA;
	v37 =	vshrl.u32 v31, $0x6  }
0x174: {  	v38 =	vshrl.u32 v32, $0x6;
	v40 =	vshrl.u32 v33, $0x6;
	v42 =	vshrl.u32 v34, $0x6  }
0x175: {  	v43 =	vshrl.u32 v35, $0x6;
	v52 =	vshrl.u32 v36, $0x6;
	v31 =	vshra.s32 v31, $0x14  }
0x176: {  	v32 =	vshra.s32 v32, $0x14;
	v24 =	vand.u32 $0xF, v24;
	v27 =	vand.u32 $0x3F80, v26  }
0x177: {  	vm15 =	veq.s32 v23, v21;
	v23 =	vand.u32 $0x70, v26;
	v26 =	vshrl.u32 v33, $0xA  }
0x178: {  	v29 =	vand.u32 $0xF, v29;
	v28 =	vand.u32 $0xF, v28;
	v55 =	vand.u32 $0x3F80, v38  }
0x179: {  	v57 =	vand.u32 $0x3F80, v42;
	v49 =	vand.u32 $0x3F80, v43;
	v39 =	vand.u32 $0x70, v37  }
0x17a: {  	v33 =	vshra.s32 v33, $0x14;
	v24 =	vxor.u32 v62, v24;
	v26 =	vand.u32 $0xF, v26  }
0x17b: {  	v29 =	vxor.u32 v62, v29;
	v56 =	vxor.u32 v62, v28;
	v28 =	vand.u32 $0x3F80, v40  }
0x17c: {  	v24 =	vor.u32 v27, v24;
	v27 =	vshrl.u32 v34, $0xA;
	v26 =	vxor.u32 v62, v26  }
0x17d: {  	v34 =	vshra.s32 v34, $0x14;
	v41 =	vor.u32 v23, v24;
	v24 =	vand.u32 $0xF, v25  }
0x17e: {  	v23 =	vshrl.u32 v35, $0xA;
	v25 =	vshrl.u32 v36, $0xA;
	v27 =	vand.u32 $0xF, v27  }
0x17f: {  	v28 =	vor.u32 v28, v26;
	v35 =	vshra.s32 v35, $0x14;
	v36 =	vshra.s32 v36, $0x14  }
0x180: {  	v30 =	vand.u32 $0xF, v23;
	v25 =	vand.u32 $0xF, v25;
	v23 =	vshrl.u32 v22, $0x6  }
0x181: {  	v24 =	vxor.u32 v62, v24;
	v53 =	vxor.u32 v62, v27;
	v27 =	vand.u32 $0x3F80, v37  }
0x182: {  	v37 =	vand.u32 $0x70, v38;
	v38 =	vand.u32 $0x70, v40;
	v40 =	vand.u32 $0x70, v42  }
0x183: {  	v42 =	vand.u32 $0x70, v52;
	v54 =	vxor.u32 v62, v30;
	v25 =	vxor.u32 v62, v25  }
0x184: {  	v30 =	vor.u32 v27, v29;
	v27 =	vor.u32 v55, v24;
	v24 =	vand.u32 $0x3F80, v52  }
0x185: {  	v58 =	vand.u32 $0x3F80, v23;
	v29 =	vor.u32 v57, v53;
	v26 =	vor.u32 v49, v54  }
0x186: {  	s14 =	simm.s32 $0x0;
	s15 =	simm.s32 $0xC0;
	v25 =	vor.u32 v24, v25;
	v24 =	vor.u32 v58, v56;
	[tilespmem:v41+s10+$0x0] =	vst.idx.add.s32.msk vm15, v63;
	v41 =	vand.u32 $0x70, v43  }
.LBB2_8:
0x187: {  	v43 =	vld [tilespmem:s15+$0x30];
	s14 =	sadd.s32 $0x8, s14;
	v30 =	vor.u32 v39, v30;
	v22 =	vshra.s32 v22, $0x14;
	v23 =	vand.u32 $0x70, v23  }
0x188: {  	v27 =	vor.u32 v37, v27;
	v28 =	vor.u32 v38, v28;
	v29 =	vor.u32 v40, v29;
	v44 =	vld [tilespmem:s15+$0xFFFFFFD0];
	p0 =	slt.u32 s14, $0x7F8  }
0x189: {  	v26 =	vor.u32 v41, v26;
	v25 =	vor.u32 v42, v25;
	v24 =	vor.u32 v23, v24;
	v38 =	vld [tilespmem:s15+$0xFFFFFFE0]  }
0x18a: {  	vm6 =	veq.s32 v31, v21;
	vm5 =	veq.s32 v32, v21;
	vm4 =	veq.s32 v33, v21;
	v40 =	vld [tilespmem:s15+$0xFFFFFFF0]  }
0x18b: {  	vm3 =	veq.s32 v34, v21;
	vm2 =	veq.s32 v35, v21;
	vm1 =	veq.s32 v36, v21;
	v41 =	vld [tilespmem:s15+$0x0]  }
0x18c: {  	vm0 =	veq.s32 v22, v21;
	v36 =	vld [tilespmem:s15+$0x10];
	v23 =	vshrl.u32 v43, $0xA  }
0x18d: {  	v32 =	vshrl.u32 v43, $0x6;
	v31 =	vshrl.u32 v44, $0xA;
	v22 =	vld [tilespmem:s15+$0x20];
	v23 =	vand.u32 $0xF, v23  }
0x18e: {  	v34 =	vshra.s32 v43, $0x14;
	v35 =	vand.u32 $0x3F80, v32;
	v33 =	vld [tilespmem:s15+$0xFFFFFFC0];
	v23 =	vxor.u32 v62, v23  }
0x18f: {  	vm7 =	veq.s32 v34, v21;
	v32 =	vand.u32 $0x70, v32;
	v23 =	vor.u32 v35, v23  }
0x190: {  	v34 =	vshrl.u32 v38, $0xA;
	v35 =	vshrl.u32 v40, $0xA;
	v23 =	vor.u32 v32, v23;
	[tilespmem:v30+s10+$0x0] =	vst.idx.add.s32.msk vm6, v63  }
0x191: {  	v30 =	vand.u32 $0xF, v31;
	v31 =	vshrl.u32 v41, $0xA;
	v32 =	vshrl.u32 v36, $0xA;
	[tilespmem:v27+s10+$0x0] =	vst.idx.add.s32.msk vm5, v63  }
0x192: {  	v27 =	vand.u32 $0xF, v34;
	v34 =	vand.u32 $0xF, v35;
	v35 =	vshrl.u32 v22, $0xA;
	[tilespmem:v28+s10+$0x0] =	vst.idx.add.s32.msk vm4, v63  }
0x193: {  	v31 =	vand.u32 $0xF, v31;
	v32 =	vand.u32 $0xF, v32;
	v28 =	vshrl.u32 v33, $0xA;
	[tilespmem:v29+s10+$0x0] =	vst.idx.add.s32.msk vm3, v63  }
0x194: {  	v37 =	vshrl.u32 v33, $0x6;
	v29 =	vand.u32 $0xF, v35;
	v28 =	vand.u32 $0xF, v28;
	[tilespmem:v26+s10+$0x0] =	vst.idx.add.s32.msk vm2, v63  }
0x195: {  	v42 =	vshrl.u32 v38, $0x6;
	v43 =	vshrl.u32 v40, $0x6;
	v35 =	vshrl.u32 v44, $0x6;
	[tilespmem:v23+s10+$0x0] =	vst.idx.add.s32.msk vm7, v63  }
0x196: {  	v45 =	vshrl.u32 v41, $0x6;
	v46 =	vshrl.u32 v36, $0x6;
	v23 =	vshrl.u32 v22, $0x6;
	[tilespmem:v25+s10+$0x0] =	vst.idx.add.s32.msk vm1, v63  }
0x197: {  	v26 =	vxor.u32 v62, v30;
	v25 =	vxor.u32 v62, v28;
	v28 =	vxor.u32 v62, v27  }
0x198: {  	v34 =	vxor.u32 v62, v34;
	v31 =	vxor.u32 v62, v31;
	v32 =	vxor.u32 v62, v32  }
0x199: {  	v39 =	vand.u32 $0x3F80, v35;
	v47 =	vxor.u32 v62, v29;
	v27 =	vand.u32 $0x3F80, v37;
	[tilespmem:v24+s10+$0x0] =	vst.idx.add.s32.msk vm0, v63  }
0x19a: {  	v48 =	vand.u32 $0x3F80, v45;
	v29 =	vand.u32 $0x3F80, v43;
	v24 =	vand.u32 $0x3F80, v42  }
0x19b: {  	v49 =	vand.u32 $0x3F80, v23;
	v30 =	vor.u32 v27, v25;
	v25 =	vand.u32 $0x3F80, v46  }
0x19c: {  	v29 =	vor.u32 v29, v34;
	v27 =	vor.u32 v39, v26;
	v28 =	vor.u32 v24, v28  }
.Ltmp4:
0x19d: {  	v26 =	vor.u32 v48, v31;
	v25 =	vor.u32 v25, v32;
	v24 =	vor.u32 v49, v47;
	(pc) =	sbr.rel @p0 .LBB2_8-.Ltmp4, $4  }
0x19e: {  	v31 =	vshra.s32 v33, $0x14;
	v39 =	vand.u32 $0x70, v37;
	v32 =	vshra.s32 v44, $0x14  }
0x19f: {  	v37 =	vand.u32 $0x70, v35;
	v33 =	vshra.s32 v38, $0x14;
	v38 =	vand.u32 $0x70, v42  }
0x1a0: {  	v34 =	vshra.s32 v40, $0x14;
	v40 =	vand.u32 $0x70, v43;
	v35 =	vshra.s32 v41, $0x14  }
0x1a1: {  	s15 =	sadd.s32 $0x80, s15;
	v36 =	vshra.s32 v36, $0x14;
	v41 =	vand.u32 $0x70, v45;
	v42 =	vand.u32 $0x70, v46  }
0x1a2: {  	vm0 =	veq.s32 v31, v21  }
0x1a3: {  	v30 =	vor.u32 v39, v30;
	vm1 =	veq.s32 v32, v21  }
0x1a4: {  	v27 =	vor.u32 v37, v27;
	vm2 =	veq.s32 v33, v21  }
0x1a5: {  	v28 =	vor.u32 v38, v28;
	vm3 =	veq.s32 v34, v21  }
0x1a6: {  	v29 =	vor.u32 v40, v29;
	vm4 =	veq.s32 v35, v21  }
0x1a7: {  	v22 =	vshra.s32 v22, $0x14;
	v26 =	vor.u32 v41, v26;
	vm5 =	veq.s32 v36, v21  }
0x1a8: {  	v23 =	vand.u32 $0x70, v23;
	v25 =	vor.u32 v42, v25;
	vm6 =	veq.s32 v22, v21;
	[tilespmem:v30+s10+$0x0] =	vst.idx.add.s32.msk vm0, v63  }
0x1a9: {  	s18 =	simm.s32 $0x0;
	v21 =	vor.u32 v23, v24;
	[tilespmem:v27+s10+$0x0] =	vst.idx.add.s32.msk vm1, v63  }
0x1aa: {  	s17 =	simm.s32 $0x300;
	v22 =	vor.u32 s18, v1;
	[tilespmem:v28+s10+$0x0] =	vst.idx.add.s32.msk vm2, v63  }
0x1ab: {  	v23 =	vor.u32 s17, v1;
	[tilespmem:v29+s10+$0x0] =	vst.idx.add.s32.msk vm3, v63  }
0x1ac: {  	s16 =	simm.s32 $0x100;
	v24 =	vor.u32 s18, v14;
	[tilespmem:v26+s10+$0x0] =	vst.idx.add.s32.msk vm4, v63  }
0x1ad: {  	[tilespmem:v25+s10+$0x0] =	vst.idx.add.s32.msk vm5, v63;
	v25 =	vor.u32 s16, v1  }
0x1ae: {  	v26 =	vor.u32 s18, v6;
	[tilespmem:v21+s10+$0x0] =	vst.idx.add.s32.msk vm6, v63  }
0x1af: {  	v27 =	vor.u32 s16, v14;
	v28 =	vld.idx.msk [tilespmem:v22+s10+$0x0], $0xffff;
	[tilespmem:v22+s10+$0x0] =	vst.idx.msk $0xffff, v0  }
0x1b0: {  	v29 =	vor.u32 s18, v5;
	v30 =	vld.idx.msk [tilespmem:v23+s10+$0x0], $0xffff;
	[tilespmem:v23+s10+$0x0] =	vst.idx.msk $0xffff, v0  }
0x1b1: {  	v15 =	vor.u32 s18, v8;
	v31 =	vld.idx.msk [tilespmem:v24+s10+$0x0], $0xffff;
	[tilespmem:v24+s10+$0x0] =	vst.idx.msk $0xffff, v0  }
0x1b2: {  	v22 =	vor.u32 s16, v6;
	v33 =	vld.idx.msk [tilespmem:v25+s10+$0x0], $0xffff;
	[tilespmem:v25+s10+$0x0] =	vst.idx.msk $0xffff, v0  }
0x1b3: {  	v24 =	vor.u32 s17, v14;
	v25 =	vld.idx.msk [tilespmem:v26+s10+$0x0], $0xffff;
	[tilespmem:v26+s10+$0x0] =	vst.idx.msk $0xffff, v0  }
0x1b4: {  	v16 =	vor.u32 s18, v12;
	v17 =	vld.idx.msk [tilespmem:v27+s10+$0x0], $0xffff;
	[tilespmem:v27+s10+$0x0] =	vst.idx.msk $0xffff, v0  }
0x1b5: {  	v63 =	vor.u32 s16, v5;
	v36 =	vld.idx.msk [tilespmem:v29+s10+$0x0], $0xffff;
	[tilespmem:v29+s10+$0x0] =	vst.idx.msk $0xffff, v0  }
0x1b6: {  	v26 =	vor.u32 s17, v6;
	v41 =	vld.idx.msk [tilespmem:v15+s10+$0x0], $0xffff;
	[tilespmem:v15+s10+$0x0] =	vst.idx.msk $0xffff, v0  }
0x1b7: {  	v27 =	vor.u32 s18, v9;
	v38 =	vld.idx.msk [tilespmem:v22+s10+$0x0], $0xffff;
	[tilespmem:v22+s10+$0x0] =	vst.idx.msk $0xffff, v0  }
0x1b8: {  	s15 =	simm.s32 $0x200;
	v23 =	vor.u32 s17, v5;
	v19 =	vld.idx.msk [tilespmem:v24+s10+$0x0], $0xffff;
	[tilespmem:v24+s10+$0x0] =	vst.idx.msk $0xffff, v0  }
0x1b9: {  	v29 =	vor.u32 s15, v1;
	v43 =	vld.idx.msk [tilespmem:v16+s10+$0x0], $0xffff;
	[tilespmem:v16+s10+$0x0] =	vst.idx.msk $0xffff, v0  }
0x1ba: {  	v58 =	vor.u32 s17, v8;
	v34 =	vld.idx.msk [tilespmem:v63+s10+$0x0], $0xffff;
	[tilespmem:v63+s10+$0x0] =	vst.idx.msk $0xffff, v0  }
0x1bb: {  	v24 =	vor.u32 s18, v18;
	v44 =	vld.idx.msk [tilespmem:v26+s10+$0x0], $0xffff;
	[tilespmem:v26+s10+$0x0] =	vst.idx.msk $0xffff, v0  }
0x1bc: {  	v22 =	vor.u32 s17, v12;
	v26 =	vld.idx.msk [tilespmem:v27+s10+$0x0], $0xffff;
	[tilespmem:v27+s10+$0x0] =	vst.idx.msk $0xffff, v0  }
0x1bd: {  	v62 =	vor.u32 s18, v59;
	v45 =	vld.idx.msk [tilespmem:v23+s10+$0x0], $0xffff;
	[tilespmem:v23+s10+$0x0] =	vst.idx.msk $0xffff, v0  }
0x1be: {  	v42 =	vld.idx.msk [tilespmem:v29+s10+$0x0], $0xffff;
	v27 =	vor.u32 s18, v13;
	[tilespmem:v29+s10+$0x0] =	vst.idx.msk $0xffff, v0  }
0x1bf: {  	v20 =	vxor.u32 $0x80000000, v20;
	v23 =	vor.u32 s16, v8;
	v48 =	vld.idx.msk [tilespmem:v58+s10+$0x0], $0xffff;
	[tilespmem:v58+s10+$0x0] =	vst.idx.msk $0xffff, v0  }
0x1c0: {  	(xrf0) =	vmax.scan.msk.u32 $0xffff, v20;
	v10 =	vor.u32 s16, v12;
	v47 =	vld.idx.msk [tilespmem:v24+s10+$0x0], $0xffff;
	[tilespmem:v24+s10+$0x0] =	vst.idx.msk $0xffff, v0  }
0x1c1: {  	v49 =	vor.u32 s18, v60;
	v53 =	vld.idx.msk [tilespmem:v22+s10+$0x0], $0xffff;
	[tilespmem:v22+s10+$0x0] =	vst.idx.msk $0xffff, v0  }
0x1c2: {  	v24 =	vor.u32 s15, v14;
	v50 =	vld.idx.msk [tilespmem:v62+s10+$0x0], $0xffff;
	[tilespmem:v62+s10+$0x0] =	vst.idx.msk $0xffff, v0  }
0x1c3: {  	v14 =	vor.u32 s16, v9;
	v51 =	vld.idx.msk [tilespmem:v27+s10+$0x0], $0xffff;
	[tilespmem:v27+s10+$0x0] =	vst.idx.msk $0xffff, v0  }
0x1c4: {  	v63 =	vadd.s32 v30, v19;
	v19 =	vor.u32 s17, v9;
	v46 =	vld.idx.msk [tilespmem:v23+s10+$0x0], $0xffff;
	[tilespmem:v23+s10+$0x0] =	vst.idx.msk $0xffff, v0  }
0x1c5: {  	v52 =	vor.u32 s15, v5;
	v29 =	vor.u32 s15, v6;
	v57 =	vld.idx.msk [tilespmem:v10+s10+$0x0], $0xffff;
	[tilespmem:v10+s10+$0x0] =	vst.idx.msk $0xffff, v0  }
0x1c6: {  	v55 =	vor.u32 s16, v18;
	v35 =	vor.u32 s15, v7;
	v20, _, _ =	vpop (xrf0);
	v5 =	vmov v59;
	v54 =	vld.idx.msk [tilespmem:v49+s10+$0x0], $0xffff;
	[tilespmem:v49+s10+$0x0] =	vst.idx.msk $0xffff, v0  }
0x1c7: {  	(v2sf) =	vpush v20, $0xF;
	v59 =	vor.u32 s16, v13;
	v15 =	vor.u32 s16, v5;
	v56 =	vld.idx.msk [tilespmem:v24+s10+$0x0], $0xffff;
	[tilespmem:v24+s10+$0x0] =	vst.idx.msk $0xffff, v0  }
0x1c8: {  	v28 =	vadd.s32 v28, v31;
	v6 =	vmov v61;
	v27 =	vor.u32 s16, v61;
	v61 =	vld.idx.msk [tilespmem:v14+s10+$0x0], $0xffff;
	[tilespmem:v14+s10+$0x0] =	vst.idx.msk $0xffff, v0  }
0x1c9: {  	v1 =	vmov v60;
	v25 =	vadd.s32 v25, v28;
	v58 =	vor.u32 s15, v8;
	v60 =	vld.idx.msk [tilespmem:v19+s10+$0x0], $0xffff;
	[tilespmem:v19+s10+$0x0] =	vst.idx.msk $0xffff, v0  }
0x1ca: {  	v32 =	vor.u32 s16, v1;
	v31 =	vor.u32 s15, v3;
	v25 =	vadd.s32 v36, v25;
	v39 =	vld.idx.msk [tilespmem:v29+s10+$0x0], $0xffff;
	[tilespmem:v29+s10+$0x0] =	vst.idx.msk $0xffff, v0  }
0x1cb: {  	v25 =	vadd.s32 v41, v25;
	v62 =	vor.u32 s15, v12;
	v12 =	vor.u32 s18, v6;
	v10 =	vld.idx.msk [tilespmem:v55+s10+$0x0], $0xffff;
	[tilespmem:v55+s10+$0x0] =	vst.idx.msk $0xffff, v0  }
0x1cc: {  	v36 =	vor.u32 s16, v3;
	v22 =	vor.u32 s15, v4;
	v24 =	vadd.s32 v33, v17;
	v37 =	vld.idx.msk [tilespmem:v52+s10+$0x0], $0xffff;
	[tilespmem:v52+s10+$0x0] =	vst.idx.msk $0xffff, v0  }
0x1cd: {  	v49 =	vadd.s32 v43, v25;
	v29 =	vadd.s32 v38, v24;
	v55 =	vld.idx.msk [tilespmem:v15+s10+$0x0], $0xffff;
	[tilespmem:v15+s10+$0x0] =	vst.idx.msk $0xffff, v0  }
0x1ce: {  	v30 =	vor.u32 s17, v3;
	v29 =	vadd.s32 v34, v29;
	v15 =	vor.u32 s17, v18;
	v40 =	vld.idx.msk [tilespmem:v58+s10+$0x0], $0xffff;
	[tilespmem:v58+s10+$0x0] =	vst.idx.msk $0xffff, v0  }
0x1cf: {  	v23 =	vor.u32 s16, v7;
	v38 =	vor.u32 s17, v5;
	v29 =	vadd.s32 v46, v29;
	v58 =	vld.idx.msk [tilespmem:v59+s10+$0x0], $0xffff;
	[tilespmem:v59+s10+$0x0] =	vst.idx.msk $0xffff, v0  }
0x1d0: {  	v25 =	vor.u32 s18, v11;
	v59 =	vld.idx.msk [tilespmem:v12+s10+$0x0], $0xffff;
	[tilespmem:v12+s10+$0x0] =	vst.idx.msk $0xffff, v0;
	v14 =	vadd.s32 v57, v29;
	v57 =	vor.u32 s18, v7  }
0x1d1: {  	v12 =	vor.u32 s17, v13;
	v46 =	vadd.s32 v42, v56;
	v42 =	vld.idx.msk [tilespmem:v62+s10+$0x0], $0xffff;
	v28 =	vadd.s32 v61, v14  }
0x1d2: {  	v43 =	vor.u32 s15, v6;
	v33 =	vor.u32 s15, v11;
	[tilespmem:v62+s10+$0x0] =	vst.idx.msk $0xffff, v0;
	v28 =	vadd.s32 v10, v28;
	v10 =	vld.idx.msk [tilespmem:v32+s10+$0x0], $0xffff  }
0x1d3: {  	v19 =	vadd.s32 v26, v49;
	v26 =	vor.u32 s17, v1;
	v61 =	vor.u32 s15, v9;
	v9 =	vld.idx.msk [tilespmem:v15+s10+$0x0], $0xffff;
	[tilespmem:v15+s10+$0x0] =	vst.idx.msk $0xffff, v0  }
0x1d4: {  	v14 =	vor.u32 s18, v3;
	v55 =	vadd.s32 v55, v28;
	v28 =	vadd.s32 v44, v63;
	v41 =	vld.idx.msk [tilespmem:v38+s10+$0x0], $0xffff  }
0x1d5: {  	v21 =	vimm.s32 $0x0;
	v19 =	vadd.s32 v47, v19;
	v28 =	vadd.s32 v45, v28;
	[tilespmem:v38+s10+$0x0] =	vst.idx.msk $0xffff, v0;
	v15 =	vld.idx.msk [tilespmem:v57+s10+$0x0], $0xffff  }
0x1d6: {  	v49 =	vor.u32 s15, v5;
	[tilespmem:v57+s10+$0x0] =	vst.idx.msk $0xffff, v0;
	v45 =	vadd.s32 v48, v28;
	v28 =	vor.u32 s18, v4;
	v44 =	vld.idx.msk [tilespmem:v12+s10+$0x0], $0xffff  }
0x1d7: {  	s14 =	spop (v2sf);
	v24 =	vor.u32 s17, v4;
	v19 =	vadd.s32 v50, v19;
	v57 =	vor.u32 s15, v18;
	[tilespmem:v12+s10+$0x0] =	vst.idx.msk $0xffff, v0;
	v52 =	vld.idx.msk [tilespmem:v25+s10+$0x0], $0xffff  }
0x1d8: {  	s14 =	sxor.u32 $0x80000000, s14;
	v34 =	vor.u32 s17, v11;
	v50 =	vor.u32 s17, v6;
	v19 =	vadd.s32 v51, v19;
	[tilespmem:v25+s10+$0x0] =	vst.idx.msk $0xffff, v0;
	v38 =	vld.idx.msk [tilespmem:v61+s10+$0x0], $0xffff  }
0x1d9: {  	v1 =	vimm.s32 $0x0;
	s14 =	ssub.s32 $0x4000, s14;
	v19 =	vadd.s32 v54, v19;
	v25 =	vadd.s32 v58, v55;
	[tilespmem:v61+s10+$0x0] =	vst.idx.msk $0xffff, v0;
	v54 =	vld.idx.msk [tilespmem:v14+s10+$0x0], $0xffff  }
0x1da: {  	v2 =	vmov s14;
	v51 =	vadd.s32 v10, v25;
	v25 =	vadd.s32 v53, v45;
	[tilespmem:v14+s10+$0x0] =	vst.idx.msk $0xffff, v0;
	v45 =	vld.idx.msk [tilespmem:v26+s10+$0x0], $0xffff  }
0x1db: {  	v29 =	vor.u32 s16, v4;
	v56 =	vor.u32 s17, v7;
	v19 =	vadd.s32 v59, v19;
	[tilespmem:v26+s10+$0x0] =	vst.idx.msk $0xffff, v0;
	v55 =	vld.idx.msk [tilespmem:v28+s10+$0x0], $0xffff  }
0x1dc: {  	v48 =	vor.u32 s15, v13;
	v58 =	vor.u32 s16, v11;
	v63 =	vadd.s32 v60, v25;
	v53 =	vld.idx.msk [tilespmem:v57+s10+$0x0], $0xffff;
	[tilespmem:$0x1FED0] =	vst v1  }
0x1dd: {  	s17 =	simm.s32 $0x700;
	s16 =	simm.s32 $0x0;
	v26 =	vimm.s32 $0x0;
	v47 =	vadd.s32 v9, v63;
	v59 =	vadd.s32 v15, v19;
	[tilespmem:$0x1FEE0] =	vst v2  }
.LBB2_10:
0x1de: {  	v1 =	vld [tilespmem:$0x1FF00]  }
0x1df: {  	v10 =	vld [tilespmem:$0x1FFB0]  }
0x1e0: {  	v60 =	vld.idx.msk [tilespmem:v50+s10+$0x0], $0xffff  }
0x1e1: {  	v20 =	vld [tilespmem:$0x1FF40]  }
0x1e2: {  	v11 =	vld [tilespmem:$0x1FFE0]  }
0x1e3: {  	v12 =	vld [tilespmem:$0x1FF90]  }
0x1e4: {  	v15 =	vld [tilespmem:$0x1FFA0]  }
0x1e5: {  	v14 =	vld [tilespmem:$0x1FF10]  }
0x1e6: {  	v13 =	vld [tilespmem:$0x1FFC0]  }
0x1e7: {  	v9 =	vld [tilespmem:$0x1FFD0]  }
0x1e8: {  	[tilespmem:v57+s10+$0x0] =	vst.idx.msk $0xffff, v0;
	v16 =	vld [tilespmem:$0x1FFF0]  }
0x1e9: {  	[tilespmem:v32+s10+$0x0] =	vst.idx.msk $0xffff, v0;
	v25 =	vld [tilespmem:$0x1FF30]  }
0x1ea: {  	[tilespmem:v50+s10+$0x0] =	vst.idx.msk $0xffff, v0;
	v32 =	vld.idx.msk [tilespmem:v49+s10+$0x0], $0xffff  }
0x1eb: {  	v46 =	vadd.s32 v39, v46;
	[tilespmem:v49+s10+$0x0] =	vst.idx.msk $0xffff, v0;
	v2 =	vld.idx.msk [tilespmem:v56+s10+$0x0], $0xffff;
	v59 =	vadd.s32 v52, v59  }
0x1ec: {  	v37 =	vadd.s32 v37, v46;
	v18 =	vadd.s32 v54, v59;
	v59 =	vld.idx.msk [tilespmem:v48+s10+$0x0], $0xffff  }
0x1ed: {  	s19 =	sadd.s32 $0xFFFFFD00, s17;
	s18 =	sadd.s32 $0xFFFFFE00, s17;
	v55 =	vadd.s32 v55, v18;
	v18 =	vld [tilespmem:$0x1FF20];
	v19 =	vor.u32 s17, v1;
	v57 =	vor.u32 s15, v10;
	s15 =	sadd.s32 $0xFFFFFF00, s17  }
0x1ee: {  	v61 =	vor.u32 s19, v1;
	v62 =	vor.u32 s18, v1;
	v39 =	vor.u32 s15, v1;
	v1 =	vld.idx.msk [tilespmem:v27+s10+$0x0], $0xffff;
	[tilespmem:v27+s10+$0x0] =	vst.idx.msk $0xffff, v0  }
0x1ef: {  	v37 =	vadd.s32 v40, v37;
	v27 =	vld.idx.msk [tilespmem:v23+s10+$0x0], $0xffff;
	[tilespmem:v23+s10+$0x0] =	vst.idx.msk $0xffff, v0  }
0x1f0: {  	[tilespmem:v56+s10+$0x0] =	vst.idx.msk $0xffff, v0;
	(xrf0) =	vadd.scan.msk.s32 $0xffff, v55;
	v23 =	vadd.s32 v42, v37;
	v6 =	vld.idx.msk [tilespmem:v58+s10+$0x0], $0xffff  }
0x1f1: {  	v38 =	vadd.s32 v38, v23;
	[tilespmem:v58+s10+$0x0] =	vst.idx.msk $0xffff, v0;
	v23 =	vld [tilespmem:$0x1FEE0]  }
0x1f2: {  	[tilespmem:v48+s10+$0x0] =	vst.idx.msk $0xffff, v0;
	v58 =	vld.idx.msk [tilespmem:v36+s10+$0x0], $0xffff  }
0x1f3: {  	[tilespmem:v36+s10+$0x0] =	vst.idx.msk $0xffff, v0;
	v42 =	vld.idx.msk [tilespmem:v57+s10+$0x0], $0xffff  }
0x1f4: {  	v17 =	vor.u32 s18, v7;
	[tilespmem:v57+s10+$0x0] =	vst.idx.msk $0xffff, v0;
	v7 =	vld.idx.msk [tilespmem:v19+s10+$0x0], $0xffff  }
0x1f5: {  	v38 =	vadd.s32 v53, v38;
	v1 =	vadd.s32 v1, v51;
	v51 =	vld.idx.msk [tilespmem:v43+s10+$0x0], $0xffff;
	[tilespmem:v43+s10+$0x0] =	vst.idx.msk $0xffff, v0  }
0x1f6: {  	v32 =	vadd.s32 v32, v38;
	v43 =	vld.idx.msk [tilespmem:v34+s10+$0x0], $0xffff;
	[tilespmem:v19+s10+$0x0] =	vst.idx.msk $0xffff, v0;
	v1 =	vadd.s32 v27, v1;
	v27, _, _ =	vpop (xrf0)  }
0x1f7: {  	[tilespmem:v34+s10+$0x0] =	vst.idx.msk $0xffff, v0;
	v19 =	vadd.s32 v21, v27;
	v21 =	vadd.s32 v59, v32;
	v32 =	vld.idx.msk [tilespmem:v35+s10+$0x0], $0xffff  }
0x1f8: {  	v1 =	vadd.s32 v6, v1;
	v6 =	vld.idx.msk [tilespmem:v29+s10+$0x0], $0xffff;
	[tilespmem:v35+s10+$0x0] =	vst.idx.msk $0xffff, v0  }
0x1f9: {  	[tilespmem:v29+s10+$0x0] =	vst.idx.msk $0xffff, v0;
	v35 =	vld.idx.msk [tilespmem:v33+s10+$0x0], $0xffff  }
0x1fa: {  	[tilespmem:v33+s10+$0x0] =	vst.idx.msk $0xffff, v0;
	v33 =	vld.idx.msk [tilespmem:v30+s10+$0x0], $0xffff  }
0x1fb: {  	v4 =	vor.u32 s19, v11;
	[tilespmem:v30+s10+$0x0] =	vst.idx.msk $0xffff, v0;
	v30 =	vld.idx.msk [tilespmem:v62+s10+$0x0], $0xffff  }
0x1fc: {  	v3 =	vor.u32 s18, v11;
	v21 =	vadd.s32 v42, v21;
	v29 =	vld.idx.msk [tilespmem:v31+s10+$0x0], $0xffff  }
0x1fd: {  	v52 =	vor.u32 s17, v11;
	[tilespmem:v31+s10+$0x0] =	vst.idx.msk $0xffff, v0;
	v21 =	vadd.s32 v51, v21;
	v51 =	vld.idx.msk [tilespmem:v61+s10+$0x0], $0xffff  }
0x1fe: {  	v50 =	vor.u32 s18, v12;
	v5 =	vor.u32 s19, v12;
	v1 =	vadd.s32 v58, v1;
	[tilespmem:v62+s10+$0x0] =	vst.idx.msk $0xffff, v0;
	v31 =	vld.idx.msk [tilespmem:v22+s10+$0x0], $0xffff  }
0x1ff: {  	[tilespmem:v61+s10+$0x0] =	vst.idx.msk $0xffff, v0;
	v1 =	vadd.s32 v6, v1;
	v6 =	vadd.s32 v32, v21;
	v21 =	vld.idx.msk [tilespmem:v24+s10+$0x0], $0xffff  }
0x200: {  	v54 =	vor.u32 s17, v12;
	[tilespmem:v24+s10+$0x0] =	vst.idx.msk $0xffff, v0;
	(xrf0) =	vadd.scan.msk.s32 $0xffff, v1;
	v1 =	vld.idx.msk [tilespmem:v4+s10+$0x0], $0xffff  }
0x201: {  	v47 =	vadd.s32 v41, v47;
	[tilespmem:v4+s10+$0x0] =	vst.idx.msk $0xffff, v0;
	v4 =	vld.idx.msk [tilespmem:v3+s10+$0x0], $0xffff  }
0x202: {  	v44 =	vadd.s32 v44, v47;
	v53 =	vor.u32 s19, v15;
	v62 =	vld.idx.msk [tilespmem:v52+s10+$0x0], $0xffff  }
0x203: {  	v61 =	vadd.s32 v45, v44;
	[tilespmem:v3+s10+$0x0] =	vst.idx.msk $0xffff, v0;
	v44 =	vld.idx.msk [tilespmem:v5+s10+$0x0], $0xffff  }
0x204: {  	v63 =	vor.u32 s18, v20;
	v24 =	vadd.s32 v60, v61;
	[tilespmem:v52+s10+$0x0] =	vst.idx.msk $0xffff, v0;
	v3 =	vld.idx.msk [tilespmem:v50+s10+$0x0], $0xffff  }
0x205: {  	v56 =	vor.u32 s19, v13;
	v57 =	vor.u32 s19, v9;
	[tilespmem:v22+s10+$0x0] =	vst.idx.msk $0xffff, v0;
	v2 =	vadd.s32 v2, v24;
	v47 =	vld.idx.msk [tilespmem:v54+s10+$0x0], $0xffff  }
0x206: {  	v6 =	vadd.s32 v35, v6;
	v2 =	vadd.s32 v43, v2;
	[tilespmem:v5+s10+$0x0] =	vst.idx.msk $0xffff, v0;
	v43 =	vld.idx.msk [tilespmem:v39+s10+$0x0], $0xffff  }
0x207: {  	v48 =	vor.u32 s17, v15;
	v55 =	vor.u32 s19, v14;
	v6 =	vadd.s32 v29, v6;
	v45 =	vld.idx.msk [tilespmem:v53+s10+$0x0], $0xffff  }
0x208: {  	v49 =	vor.u32 s17, v13;
	[tilespmem:v54+s10+$0x0] =	vst.idx.msk $0xffff, v0;
	v5 =	vadd.s32 v31, v6;
	v2 =	vadd.s32 v33, v2;
	v33 =	vld [tilespmem:$0x1FED0]  }
0x209: {  	v37 =	vor.u32 s18, v15;
	[tilespmem:v53+s10+$0x0] =	vst.idx.msk $0xffff, v0;
	(xrf0) =	vadd.scan.msk.s32 $0xffff, v5;
	v5 =	vor.u32 s15, v11;
	v11 =	vld [tilespmem:$0x1FF80]  }
0x20a: {  	v46 =	vor.u32 s18, v13;
	v40 =	vor.u32 s17, v9;
	v53 =	vadd.s32 v51, v1;
	v51 =	vld.idx.msk [tilespmem:v56+s10+$0x0], $0xffff;
	[tilespmem:v56+s10+$0x0] =	vst.idx.msk $0xffff, v0  }
0x20b: {  	v36 =	vor.u32 s18, v9;
	v41 =	vor.u32 s18, v18;
	vm0 =	vlt.s32 v19, v23;
	[tilespmem:v50+s10+$0x0] =	vst.idx.msk $0xffff, v0;
	v52 =	vld.idx.msk [tilespmem:v57+s10+$0x0], $0xffff  }
0x20c: {  	v34 =	vor.u32 s18, v14;
	v27 =	vmovc v63;
	v58 =	vor.u32 s19, v10;
	v59 =	vnsel vm0, $0x0, v19;
	[tilespmem:v57+s10+$0x0] =	vst.idx.msk $0xffff, v0;
	v57 =	vld [tilespmem:$0x1FF60]  }
0x20d: {  	v42 =	vor.u32 s18, v25;
	v8 =	vsel vm0, $0x1, v0;
	vm13 =	vgt.s32 v26, v59;
	v54 =	vld.idx.msk [tilespmem:v55+s10+$0x0], $0xffff;
	[tilespmem:v28+s10+$0x0] =	vst.idx.msk $0xffff, v0  }
0x20e: {  	v63 =	vsel vm13, v26, v59;
	v2 =	vadd.s32 v21, v2;
	v28 =	vld.idx.msk [tilespmem:v37+s10+$0x0], $0xffff;
	[tilespmem:v37+s10+$0x0] =	vst.idx.msk $0xffff, v0  }
0x20f: {  	v6 =	vbroadcast v19, $0xF;
	v21, _, _ =	vpop (xrf0);
	(xrf0) =	vadd.scan.msk.s32 $0xffff, v2;
	v2 =	vor.u32 s19, v18;
	[tilespmem:v55+s10+$0x0] =	vst.idx.msk $0xffff, v0;
	v55 =	vld.idx.msk [tilespmem:v48+s10+$0x0], $0xffff  }
0x210: {  	[tilespmem:v39+s10+$0x0] =	vst.idx.msk $0xffff, v0;
	v4 =	vadd.s32 v30, v4;
	v7 =	vadd.s32 v7, v62;
	v37 =	vld.idx.msk [tilespmem:v46+s10+$0x0], $0xffff  }
0x211: {  	v3 =	vadd.s32 v3, v4;
	v1 =	vadd.s32 v6, v21;
	[tilespmem:v46+s10+$0x0] =	vst.idx.msk $0xffff, v0;
	v46 =	vld.idx.msk [tilespmem:v5+s10+$0x0], $0xffff  }
0x212: {  	v8 =	vadd.s32 v8, v33;
	vm1 =	vlt.s32 v1, v23;
	[tilespmem:v48+s10+$0x0] =	vst.idx.msk $0xffff, v0;
	v48 =	vor.u32 s15, v15;
	v15 =	vld [tilespmem:$0x1FF70]  }
0x213: {  	v6 =	vbroadcast v1, $0xF;
	[tilespmem:v5+s10+$0x0] =	vst.idx.msk $0xffff, v0;
	v5 =	vor.u32 s15, v13;
	v13 =	vld [tilespmem:$0x1FF50];
	v1 =	vnsel vm1, $0x0, v1  }
0x214: {  	v24 =	vor.u32 s19, v25;
	v22 =	vsel vm1, $0x1, v0;
	v21, _, _ =	vpop (xrf0);
	vm0 =	vgt.s32 v63, v1;
	v56 =	vld.idx.msk [tilespmem:v2+s10+$0x0], $0xffff;
	[tilespmem:v2+s10+$0x0] =	vst.idx.msk $0xffff, v0  }
0x215: {  	v6 =	vadd.s32 v6, v21;
	v8 =	vadd.s32 v22, v8;
	v2 =	vld.idx.msk [tilespmem:v49+s10+$0x0], $0xffff;
	[tilespmem:v49+s10+$0x0] =	vst.idx.msk $0xffff, v0  }
0x216: {  	v61 =	vor.u32 s15, v9;
	vm14 =	vlt.s32 v6, v23;
	v22 =	vbroadcast v6, $0xF;
	v49 =	vld.idx.msk [tilespmem:v36+s10+$0x0], $0xffff;
	[tilespmem:v36+s10+$0x0] =	vst.idx.msk $0xffff, v0  }
0x217: {  	v29 =	vor.u32 s19, v16;
	v1 =	vsel vm0, v63, v1;
	v21, _, _ =	vpop (xrf0);
	v6 =	vnsel vm14, $0x0, v6;
	v4 =	vld.idx.msk [tilespmem:v34+s10+$0x0], $0xffff;
	[tilespmem:v34+s10+$0x0] =	vst.idx.msk $0xffff, v0  }
0x218: {  	v35 =	vsel vm14, $0x1, v0;
	vm0 =	vgt.s32 v1, v6;
	v21 =	vadd.s32 v22, v21;
	v62 =	vld.idx.msk [tilespmem:v41+s10+$0x0], $0xffff  }
0x219: {  	[tilespmem:v41+s10+$0x0] =	vst.idx.msk $0xffff, v0;
	v1 =	vsel vm0, v1, v6;
	vm15 =	vlt.s32 v21, v23;
	v6 =	vld.idx.msk [tilespmem:v24+s10+$0x0], $0xffff  }
0x21a: {  	v19 =	vor.u32 s17, v14;
	v8 =	vadd.s32 v35, v8;
	v9 =	vld.idx.msk [tilespmem:v42+s10+$0x0], $0xffff;
	v50 =	vsel vm15, $0x1, v0  }
0x21b: {  	v35 =	vor.u32 s15, v12;
	v23 =	vmovc v17;
	[tilespmem:v24+s10+$0x0] =	vst.idx.msk $0xffff, v0;
	v17 =	vld [tilespmem:$0x1FF50];
	v22 =	vnsel vm15, $0x0, v21;
	v8 =	vadd.s32 v50, v8  }
0x21c: {  	v38 =	vor.u32 s18, v16;
	vm0 =	vgt.s32 v1, v22;
	[tilespmem:$0x1FED0] =	vst v8;
	v8 =	vld.idx.msk [tilespmem:v29+s10+$0x0], $0xffff  }
0x21d: {  	v32 =	vor.u32 s18, v10;
	v26 =	vsel vm0, v1, v22;
	[tilespmem:v29+s10+$0x0] =	vst.idx.msk $0xffff, v0;
	v1 =	vld.idx.msk [tilespmem:v40+s10+$0x0], $0xffff  }
0x21e: {  	v44 =	vadd.s32 v44, v53;
	v7 =	vadd.s32 v47, v7;
	[tilespmem:v40+s10+$0x0] =	vst.idx.msk $0xffff, v0;
	v59 =	vld.idx.msk [tilespmem:v58+s10+$0x0], $0xffff  }
0x21f: {  	v33 =	vor.u32 s15, v57;
	v63 =	vor.u32 s15, v14;
	v3 =	vadd.s32 v28, v3;
	v60 =	vld.idx.msk [tilespmem:v19+s10+$0x0], $0xffff  }
0x220: {  	v34 =	vor.u32 s17, v57;
	v57 =	vor.u32 s15, v18;
	v28 =	vor.u32 s19, v11;
	[tilespmem:v42+s10+$0x0] =	vst.idx.msk $0xffff, v0;
	v39 =	vld.idx.msk [tilespmem:v35+s10+$0x0], $0xffff  }
0x221: {  	v3 =	vadd.s32 v37, v3;
	v41 =	vor.u32 s19, v20;
	[tilespmem:v35+s10+$0x0] =	vst.idx.msk $0xffff, v0;
	v35 =	vor.u32 s15, v13;
	v13 =	vld.idx.msk [tilespmem:v38+s10+$0x0], $0xffff  }
0x222: {  	v31 =	vor.u32 s15, v15;
	v30 =	vor.u32 s17, v15;
	v3 =	vadd.s32 v49, v3;
	[tilespmem:v38+s10+$0x0] =	vst.idx.msk $0xffff, v0;
	v37 =	vld.idx.msk [tilespmem:v48+s10+$0x0], $0xffff  }
0x223: {  	v3 =	vadd.s32 v4, v3;
	v4 =	vadd.s32 v45, v44;
	[tilespmem:v48+s10+$0x0] =	vst.idx.msk $0xffff, v0;
	v45 =	vld.idx.msk [tilespmem:v32+s10+$0x0], $0xffff  }
0x224: {  	v24 =	vor.u32 s17, v11;
	v22 =	vor.u32 s15, v11;
	v40 =	vld.idx.msk [tilespmem:v5+s10+$0x0], $0xffff;
	[tilespmem:v5+s10+$0x0] =	vst.idx.msk $0xffff, v0;
	v5 =	vor.u32 s17, v18  }
0x225: {  	v29 =	vor.u32 s18, v11;
	[tilespmem:v58+s10+$0x0] =	vst.idx.msk $0xffff, v0;
	v4 =	vadd.s32 v51, v4;
	v11 =	vor.u32 s19, v17;
	v18 =	vld [tilespmem:$0x1FF60]  }
0x226: {  	v36 =	vor.u32 s18, v15;
	v14 =	vor.u32 s19, v15;
	[tilespmem:v19+s10+$0x0] =	vst.idx.msk $0xffff, v0;
	v53 =	vld.idx.msk [tilespmem:v41+s10+$0x0], $0xffff;
	v4 =	vadd.s32 v52, v4  }
0x227: {  	v3 =	vadd.s32 v62, v3;
	v4 =	vadd.s32 v54, v4;
	v42 =	vld.idx.msk [tilespmem:v61+s10+$0x0], $0xffff;
	[tilespmem:v61+s10+$0x0] =	vst.idx.msk $0xffff, v0  }
0x228: {  	v15 =	vor.u32 s17, v16;
	[tilespmem:v41+s10+$0x0] =	vst.idx.msk $0xffff, v0;
	v61 =	vor.u32 s17, v25;
	v4 =	vadd.s32 v56, v4;
	v38 =	vld.idx.msk [tilespmem:v63+s10+$0x0], $0xffff  }
0x229: {  	v3 =	vadd.s32 v9, v3;
	v4 =	vadd.s32 v6, v4;
	[tilespmem:v63+s10+$0x0] =	vst.idx.msk $0xffff, v0;
	v17 =	vld.idx.msk [tilespmem:v5+s10+$0x0], $0xffff  }
0x22a: {  	v4 =	vadd.s32 v8, v4;
	v3 =	vadd.s32 v13, v3;
	v12 =	vor.u32 s19, v18;
	v18 =	vld.idx.msk [tilespmem:v11+s10+$0x0], $0xffff  }
0x22b: {  	v10 =	vor.u32 s17, v10;
	v4 =	vadd.s32 v59, v4;
	[tilespmem:v5+s10+$0x0] =	vst.idx.msk $0xffff, v0;
	v5 =	vadd.s32 v55, v7;
	v7 =	vld [tilespmem:$0x1FF50]  }
0x22c: {  	v51 =	vadd.s32 v45, v3;
	v3 =	vadd.s32 v53, v4;
	v53 =	vld.idx.msk [tilespmem:v57+s10+$0x0], $0xffff  }
0x22d: {  	s16 =	sadd.s32 $0x4, s16;
	v41 =	vld.idx.msk [tilespmem:v61+s10+$0x0], $0xffff  }
0x22e: {  	p0 =	slt.u32 s16, $0x3C;
	[tilespmem:v61+s10+$0x0] =	vst.idx.msk $0xffff, v0;
	v61 =	vld [tilespmem:$0x1FF60]  }
.Ltmp5:
0x22f: {  	v46 =	vadd.s32 v43, v46;
	v43 =	vor.u32 s15, v20;
	v44 =	vld.idx.msk [tilespmem:v15+s10+$0x0], $0xffff;
	[tilespmem:v15+s10+$0x0] =	vst.idx.msk $0xffff, v0;
	(pc) =	sbr.rel @p0 .LBB2_10-.Ltmp5, $4  }
0x230: {  	v21 =	vbroadcast v21, $0xF;
	v49 =	vor.u32 s15, v25;
	[tilespmem:v11+s10+$0x0] =	vst.idx.msk $0xffff, v0;
	v2 =	vadd.s32 v2, v5;
	v45 =	vld.idx.msk [tilespmem:v10+s10+$0x0], $0xffff  }
0x231: {  	v50 =	vor.u32 s17, v20;
	v48 =	vor.u32 s15, v16;
	v1 =	vadd.s32 v1, v2;
	v52 =	vld.idx.msk [tilespmem:v12+s10+$0x0], $0xffff;
	[tilespmem:v12+s10+$0x0] =	vst.idx.msk $0xffff, v0  }
0x232: {  	v1 =	vadd.s32 v60, v1;
	v59 =	vadd.s32 v18, v3;
	v54 =	vld.idx.msk [tilespmem:v14+s10+$0x0], $0xffff;
	[tilespmem:v14+s10+$0x0] =	vst.idx.msk $0xffff, v0  }
0x233: {  	[tilespmem:v10+s10+$0x0] =	vst.idx.msk $0xffff, v0;
	v47 =	vadd.s32 v17, v1;
	v56 =	vor.u32 s17, v7;
	s17 =	sadd.s32 $0x400, s17;
	v58 =	vor.u32 s18, v61;
	v55 =	vld.idx.msk [tilespmem:v28+s10+$0x0], $0xffff  }
0x234: {  	_ =	sdelay $0x1  }
0x235: {  	v61 =	vld [tilespmem:$0x1FFF0]  }
0x236: {  	v18 =	vld [tilespmem:$0x1FFD0]  }
0x237: {  	v14 =	vld [tilespmem:$0x1FFE0];
	[tilespmem:v57+s10+$0x0] =	vst.idx.msk $0xffff, v0  }
0x238: {  	v57 =	vld [tilespmem:$0x1FFB0];
	_ =	sdelay $0x3  }
0x239: {  	v2 =	vld.idx.msk [tilespmem:v50+s10+$0x0], $0xffff;
	[tilespmem:v32+s10+$0x0] =	vst.idx.msk $0xffff, v0  }
0x23a: {  	v3 =	vld.idx.msk [tilespmem:v49+s10+$0x0], $0xffff;
	[tilespmem:v49+s10+$0x0] =	vst.idx.msk $0xffff, v0;
	v1 =	vor.u32 s15, v57  }
0x23b: {  	[tilespmem:v50+s10+$0x0] =	vst.idx.msk $0xffff, v0;
	v4 =	vld.idx.msk [tilespmem:v27+s10+$0x0], $0xffff  }
0x23c: {  	v5 =	vld.idx.msk [tilespmem:v48+s10+$0x0], $0xffff;
	[tilespmem:v48+s10+$0x0] =	vst.idx.msk $0xffff, v0  }
0x23d: {  	v6 =	vld.idx.msk [tilespmem:v56+s10+$0x0], $0xffff;
	[tilespmem:v56+s10+$0x0] =	vst.idx.msk $0xffff, v0  }
0x23e: {  	[tilespmem:v27+s10+$0x0] =	vst.idx.msk $0xffff, v0;
	v63 =	vld.idx.msk [tilespmem:v34+s10+$0x0], $0xffff  }
0x23f: {  	[tilespmem:v34+s10+$0x0] =	vst.idx.msk $0xffff, v0;
	v7 =	vld.idx.msk [tilespmem:v1+s10+$0x0], $0xffff  }
0x240: {  	v8 =	vadd.s32 v39, v46;
	[tilespmem:v1+s10+$0x0] =	vst.idx.msk $0xffff, v0;
	v1 =	vld.idx.msk [tilespmem:v23+s10+$0x0], $0xffff  }
0x241: {  	v8 =	vadd.s32 v37, v8;
	[tilespmem:v23+s10+$0x0] =	vst.idx.msk $0xffff, v0;
	v9 =	vld.idx.msk [tilespmem:v43+s10+$0x0], $0xffff  }
0x242: {  	v32 =	vadd.s32 v41, v47;
	v8 =	vadd.s32 v40, v8;
	v11 =	vld.idx.msk [tilespmem:v58+s10+$0x0], $0xffff;
	[tilespmem:v43+s10+$0x0] =	vst.idx.msk $0xffff, v0  }
0x243: {  	v10 =	vadd.s32 v52, v59;
	v8 =	vadd.s32 v42, v8;
	[tilespmem:v58+s10+$0x0] =	vst.idx.msk $0xffff, v0;
	v12 =	vld.idx.msk [tilespmem:v35+s10+$0x0], $0xffff  }
0x244: {  	v10 =	vadd.s32 v54, v10;
	v8 =	vadd.s32 v38, v8;
	v13 =	vld.idx.msk [tilespmem:v36+s10+$0x0], $0xffff;
	[tilespmem:v36+s10+$0x0] =	vst.idx.msk $0xffff, v0  }
0x245: {  	v10 =	vadd.s32 v55, v10;
	v8 =	vadd.s32 v53, v8;
	[tilespmem:v35+s10+$0x0] =	vst.idx.msk $0xffff, v0;
	v19 =	vld.idx.msk [tilespmem:v29+s10+$0x0], $0xffff  }
0x246: {  	v3 =	vadd.s32 v3, v8;
	v4 =	vadd.s32 v4, v51;
	v60 =	vld.idx.msk [tilespmem:v33+s10+$0x0], $0xffff;
	[tilespmem:v33+s10+$0x0] =	vst.idx.msk $0xffff, v0  }
0x247: {  	v3 =	vadd.s32 v5, v3;
	v62 =	vld.idx.msk [tilespmem:v31+s10+$0x0], $0xffff;
	[tilespmem:v31+s10+$0x0] =	vst.idx.msk $0xffff, v0;
	v1 =	vadd.s32 v1, v4  }
0x248: {  	(xrf0) =	vadd.scan.msk.s32 $0xffff, v10;
	v3 =	vadd.s32 v7, v3;
	v33 =	vld.idx.msk [tilespmem:v22+s10+$0x0], $0xffff;
	v1 =	vadd.s32 v11, v1  }
0x249: {  	v34 =	vld.idx.msk [tilespmem:v30+s10+$0x0], $0xffff;
	[tilespmem:v30+s10+$0x0] =	vst.idx.msk $0xffff, v0;
	v3 =	vadd.s32 v9, v3;
	v1 =	vadd.s32 v13, v1  }
0x24a: {  	v5 =	vadd.s32 v44, v32;
	v3 =	vadd.s32 v12, v3;
	v1 =	vadd.s32 v19, v1  }
0x24b: {  	v5 =	vadd.s32 v45, v5;
	v35 =	vld.idx.msk [tilespmem:v24+s10+$0x0], $0xffff;
	(xrf0) =	vadd.scan.msk.s32 $0xffff, v1;
	v1 =	vadd.s32 v60, v3  }
0x24c: {  	v2 =	vadd.s32 v2, v5;
	v1 =	vadd.s32 v62, v1  }
0x24d: {  	v2 =	vadd.s32 v6, v2;
	v1 =	vadd.s32 v33, v1  }
0x24e: {  	v2 =	vadd.s32 v63, v2;
	v3, _, _ =	vpop (xrf0);
	(xrf0) =	vadd.scan.msk.s32 $0xffff, v1  }
0x24f: {  	v2 =	vadd.s32 v34, v2;
	v1 =	vadd.s32 v21, v3  }
0x250: {  	v38 =	vld [tilespmem:$0x1FEE0];
	v2 =	vadd.s32 v35, v2;
	v3 =	vbroadcast v1, $0xF  }
0x251: {  	v36, _, _ =	vpop (xrf0);
	(xrf0) =	vadd.scan.msk.s32 $0xffff, v2  }
0x252: {  	v42 =	vld [tilespmem:$0x1FED0];
	v2 =	vadd.s32 v3, v36  }
0x253: {  	v3 =	vbroadcast v2, $0xF  }
0x254: {  	v37, _, _ =	vpop (xrf0)  }
0x255: {  	vm0 =	vlt.s32 v1, v38;
	v3 =	vadd.s32 v3, v37  }
0x256: {  	v39 =	vsel vm0, $0x1, v0;
	v4 =	vbroadcast v3, $0xF  }
0x257: {  	v5 =	vadd.s32 v39, v42;
	vm1 =	vlt.s32 v2, v38;
	v41, _, _ =	vpop (xrf0)  }
0x258: {  	v40 =	vsel vm1, $0x1, v0;
	vm2 =	vlt.s32 v3, v38;
	v4 =	vadd.s32 v4, v41  }
0x259: {  	v5 =	vadd.s32 v40, v5;
	v43 =	vsel vm2, $0x1, v0;
	vm3 =	vlt.s32 v4, v38  }
0x25a: {  	v5 =	vadd.s32 v43, v5;
	v44 =	vsel vm3, $0x1, v0  }
0x25b: {  	v5 =	vadd.s32 v44, v5  }
0x25c: {  	(xrf0) =	vadd.scan.msk.s32 $0xffff, v5  }
0x25d: {  	v45 =	vld [tilespmem:$0x1FEF0];
	_ =	sdelay $0x4  }
0x25e: {  	(v2sf) =	vpush v45, $0xF;
	v46, _, _ =	vpop (xrf0)  }
0x25f: {  	(v2sf) =	vpush v46, $0xF;
	_ =	sdelay $0x1  }
0x260: {  	[tilespmem:v29+s10+$0x0] =	vst.idx.msk $0xffff, v0  }
0x261: {  	[tilespmem:v24+s10+$0x0] =	vst.idx.msk $0xffff, v0;
	v1 =	vnsel vm0, $0x0, v1  }
0x262: {  	[tilespmem:v22+s10+$0x0] =	vst.idx.msk $0xffff, v0;
	vm0 =	vgt.s32 v26, v1  }
0x263: {  	s31 =	simm.s32 $0x40;
	[tilespmem:v28+s10+$0x0] =	vst.idx.msk $0xffff, v0;
	v1 =	vsel vm0, v26, v1;
	v2 =	vnsel vm1, $0x0, v2  }
0x264: {  	v47 =	vld [tilespmem:s31+$0xFFFFFFF0];
	vm0 =	vgt.s32 v1, v2  }
0x265: {  	v48 =	vld [tilespmem:s31+$0x0];
	v1 =	vsel vm0, v1, v2;
	v2 =	vnsel vm2, $0x0, v3  }
0x266: {  	v49 =	vld [tilespmem:s31+$0x10];
	vm0 =	vgt.s32 v1, v2  }
0x267: {  	v52 =	vld [tilespmem:s31+$0x20];
	v1 =	vsel vm0, v1, v2;
	v2 =	vnsel vm3, $0x0, v4  }
0x268: {  	v54 =	vld [tilespmem:s31+$0xFFFFFFC0];
	vm0 =	vgt.s32 v1, v2  }
0x269: {  	v19 =	vsel vm0, v1, v2;
	v1 =	vld [tilespmem:s31+$0x30];
	_ =	sdelay $0x1  }
0x26a: {  	v13 =	vshll.u32 v47, $0x4;
	v30 =	vand.u32 $0xF, v47;
	v58 =	vshll.u32 v48, $0x4  }
0x26b: {  	v59 =	vand.u32 $0xF, v48;
	v60 =	vand.u32 $0xF, v49;
	v62 =	vshll.u32 v52, $0x4;
	s30 =	spop (v2sf)  }
0x26c: {  	v63 =	vand.u32 $0xF, v52;
	v23 =	vshra.s32 v54, $0xA;
	v24 =	vshll.u32 v54, $0x4;
	s15 =	sshll.u32 s30, $0xA;
	s16 =	spop (v2sf)  }
0x26d: {  	v8 =	vand.u32 $0xF, v54;
	v42 =	vlaneseq.u32;
	v50 =	vshra.s32 v1, $0xA;
	s15 =	sor.u32 s15, s16  }
0x26e: {  	v51 =	vshll.u32 v1, $0x4;
	v1 =	vand.u32 $0xF, v1;
	v20 =	vmov s15  }
0x26f: {  	v1 =	vxor.u32 v42, v1;
	v53 =	vand.u32 $0x3FF0, v51;
	vm15 =	veq.s32 v50, v20  }
0x270: {  	v29 =	vshra.s32 v47, $0xA;
	v34 =	vshra.s32 v48, $0xA;
	v3 =	vld [tilespmem:s31+$0xFFFFFFE0];
	v1 =	vor.u32 v1, v53  }
0x271: {  	v31 =	vand.u32 $0x3FF0, v24;
	v32 =	vand.u32 $0x3FF0, v13;
	v35 =	vand.u32 $0x3FF0, v58;
	v2 =	vld [tilespmem:s31+$0xFFFFFFD0]  }
0x272: {  	v27 =	vxor.u32 v42, v8;
	v30 =	vxor.u32 v42, v30;
	v33 =	vxor.u32 v42, v59  }
0x273: {  	v36 =	vshra.s32 v49, $0xA;
	v39 =	vxor.u32 v42, v63;
	v37 =	vxor.u32 v42, v60  }
0x274: {  	v40 =	vshra.s32 v52, $0xA;
	v43 =	vimm.s32 $0x1;
	v41 =	vand.u32 $0x3FF0, v62  }
0x275: {  	v57 =	vshll.u32 v3, $0x4;
	v12 =	vand.u32 $0xF, v3;
	v25 =	vshra.s32 v3, $0xA;
	[tilespmem:v1+s10+$0x0] =	vst.idx.add.s32.msk vm15, v43  }
0x276: {  	v26 =	vxor.u32 v42, v12;
	v55 =	vshll.u32 v2, $0x4;
	v56 =	vand.u32 $0xF, v2;
	v53 =	vld [tilespmem:$0x1FF00]  }
0x277: {  	v21 =	vshra.s32 v2, $0xA;
	v2 =	vshll.u32 v49, $0x4;
	v24 =	vand.u32 $0x3FF0, v55;
	v55 =	vld [tilespmem:$0x1FF20]  }
0x278: {  	s17 =	simm.s32 $0xC0;
	v28 =	vand.u32 $0x3FF0, v57;
	v22 =	vxor.u32 v42, v56;
	v38 =	vand.u32 $0x3FF0, v2;
	s16 =	simm.s32 $0x0;
	v57 =	vld [tilespmem:$0x1FF30]  }
.LBB2_12:
0x279: {  	v1 =	vld [tilespmem:s17+$0x30];
	s16 =	sadd.s32 $0x8, s16;
	vm6 =	veq.s32 v23, v20;
	v2 =	vor.u32 v27, v31;
	vm4 =	veq.s32 v21, v20  }
0x27a: {  	v4 =	vor.u32 v22, v24;
	vm5 =	veq.s32 v25, v20;
	v5 =	vor.u32 v26, v28;
	v3 =	vld [tilespmem:s17+$0xFFFFFFD0];
	p0 =	slt.u32 s16, $0x7F8  }
0x27b: {  	vm3 =	veq.s32 v29, v20;
	v7 =	vor.u32 v30, v32;
	vm2 =	veq.s32 v34, v20;
	v6 =	vld [tilespmem:s17+$0xFFFFFFE0]  }
0x27c: {  	v9 =	vor.u32 v33, v35;
	vm1 =	veq.s32 v36, v20;
	v10 =	vor.u32 v37, v38;
	v8 =	vld [tilespmem:s17+$0xFFFFFFF0]  }
0x27d: {  	vm0 =	veq.s32 v40, v20;
	v12 =	vor.u32 v39, v41;
	v11 =	vld [tilespmem:s17+$0x0]  }
0x27e: {  	v13 =	vld [tilespmem:s17+$0x10];
	v21 =	vshra.s32 v1, $0xA;
	v22 =	vshll.u32 v1, $0x4;
	v1 =	vand.u32 $0xF, v1  }
0x27f: {  	v39 =	vld [tilespmem:s17+$0x20];
	vm7 =	veq.s32 v21, v20;
	v1 =	vxor.u32 v42, v1;
	v21 =	vand.u32 $0x3FF0, v22  }
0x280: {  	v25 =	vshll.u32 v3, $0x4;
	v22 =	vand.u32 $0xF, v3;
	v24 =	vld [tilespmem:s17+$0xFFFFFFC0];
	v1 =	vor.u32 v1, v21  }
0x281: {  	v28 =	vshll.u32 v6, $0x4;
	v26 =	vand.u32 $0xF, v6;
	v32 =	vshll.u32 v8, $0x4;
	[tilespmem:v2+s10+$0x0] =	vst.idx.add.s32.msk vm6, v43  }
0x282: {  	v2 =	vand.u32 $0xF, v8;
	v35 =	vshll.u32 v11, $0x4;
	v33 =	vand.u32 $0xF, v11;
	[tilespmem:v4+s10+$0x0] =	vst.idx.add.s32.msk vm4, v43  }
0x283: {  	v21 =	vshra.s32 v3, $0xA;
	v3 =	vshll.u32 v13, $0x4;
	v4 =	vand.u32 $0xF, v13;
	[tilespmem:v5+s10+$0x0] =	vst.idx.add.s32.msk vm5, v43  }
0x284: {  	v22 =	vxor.u32 v42, v22;
	v5 =	vshll.u32 v39, $0x4;
	v41 =	vand.u32 $0xF, v39;
	[tilespmem:v7+s10+$0x0] =	vst.idx.add.s32.msk vm3, v43  }
0x285: {  	v23 =	vshra.s32 v24, $0xA;
	v7 =	vshll.u32 v24, $0x4;
	v24 =	vand.u32 $0xF, v24;
	[tilespmem:v1+s10+$0x0] =	vst.idx.add.s32.msk vm7, v43  }
0x286: {  	v27 =	vxor.u32 v42, v24;
	v31 =	vand.u32 $0x3FF0, v7;
	v24 =	vand.u32 $0x3FF0, v25;
	[tilespmem:v9+s10+$0x0] =	vst.idx.add.s32.msk vm2, v43  }
.Ltmp6:
0x287: {  	v26 =	vxor.u32 v42, v26;
	v28 =	vand.u32 $0x3FF0, v28;
	v25 =	vshra.s32 v6, $0xA;
	[tilespmem:v10+s10+$0x0] =	vst.idx.add.s32.msk vm1, v43;
	(pc) =	sbr.rel @p0 .LBB2_12-.Ltmp6, $4  }
0x288: {  	v29 =	vshra.s32 v8, $0xA;
	v30 =	vxor.u32 v42, v2;
	v32 =	vand.u32 $0x3FF0, v32;
	[tilespmem:v12+s10+$0x0] =	vst.idx.add.s32.msk vm0, v43  }
0x289: {  	v34 =	vshra.s32 v11, $0xA;
	v33 =	vxor.u32 v42, v33;
	v35 =	vand.u32 $0x3FF0, v35  }
0x28a: {  	v36 =	vshra.s32 v13, $0xA;
	v37 =	vxor.u32 v42, v4;
	v38 =	vand.u32 $0x3FF0, v3  }
0x28b: {  	s17 =	sadd.s32 $0x80, s17;
	v40 =	vshra.s32 v39, $0xA;
	v39 =	vxor.u32 v42, v41;
	v41 =	vand.u32 $0x3FF0, v5  }
0x28c: {  	vm0 =	veq.s32 v23, v20  }
0x28d: {  	v1 =	vor.u32 v27, v31;
	_ =	sdelay $0x3  }
0x28e: {  	vm6 =	veq.s32 v40, v20  }
0x28f: {  	[tilespmem:v1+s10+$0x0] =	vst.idx.add.s32.msk vm0, v43;
	v1 =	vor.u32 v39, v41;
	_ =	sdelay $0x4  }
0x290: {  	[tilespmem:v1+s10+$0x0] =	vst.idx.add.s32.msk vm6, v43;
	v1 =	vxor.u32 $0x80000000, v19  }
0x291: {  	(xrf0) =	vmax.scan.msk.u32 $0xffff, v1;
	_ =	sdelay $0x5  }
0x292: {  	v1, _, _ =	vpop (xrf0)  }
0x293: {  	vm1 =	veq.s32 v21, v20;
	(v2sf) =	vpush v1, $0xF  }
0x294: {  	v2 =	vor.u32 v22, v24;
	vm2 =	veq.s32 v25, v20  }
0x295: {  	v3 =	vor.u32 v26, v28;
	vm3 =	veq.s32 v29, v20  }
0x296: {  	v4 =	vor.u32 v30, v32;
	vm4 =	veq.s32 v34, v20  }
0x297: {  	v5 =	vor.u32 v33, v35;
	vm5 =	veq.s32 v36, v20  }
0x298: {  	v6 =	vor.u32 v37, v38  }
0x299: {  	[tilespmem:v2+s10+$0x0] =	vst.idx.add.s32.msk vm1, v43  }
0x29a: {  	[tilespmem:v3+s10+$0x0] =	vst.idx.add.s32.msk vm2, v43  }
0x29b: {  	[tilespmem:v4+s10+$0x0] =	vst.idx.add.s32.msk vm3, v43  }
0x29c: {  	[tilespmem:v5+s10+$0x0] =	vst.idx.add.s32.msk vm4, v43  }
0x29d: {  	[tilespmem:v6+s10+$0x0] =	vst.idx.add.s32.msk vm5, v43  }
0x29e: {  	v11 =	vld [tilespmem:$0x1FF40]  }
0x29f: {  	v8 =	vld [tilespmem:$0x1FF60]  }
0x2a0: {  	v60 =	vld [tilespmem:$0x1FFB0]  }
0x2a1: {  	s17 =	simm.s32 $0x300;
	v19 =	vld [tilespmem:$0x1FF70]  }
0x2a2: {  	s31 =	simm.s32 $0x200;
	s19 =	simm.s32 $0x0;
	v2 =	vor.u32 s17, v14;
	v15 =	vld [tilespmem:$0x1FF80];
	s16 =	spop (v2sf)  }
0x2a3: {  	v16 =	vmov v14;
	v45 =	vor.u32 s19, v14;
	v3 =	vor.u32 s31, v61;
	v14 =	vld [tilespmem:$0x1FF50];
	s16 =	sxor.u32 $0x80000000, s16  }
0x2a4: {  	v17 =	vld [tilespmem:$0x1FF90];
	s14 =	ssub.s32 s14, s16  }
0x2a5: {  	v58 =	vld [tilespmem:$0x1FF10];
	v46 =	vor.u32 s19, v8;
	v1 =	vmov s14  }
0x2a6: {  	v59 =	vld [tilespmem:$0x1FFA0];
	v47 =	vor.u32 s19, v60;
	[tilespmem:$0x1FEC0] =	vst v1  }
0x2a7: {  	s18 =	simm.s32 $0x100;
	v7 =	vor.u32 s19, v18;
	v22 =	vld.idx.msk [tilespmem:v2+s10+$0x0], $0xffff  }
0x2a8: {  	v8 =	vor.u32 s18, v8;
	v3 =	vld.idx.msk [tilespmem:v3+s10+$0x0], $0xffff  }
0x2a9: {  	v9 =	vor.u32 s19, v15;
	v4 =	vld.idx.msk [tilespmem:v45+s10+$0x0], $0xffff  }
0x2aa: {  	v10 =	vor.u32 s18, v14;
	v5 =	vld.idx.msk [tilespmem:v46+s10+$0x0], $0xffff  }
0x2ab: {  	v52 =	vor.u32 s31, v55;
	v6 =	vld.idx.msk [tilespmem:v47+s10+$0x0], $0xffff  }
0x2ac: {  	v12 =	vor.u32 s31, v57;
	v7 =	vld.idx.msk [tilespmem:v7+s10+$0x0], $0xffff  }
0x2ad: {  	v13 =	vor.u32 s19, v57;
	v8 =	vld.idx.msk [tilespmem:v8+s10+$0x0], $0xffff  }
0x2ae: {  	v9 =	vld.idx.msk [tilespmem:v9+s10+$0x0], $0xffff  }
0x2af: {  	v23 =	vor.u32 s19, v61;
	v10 =	vld.idx.msk [tilespmem:v10+s10+$0x0], $0xffff  }
0x2b0: {  	v48 =	vmovc v18;
	v18 =	vmov v11;
	v24 =	vor.u32 s31, v17;
	v2 =	vor.u32 s19, v11;
	v11 =	vld.idx.msk [tilespmem:v52+s10+$0x0], $0xffff  }
0x2b1: {  	v25 =	vor.u32 s31, v48;
	v12 =	vld.idx.msk [tilespmem:v12+s10+$0x0], $0xffff  }
0x2b2: {  	v26 =	vor.u32 s31, v16;
	v13 =	vld.idx.msk [tilespmem:v13+s10+$0x0], $0xffff  }
0x2b3: {  	v27 =	vor.u32 s31, v53;
	v47 =	vld [tilespmem:$0x1FFC0]  }
0x2b4: {  	v29 =	vor.u32 s19, v58;
	v23 =	vld.idx.msk [tilespmem:v23+s10+$0x0], $0xffff  }
0x2b5: {  	v30 =	vor.u32 s18, v17;
	v24 =	vld.idx.msk [tilespmem:v24+s10+$0x0], $0xffff  }
0x2b6: {  	v31 =	vor.u32 s18, v55;
	v25 =	vld.idx.msk [tilespmem:v25+s10+$0x0], $0xffff  }
0x2b7: {  	v54 =	vor.u32 s31, v59;
	v26 =	vld.idx.msk [tilespmem:v26+s10+$0x0], $0xffff  }
0x2b8: {  	v56 =	vor.u32 s18, v59;
	v27 =	vld.idx.msk [tilespmem:v27+s10+$0x0], $0xffff  }
0x2b9: {  	v62 =	vor.u32 s18, v48;
	v29 =	vld.idx.msk [tilespmem:v29+s10+$0x0], $0xffff  }
0x2ba: {  	v44 =	vor.u32 s19, v53;
	v30 =	vld.idx.msk [tilespmem:v30+s10+$0x0], $0xffff  }
0x2bb: {  	v49 =	vor.u32 s19, v59;
	v31 =	vld.idx.msk [tilespmem:v31+s10+$0x0], $0xffff  }
0x2bc: {  	v1 =	vor.u32 s17, v53;
	v32 =	vld.idx.msk [tilespmem:v54+s10+$0x0], $0xffff  }
0x2bd: {  	v33 =	vld.idx.msk [tilespmem:v56+s10+$0x0], $0xffff  }
0x2be: {  	v45 =	vor.u32 s19, v55;
	v34 =	vld.idx.msk [tilespmem:v62+s10+$0x0], $0xffff  }
0x2bf: {  	v46 =	vor.u32 s19, v17;
	v36 =	vld.idx.msk [tilespmem:v44+s10+$0x0], $0xffff  }
0x2c0: {  	v51 =	vor.u32 s18, v53;
	v39 =	vld.idx.msk [tilespmem:v49+s10+$0x0], $0xffff  }
0x2c1: {  	v54 =	vor.u32 s18, v60;
	v21 =	vld.idx.msk [tilespmem:v1+s10+$0x0], $0xffff  }
0x2c2: {  	v42 =	vor.u32 s18, v16;
	v2 =	vld.idx.msk [tilespmem:v2+s10+$0x0], $0xffff  }
0x2c3: {  	v52 =	vor.u32 s18, v58;
	v37 =	vld.idx.msk [tilespmem:v45+s10+$0x0], $0xffff  }
0x2c4: {  	v1 =	vor.u32 s19, v19;
	v38 =	vld.idx.msk [tilespmem:v46+s10+$0x0], $0xffff  }
0x2c5: {  	v50 =	vor.u32 s19, v47;
	v26 =	vadd.s32 v27, v26;
	v27 =	vld.idx.msk [tilespmem:v51+s10+$0x0], $0xffff  }
0x2c6: {  	v63 =	vor.u32 s31, v47;
	v51 =	vld.idx.msk [tilespmem:v54+s10+$0x0], $0xffff  }
0x2c7: {  	v28 =	vor.u32 s18, v47;
	v24 =	vadd.s32 v24, v26;
	v26 =	vld.idx.msk [tilespmem:v42+s10+$0x0], $0xffff  }
0x2c8: {  	v46 =	vor.u32 s18, v61;
	v24 =	vadd.s32 v32, v24;
	v32 =	vld.idx.msk [tilespmem:v52+s10+$0x0], $0xffff  }
0x2c9: {  	v62 =	vor.u32 s18, v18;
	v1 =	vld.idx.msk [tilespmem:v1+s10+$0x0], $0xffff  }
0x2ca: {  	v40 =	vld.idx.msk [tilespmem:v50+s10+$0x0], $0xffff  }
0x2cb: {  	v44 =	vor.u32 s19, v14;
	v35 =	vld.idx.msk [tilespmem:v63+s10+$0x0], $0xffff  }
0x2cc: {  	v45 =	vor.u32 s18, v57;
	v4 =	vadd.s32 v36, v4;
	v28 =	vld.idx.msk [tilespmem:v28+s10+$0x0], $0xffff  }
0x2cd: {  	v4 =	vadd.s32 v38, v4;
	v49 =	vld.idx.msk [tilespmem:v46+s10+$0x0], $0xffff;
	v26 =	vadd.s32 v27, v26;
	v27 =	vor.u32 s18, v15  }
0x2ce: {  	v56 =	vor.u32 s31, v58;
	v4 =	vadd.s32 v39, v4;
	v26 =	vadd.s32 v30, v26;
	v30 =	vld.idx.msk [tilespmem:v62+s10+$0x0], $0xffff  }
0x2cf: {  	v63 =	vor.u32 s31, v18;
	v62 =	vld [tilespmem:$0x1FF60];
	v4 =	vadd.s32 v40, v4  }
0x2d0: {  	v50 =	vor.u32 s31, v60;
	v24 =	vadd.s32 v35, v24;
	v35 =	vld.idx.msk [tilespmem:v44+s10+$0x0], $0xffff;
	v4 =	vadd.s32 v7, v4  }
0x2d1: {  	v38 =	vor.u32 s31, v15;
	v24 =	vadd.s32 v25, v24;
	v25 =	vld.idx.msk [tilespmem:v45+s10+$0x0], $0xffff;
	v4 =	vadd.s32 v29, v4  }
0x2d2: {  	v43 =	vor.u32 s17, v47;
	v52 =	vor.u32 s18, v19;
	v41 =	vld.idx.msk [tilespmem:v27+s10+$0x0], $0xffff;
	v4 =	vadd.s32 v37, v4  }
0x2d3: {  	v29 =	vld.idx.msk [tilespmem:v56+s10+$0x0], $0xffff;
	v56 =	vor.u32 s31, v14;
	v4 =	vadd.s32 v13, v4;
	v13 =	vadd.s32 v33, v26  }
0x2d4: {  	v26 =	vld.idx.msk [tilespmem:v63+s10+$0x0], $0xffff;
	v33 =	vor.u32 s31, v62;
	v4 =	vadd.s32 v23, v4;
	v13 =	vadd.s32 v28, v13  }
0x2d5: {  	v23 =	vld.idx.msk [tilespmem:v50+s10+$0x0], $0xffff;
	v28 =	vor.u32 s31, v19;
	v4 =	vadd.s32 v6, v4;
	v63 =	vadd.s32 v34, v13  }
0x2d6: {  	v27 =	vor.u32 s17, v17;
	v50 =	vld.idx.msk [tilespmem:v38+s10+$0x0], $0xffff;
	v2 =	vadd.s32 v2, v4;
	v39 =	vadd.s32 v32, v63  }
0x2d7: {  	v54 =	vor.u32 s17, v59;
	v13 =	vld.idx.msk [tilespmem:v52+s10+$0x0], $0xffff;
	v2 =	vadd.s32 v35, v2;
	v4 =	vadd.s32 v31, v39  }
0x2d8: {  	v24 =	vadd.s32 v29, v24;
	v29 =	vld.idx.msk [tilespmem:v56+s10+$0x0], $0xffff;
	v2 =	vadd.s32 v5, v2;
	v4 =	vadd.s32 v25, v4  }
0x2d9: {  	v42 =	vadd.s32 v11, v24;
	v45 =	vld.idx.msk [tilespmem:v33+s10+$0x0], $0xffff;
	v1 =	vadd.s32 v1, v2;
	v2 =	vadd.s32 v49, v4  }
0x2da: {  	v46 =	vadd.s32 v12, v42;
	v47 =	vld.idx.msk [tilespmem:v28+s10+$0x0], $0xffff;
	v49 =	vor.u32 s17, v48;
	v2 =	vadd.s32 v51, v2  }
0x2db: {  	v3 =	vadd.s32 v3, v46;
	v1 =	vadd.s32 v9, v1;
	v51 =	vld.idx.msk [tilespmem:v27+s10+$0x0], $0xffff;
	v2 =	vadd.s32 v30, v2  }
0x2dc: {  	v63 =	vld [tilespmem:$0x1FEC0];
	v3 =	vadd.s32 v23, v3;
	(xrf0) =	vadd.scan.msk.s32 $0xffff, v1;
	v1 =	vor.u32 s17, v58;
	v2 =	vadd.s32 v10, v2  }
0x2dd: {  	v12 =	vadd.s32 v21, v22;
	v21 =	vld.idx.msk [tilespmem:v54+s10+$0x0], $0xffff;
	v3 =	vadd.s32 v26, v3;
	v2 =	vadd.s32 v8, v2  }
0x2de: {  	v52 =	vor.u32 s17, v55;
	v26 =	vld.idx.msk [tilespmem:v43+s10+$0x0], $0xffff;
	v3 =	vadd.s32 v29, v3;
	v2 =	vadd.s32 v13, v2  }
0x2df: {  	v54 =	vor.u32 s17, v61;
	v3 =	vadd.s32 v45, v3;
	v9 =	vld.idx.msk [tilespmem:v49+s10+$0x0], $0xffff;
	v23 =	vadd.s32 v41, v2  }
0x2e0: {  	v2 =	vadd.s32 v47, v3;
	v3 =	vor.u32 s17, v15;
	v56 =	vadd.s32 v51, v12;
	v12 =	vld [tilespmem:$0x1FF60]  }
0x2e1: {  	v20 =	vimm.s32 $0x0;
	v1 =	vld.idx.msk [tilespmem:v1+s10+$0x0], $0xffff;
	v28 =	vadd.s32 v50, v2;
	v2 =	vor.u32 s17, v57  }
0x2e2: {  	v36 =	vor.u32 s17, v60;
	v34 =	vor.u32 s17, v14;
	v25 =	vor.u32 s17, v18;
	v62, _, _ =	vpop (xrf0)  }
0x2e3: {  	v24 =	vld.idx.msk [tilespmem:v52+s10+$0x0], $0xffff;
	v30 =	vor.u32 s17, v19;
	v4 =	vadd.s32 v21, v56;
	v29 =	vadd.s32 v20, v62  }
0x2e4: {  	v22 =	vld.idx.msk [tilespmem:v54+s10+$0x0], $0xffff;
	v21 =	vimm.s32 $0x0;
	v4 =	vadd.s32 v26, v4;
	vm0 =	vlt.s32 v29, v63  }
0x2e5: {  	v4 =	vadd.s32 v9, v4;
	v31 =	vor.u32 s17, v12;
	v26 =	vnsel vm0, $0x0, v29;
	v37 =	vld.idx.msk [tilespmem:v3+s10+$0x0], $0xffff  }
0x2e6: {  	s16 =	simm.s32 $0x0;
	v27 =	vsel vm0, $0x1, v0;
	s17 =	simm.s32 $0x700;
	vm0 =	vgt.s32 v20, v26;
	v35 =	vadd.s32 v1, v4;
	v33 =	vld.idx.msk [tilespmem:v2+s10+$0x0], $0xffff  }
.LBB2_14:
0x2e7: {  	_ = 	snop  }
0x2e8: {  	v47 =	vld [tilespmem:$0x1FFE0]  }
0x2e9: {  	v4 =	vld.idx.msk [tilespmem:v30+s10+$0x0], $0xffff  }
0x2ea: {  	v6 =	vld.idx.msk [tilespmem:v31+s10+$0x0], $0xffff  }
0x2eb: {  	v16 =	vld [tilespmem:$0x1FFD0]  }
0x2ec: {  	v10 =	vld.idx.msk [tilespmem:v34+s10+$0x0], $0xffff  }
0x2ed: {  	v13 =	vld.idx.msk [tilespmem:v25+s10+$0x0], $0xffff  }
0x2ee: {  	v19 =	vld [tilespmem:$0x1FF70]  }
0x2ef: {  	s18 =	sadd.s32 $0xFFFFFF00, s17;
	v1 =	vor.u32 s17, v53;
	v30 =	vld.idx.msk [tilespmem:v36+s10+$0x0], $0xffff  }
0x2f0: {  	s20 =	sadd.s32 $0xFFFFFD00, s17;
	v63 =	vld [tilespmem:$0x1FFC0];
	v9 =	vor.u32 s18, v61  }
0x2f1: {  	v15 =	vld [tilespmem:$0x1FF80];
	v5 =	vor.u32 s20, v12  }
0x2f2: {  	v3 =	vbroadcast v29, $0xF;
	v29 =	vld [tilespmem:$0x1FF60];
	v31 =	vor.u32 s20, v18  }
0x2f3: {  	v62 =	vld [tilespmem:$0x1FEC0];
	v45 =	vor.u32 s18, v53;
	v12 =	vadd.s32 v24, v35  }
0x2f4: {  	v11 =	vor.u32 s20, v58;
	v1 =	vld.idx.msk [tilespmem:v1+s10+$0x0], $0xffff;
	v12 =	vadd.s32 v33, v12  }
0x2f5: {  	v32 =	vor.u32 s20, v53;
	v12 =	vadd.s32 v22, v12;
	v22 =	vld.idx.msk [tilespmem:v9+s10+$0x0], $0xffff  }
0x2f6: {  	(xrf0) =	vadd.scan.msk.s32 $0xffff, v23;
	v38 =	vor.u32 s20, v17;
	v23 =	vld.idx.msk [tilespmem:v5+s10+$0x0], $0xffff  }
0x2f7: {  	s19 =	sadd.s32 $0xFFFFFE00, s17;
	v39 =	vor.u32 s20, v59;
	v31 =	vld.idx.msk [tilespmem:v31+s10+$0x0], $0xffff  }
0x2f8: {  	v50 =	vor.u32 s19, v14;
	v45 =	vld.idx.msk [tilespmem:v45+s10+$0x0], $0xffff  }
0x2f9: {  	v24 =	vor.u32 s20, v60;
	v11 =	vld.idx.msk [tilespmem:v11+s10+$0x0], $0xffff  }
0x2fa: {  	v35 =	vor.u32 s18, v58;
	v32 =	vld.idx.msk [tilespmem:v32+s10+$0x0], $0xffff  }
0x2fb: {  	v2 =	vor.u32 s17, v47;
	v38 =	vld.idx.msk [tilespmem:v38+s10+$0x0], $0xffff  }
0x2fc: {  	v7 =	vor.u32 s20, v47;
	v39 =	vld.idx.msk [tilespmem:v39+s10+$0x0], $0xffff  }
0x2fd: {  	v25 =	vor.u32 s20, v19;
	v12 =	vadd.s32 v30, v12;
	v30, _, _ =	vpop (xrf0);
	(xrf0) =	vadd.scan.msk.s32 $0xffff, v28;
	v28 =	vld.idx.msk [tilespmem:v50+s10+$0x0], $0xffff  }
0x2fe: {  	v8 =	vor.u32 s20, v16;
	v46 =	vor.u32 s19, v29;
	v29 =	vld.idx.msk [tilespmem:v24+s10+$0x0], $0xffff  }
0x2ff: {  	v35 =	vld.idx.msk [tilespmem:v35+s10+$0x0], $0xffff  }
0x300: {  	v36 =	vor.u32 s20, v15;
	v2 =	vld.idx.msk [tilespmem:v2+s10+$0x0], $0xffff  }
0x301: {  	v56 =	vmov v53;
	v42 =	vor.u32 s19, v53;
	v53 =	vor.u32 s18, v55;
	v7 =	vld.idx.msk [tilespmem:v7+s10+$0x0], $0xffff  }
0x302: {  	v43 =	vor.u32 s19, v47;
	v47 =	vor.u32 s18, v47;
	v25 =	vld.idx.msk [tilespmem:v25+s10+$0x0], $0xffff  }
0x303: {  	v33 =	vor.u32 s19, v57;
	v8 =	vld.idx.msk [tilespmem:v8+s10+$0x0], $0xffff  }
0x304: {  	v5 =	vor.u32 s19, v17;
	v24 =	vld.idx.msk [tilespmem:v46+s10+$0x0], $0xffff  }
0x305: {  	v9 =	vor.u32 s20, v55;
	v12 =	vadd.s32 v13, v12;
	v3 =	vadd.s32 v3, v30;
	v30 =	vld.idx.msk [tilespmem:v36+s10+$0x0], $0xffff  }
0x306: {  	v60 =	vor.u32 s18, v57;
	v10 =	vadd.s32 v10, v12;
	v36 =	vld.idx.msk [tilespmem:v53+s10+$0x0], $0xffff  }
0x307: {  	v6 =	vadd.s32 v6, v10;
	v47 =	vld.idx.msk [tilespmem:v47+s10+$0x0], $0xffff  }
0x308: {  	v52 =	vor.u32 s20, v61;
	v33 =	vld.idx.msk [tilespmem:v33+s10+$0x0], $0xffff;
	v4 =	vadd.s32 v4, v6  }
0x309: {  	v20 =	vsel vm0, v20, v26;
	v50 =	vor.u32 s19, v55;
	v5 =	vld.idx.msk [tilespmem:v5+s10+$0x0], $0xffff;
	v4 =	vadd.s32 v37, v4  }
0x30a: {  	v21 =	vadd.s32 v27, v21;
	v41 =	vor.u32 s18, v59;
	v13 =	vor.u32 s20, v57;
	v9 =	vld.idx.msk [tilespmem:v9+s10+$0x0], $0xffff;
	(xrf0) =	vadd.scan.msk.s32 $0xffff, v4  }
0x30b: {  	v49 =	vor.u32 s19, v59;
	v51 =	vor.u32 s18, v17;
	v48 =	vor.u32 s18, v16;
	v37 =	vld.idx.msk [tilespmem:v60+s10+$0x0], $0xffff  }
0x30c: {  	v54 =	vor.u32 s19, v63;
	vm1 =	vlt.s32 v3, v62;
	v12 =	vbroadcast v3, $0xF;
	v60 =	vld [tilespmem:$0x1FFB0]  }
0x30d: {  	v46 =	vsel vm1, $0x1, v0;
	v26 =	vadd.s32 v1, v2;
	v1 =	vnsel vm1, $0x0, v3;
	v3 =	vld.idx.msk [tilespmem:v52+s10+$0x0], $0xffff;
	v52, _, _ =	vpop (xrf0)  }
0x30e: {  	v21 =	vadd.s32 v46, v21;
	v46 =	vld.idx.msk [tilespmem:v50+s10+$0x0], $0xffff;
	vm0 =	vgt.s32 v20, v1;
	v4 =	vadd.s32 v12, v52  }
0x30f: {  	v40 =	vor.u32 s20, v63;
	v2 =	vld.idx.msk [tilespmem:v13+s10+$0x0], $0xffff;
	v1 =	vsel vm0, v20, v1;
	v20 =	vbroadcast v4, $0xF  }
0x310: {  	v44 =	vor.u32 s18, v63;
	v10 =	vor.u32 s19, v16;
	v13 =	vld.idx.msk [tilespmem:v51+s10+$0x0], $0xffff;
	vm0 =	vlt.s32 v4, v62;
	v27, _, _ =	vpop (xrf0)  }
0x311: {  	v53 =	vmovc v56;
	v51 =	vld.idx.msk [tilespmem:v54+s10+$0x0], $0xffff;
	v56 =	vsel vm0, $0x1, v0;
	v4 =	vnsel vm0, $0x0, v4;
	v20 =	vadd.s32 v20, v27  }
0x312: {  	vm0 =	vgt.s32 v1, v4;
	v21 =	vadd.s32 v56, v21;
	v56 =	vld.idx.msk [tilespmem:v41+s10+$0x0], $0xffff;
	vm1 =	vlt.s32 v20, v62  }
0x313: {  	v12 =	vld.idx.msk [tilespmem:v48+s10+$0x0], $0xffff;
	v1 =	vsel vm0, v1, v4;
	v27 =	vbroadcast v20, $0xF;
	v20 =	vnsel vm1, $0x0, v20  }
0x314: {  	v6 =	vor.u32 s19, v58;
	v7 =	vadd.s32 v32, v7;
	v52 =	vld.idx.msk [tilespmem:v43+s10+$0x0], $0xffff;
	vm0 =	vgt.s32 v1, v20  }
0x315: {  	v48 =	vadd.s32 v45, v47;
	v7 =	vadd.s32 v38, v7;
	v20 =	vsel vm0, v1, v20;
	v1 =	vld.idx.msk [tilespmem:v49+s10+$0x0], $0xffff  }
0x316: {  	v7 =	vadd.s32 v39, v7;
	v39 =	vor.u32 s18, v18;
	v13 =	vadd.s32 v13, v48;
	v49 =	vld.idx.msk [tilespmem:v44+s10+$0x0], $0xffff  }
0x317: {  	v4 =	vadd.s32 v56, v13;
	v13 =	vld.idx.msk [tilespmem:v40+s10+$0x0], $0xffff  }
0x318: {  	v34 =	vor.u32 s19, v61;
	v54 =	vsel vm1, $0x1, v0;
	v40 =	vld.idx.msk [tilespmem:v42+s10+$0x0], $0xffff  }
0x319: {  	v10 =	vld.idx.msk [tilespmem:v10+s10+$0x0], $0xffff;
	v21 =	vadd.s32 v54, v21;
	v54 =	vor.u32 s19, v60  }
0x31a: {  	v50 =	vor.u32 s20, v14;
	v6 =	vld.idx.msk [tilespmem:v6+s10+$0x0], $0xffff;
	v43 =	vor.u32 s17, v16  }
0x31b: {  	v45 =	vor.u32 s17, v59;
	v48 =	vor.u32 s18, v60;
	v38 =	vld.idx.msk [tilespmem:v39+s10+$0x0], $0xffff;
	v56 =	vor.u32 s19, v18  }
0x31c: {  	v39 =	vld [tilespmem:$0x1FF60];
	v44 =	vor.u32 s17, v63;
	v63 =	vor.u32 s18, v14;
	v7 =	vadd.s32 v13, v7  }
0x31d: {  	v4 =	vadd.s32 v49, v4;
	v13 =	vld.idx.msk [tilespmem:v34+s10+$0x0], $0xffff;
	v52 =	vadd.s32 v40, v52;
	v7 =	vadd.s32 v8, v7  }
0x31e: {  	v49 =	vld.idx.msk [tilespmem:v54+s10+$0x0], $0xffff;
	v54 =	vor.u32 s19, v15;
	v40 =	vor.u32 s18, v19;
	v7 =	vadd.s32 v11, v7  }
0x31f: {  	v4 =	vadd.s32 v12, v4;
	v12 =	vld.idx.msk [tilespmem:v50+s10+$0x0], $0xffff;
	v5 =	vadd.s32 v5, v52;
	v7 =	vadd.s32 v9, v7  }
0x320: {  	v56 =	vld.idx.msk [tilespmem:v56+s10+$0x0], $0xffff;
	v50 =	vor.u32 s19, v19;
	v1 =	vadd.s32 v1, v5;
	v2 =	vadd.s32 v2, v7  }
0x321: {  	v52 =	vld.idx.msk [tilespmem:v44+s10+$0x0], $0xffff;
	v1 =	vadd.s32 v51, v1;
	v7 =	vor.u32 s18, v39;
	v2 =	vadd.s32 v3, v2  }
0x322: {  	v4 =	vadd.s32 v35, v4;
	v11 =	vld.idx.msk [tilespmem:v63+s10+$0x0], $0xffff;
	v1 =	vadd.s32 v10, v1;
	v2 =	vadd.s32 v29, v2  }
0x323: {  	v3 =	vld.idx.msk [tilespmem:v48+s10+$0x0], $0xffff;
	v1 =	vadd.s32 v6, v1;
	v29 =	vor.u32 s18, v15;
	v2 =	vadd.s32 v31, v2  }
0x324: {  	v47 =	vld.idx.msk [tilespmem:v54+s10+$0x0], $0xffff;
	v1 =	vadd.s32 v46, v1;
	v31 =	vor.u32 s17, v17;
	v2 =	vadd.s32 v12, v2  }
0x325: {  	v4 =	vadd.s32 v36, v4;
	v41 =	vld.idx.msk [tilespmem:v50+s10+$0x0], $0xffff;
	v1 =	vadd.s32 v33, v1;
	v2 =	vadd.s32 v23, v2  }
0x326: {  	v4 =	vadd.s32 v37, v4;
	v1 =	vadd.s32 v13, v1;
	v7 =	vld.idx.msk [tilespmem:v7+s10+$0x0], $0xffff;
	v2 =	vadd.s32 v25, v2  }
0x327: {  	v4 =	vadd.s32 v22, v4;
	v12 =	vld.idx.msk [tilespmem:v40+s10+$0x0], $0xffff;
	v1 =	vadd.s32 v49, v1;
	v2 =	vadd.s32 v30, v2  }
0x328: {  	v42 =	vor.u32 s17, v58;
	v1 =	vadd.s32 v56, v1;
	v3 =	vadd.s32 v3, v4;
	v48 =	vld.idx.msk [tilespmem:v29+s10+$0x0], $0xffff;
	(xrf0) =	vadd.scan.msk.s32 $0xffff, v2  }
0x329: {  	v1 =	vadd.s32 v28, v1;
	v49 =	vld.idx.msk [tilespmem:v31+s10+$0x0], $0xffff;
	v2 =	vadd.s32 v38, v3  }
0x32a: {  	v51 =	vor.u32 s17, v61;
	v3 =	vld.idx.msk [tilespmem:v45+s10+$0x0], $0xffff;
	v1 =	vadd.s32 v24, v1;
	v2 =	vadd.s32 v11, v2  }
0x32b: {  	v54 =	vld.idx.msk [tilespmem:v43+s10+$0x0], $0xffff;
	v50 =	vor.u32 s17, v55;
	v1 =	vadd.s32 v41, v1;
	v2 =	vadd.s32 v7, v2  }
0x32c: {  	s16 =	sadd.s32 $0x4, s16;
	v56 =	vor.u32 s17, v15;
	v23 =	vadd.s32 v47, v1;
	v1 =	vadd.s32 v12, v2;
	v12 =	vld [tilespmem:$0x1FF60]  }
0x32d: {  	p0 =	slt.u32 s16, $0x3C;
	v2 =	vld.idx.msk [tilespmem:v42+s10+$0x0], $0xffff;
	v28 =	vadd.s32 v48, v1;
	v1 =	vor.u32 s17, v57  }
.Ltmp7:
0x32e: {  	v34 =	vor.u32 s17, v14;
	v36 =	vor.u32 s17, v60;
	v4 =	vadd.s32 v49, v26;
	v63, _, _ =	vpop (xrf0);
	(pc) =	sbr.rel @p0 .LBB2_14-.Ltmp7, $4  }
0x32f: {  	v22 =	vld.idx.msk [tilespmem:v51+s10+$0x0], $0xffff;
	v25 =	vor.u32 s17, v18;
	v3 =	vadd.s32 v3, v4;
	v29 =	vadd.s32 v27, v63  }
0x330: {  	v30 =	vor.u32 s17, v19;
	v24 =	vld.idx.msk [tilespmem:v50+s10+$0x0], $0xffff;
	v3 =	vadd.s32 v52, v3;
	vm0 =	vlt.s32 v29, v62  }
0x331: {  	v37 =	vld.idx.msk [tilespmem:v56+s10+$0x0], $0xffff;
	v31 =	vor.u32 s17, v12;
	v3 =	vadd.s32 v54, v3;
	v26 =	vnsel vm0, $0x0, v29  }
0x332: {  	s17 =	sadd.s32 $0x400, s17;
	v27 =	vsel vm0, $0x1, v0;
	v35 =	vadd.s32 v2, v3;
	v33 =	vld.idx.msk [tilespmem:v1+s10+$0x0], $0xffff;
	vm0 =	vgt.s32 v20, v26  }
0x333: {  	_ =	sdelay $0x3  }
0x334: {  	v1 =	vld.idx.msk [tilespmem:v36+s10+$0x0], $0xffff  }
0x335: {  	v2 =	vld.idx.msk [tilespmem:v25+s10+$0x0], $0xffff  }
0x336: {  	v3 =	vld.idx.msk [tilespmem:v34+s10+$0x0], $0xffff;
	v4 =	vadd.s32 v24, v35  }
0x337: {  	v5 =	vld.idx.msk [tilespmem:v31+s10+$0x0], $0xffff;
	v4 =	vadd.s32 v33, v4  }
0x338: {  	v6 =	vld.idx.msk [tilespmem:v30+s10+$0x0], $0xffff;
	v4 =	vadd.s32 v22, v4  }
0x339: {  	(xrf0) =	vadd.scan.msk.s32 $0xffff, v23;
	v1 =	vadd.s32 v1, v4  }
0x33a: {  	v1 =	vadd.s32 v2, v1  }
0x33b: {  	v1 =	vadd.s32 v3, v1  }
0x33c: {  	(xrf0) =	vadd.scan.msk.s32 $0xffff, v28;
	v1 =	vadd.s32 v5, v1  }
0x33d: {  	v1 =	vadd.s32 v6, v1  }
0x33e: {  	v2 =	vbroadcast v29, $0xF;
	v1 =	vadd.s32 v37, v1  }
0x33f: {  	v3, _, _ =	vpop (xrf0);
	(xrf0) =	vadd.scan.msk.s32 $0xffff, v1  }
0x340: {  	v7 =	vld [tilespmem:$0x1FEC0];
	v1 =	vadd.s32 v2, v3  }
0x341: {  	v2 =	vbroadcast v1, $0xF  }
0x342: {  	v3, _, _ =	vpop (xrf0)  }
0x343: {  	v2 =	vadd.s32 v2, v3  }
0x344: {  	v3 =	vbroadcast v2, $0xF  }
0x345: {  	v36 =	vadd.s32 v27, v21;
	vm1 =	vlt.s32 v1, v7;
	v35, _, _ =	vpop (xrf0)  }
0x346: {  	v34 =	vsel vm1, $0x1, v0;
	vm2 =	vlt.s32 v2, v7;
	v3 =	vadd.s32 v3, v35  }
0x347: {  	v4 =	vadd.s32 v34, v36;
	v37 =	vsel vm2, $0x1, v0;
	vm3 =	vlt.s32 v3, v7  }
0x348: {  	v4 =	vadd.s32 v37, v4;
	v38 =	vsel vm3, $0x1, v0  }
0x349: {  	v4 =	vadd.s32 v38, v4  }
0x34a: {  	(xrf0) =	vadd.scan.msk.s32 $0xffff, v4;
	_ =	sdelay $0x5  }
0x34b: {  	v4, _, _ =	vpop (xrf0)  }
0x34c: {  	(v2sf) =	vpush v4, $0xF;
	_ =	sdelay $0xa  }
0x34d: {  	v39 =	vsel vm0, v20, v26;
	v1 =	vnsel vm1, $0x0, v1  }
0x34e: {  	s16 =	simm.s32 $0x0;
	vm0 =	vgt.s32 v39, v1  }
0x34f: {  	v40 =	vld [tilespmem:s16+$0x40];
	v1 =	vsel vm0, v39, v1;
	v2 =	vnsel vm2, $0x0, v2  }
0x350: {  	v41 =	vld [tilespmem:s16+$0x50];
	vm0 =	vgt.s32 v1, v2  }
0x351: {  	s15 =	sshll.u32 s15, $0xA;
	v22 =	vld [tilespmem:s16+$0x30];
	v1 =	vsel vm0, v1, v2;
	v2 =	vnsel vm3, $0x0, v3;
	s17 =	spop (v2sf)  }
0x352: {  	v24 =	vld [tilespmem:s16+$0x10];
	vm0 =	vgt.s32 v1, v2;
	s15 =	sor.u32 s15, s17  }
0x353: {  	v1 =	vsel vm0, v1, v2;
	v19 =	vmov s15  }
0x354: {  	v1 =	vxor.u32 $0x80000000, v1;
	vm2 =	veq.s32 v19, v40  }
0x355: {  	v42 =	vld [tilespmem:s16+$0x20];
	(xrf0) =	vmax.scan.msk.u32 $0xffff, v1;
	vm1 =	veq.s32 v19, v41;
	v1 =	vsel vm2, $0x1, v0  }
0x356: {  	v2 =	vld [tilespmem:s16+$0x0];
	vm0 =	veq.s32 v19, v22;
	v3 =	vsel vm1, $0x1, v0;
	(xrf0) =	vadd.scan.msk.s32 $0xffff, v1  }
0x357: {  	vm5 =	veq.s32 v19, v24;
	v1 =	vsel vm0, $0x1, v0;
	(xrf0) =	vadd.scan.msk.s32 $0xffff, v3  }
0x358: {  	(xrf0) =	vadd.scan.msk.s32 $0xffff, v1;
	v1 =	vsel vm5, $0x1, v0;
	_ =	sdelay $0x2  }
0x359: {  	vm4 =	veq.s32 v19, v2;
	vm3 =	veq.s32 v19, v42;
	(xrf0) =	vadd.scan.msk.s32 $0xffff, v1;
	v1, _, _ =	vpop (xrf0)  }
0x35a: {  	v3 =	vsel vm4, $0x1, v0;
	(v2sf) =	vpush v1, $0xF;
	v1 =	vsel vm3, $0x1, v0  }
0x35b: {  	(xrf0) =	vadd.scan.msk.s32 $0xffff, v3;
	_ =	sdelay $0x1  }
0x35c: {  	(xrf0) =	vadd.scan.msk.s32 $0xffff, v1;
	v1, _, _ =	vpop (xrf0)  }
0x35d: {  	v28 =	vld [tilespmem:s16+$0x60];
	v3, _, _ =	vpop (xrf0)  }
0x35e: {  	v43, _, _ =	vpop (xrf0)  }
0x35f: {  	v44, _, _ =	vpop (xrf0)  }
0x360: {  	v45, _, _ =	vpop (xrf0);
	(v2sf) =	vpush v44, $0xF  }
0x361: {  	(v2sf) =	vpush v45, $0xF  }
0x362: {  	vm7 =	veq.s32 v19, v28;
	v9, _, _ =	vpop (xrf0)  }
0x363: {  	v8 =	vsel vm7, $0x1, v0;
	(v2sf) =	vpush v9, $0xF  }
0x364: {  	(xrf0) =	vadd.scan.msk.s32 $0xffff, v8;
	(v2sf) =	vpush v43, $0xF  }
0x365: {  	v10 =	vld [tilespmem:s16+$0x70];
	(v2sf) =	vpush v1, $0xF;
	_ =	sdelay $0x1  }
0x366: {  	s15 =	simm.s32 $0x80  }
0x367: {  	v21 =	vld [tilespmem:s15+$0x30]  }
0x368: {  	v23 =	vld [tilespmem:s15+$0x20]  }
0x369: {  	vm6 =	veq.s32 v19, v10;
	v11, _, _ =	vpop (xrf0);
	(v2sf) =	vpush v3, $0xF  }
0x36a: {  	v46 =	vsel vm6, $0x1, v0;
	s21 =	spop (v2sf);
	(v2sf) =	vpush v11, $0xF  }
0x36b: {  	v12 =	vimm.s32 $0x0;
	v59 =	vimm.s32 $0x0;
	v25 =	vld [tilespmem:s15+$0x50];
	(xrf0) =	vadd.scan.msk.s32 $0xffff, v46  }
0x36c: {  	vm9 =	vgt.s32 v19, v2;
	vm11 =	vgt.s32 v19, v40;
	vm6 =	vmmov vm6;
	s22 =	sxor.u32 $0x80000000, s21  }
0x36d: {  	s23 =	simm.s32 $0x0;
	vm10 =	vmmov vm2;
	vm14 =	veq.s32 v19, v21;
	vm15 =	veq.s32 v19, v23;
	s14 =	ssub.s32 s14, s22  }
0x36e: {  	v27 =	vld [tilespmem:s15+$0x40];
	v13 =	vsel vm14, $0x1, v0;
	v7 =	vadd.s32 s23, v45;
	v20 =	vmov s14;
	s24 =	spop (v2sf)  }
0x36f: {  	v51 =	vsel vm15, $0x1, v0;
	vm3 =	vmmov vm3;
	vm8 =	vle.s32 v7, v20;
	s25 =	spop (v2sf)  }
0x370: {  	vm4 =	vmand vm4, vm8;
	vm8 =	vmmov vm1;
	vm1 =	veq.s32 v19, v25;
	s14 =	sadd.s32 $0x0, s25  }
0x371: {  	v47, _, _ =	vpop (xrf0);
	vm2 =	vmor vm9, vm4;
	vm9 =	vmmov vm0;
	vm0 =	vmmov vm7;
	s26 =	spop (v2sf);
	s18 =	sadd.s32 s24, s14  }
0x372: {  	v26 =	vld [tilespmem:s15+$0x10];
	v12 =	vsel vm1, $0xFFFFFFFF, v12;
	vm7 =	vgt.s32 v19, v41;
	(v2sf) =	vpush v47, $0xF;
	s19 =	spop (v2sf);
	s17 =	sadd.s32 s26, s18  }
0x373: {  	v33 =	vld [tilespmem:s15+$0x0];
	v2 =	vsel vm2, $0x0, v2;
	vm2 =	veq.s32 v19, v27;
	[tilespmem:$0x1FEA0] =	vst v12;
	v12 =	vsel vm1, $0x1, v0;
	s28 =	spop (v2sf);
	s19 =	sadd.s32 s19, s17  }
0x374: {  	vm1 =	vgt.s32 v19, v22;
	v9 =	vadd.s32 s18, v9;
	v1 =	vadd.s32 s19, v1;
	s18 =	sadd.s32 s28, s19  }
0x375: {  	v48 =	vsel vm2, $0x1, v0;
	v29 =	vld [tilespmem:s15+$0x70];
	vm12 =	vle.s32 v1, v20;
	v1 =	vadd.s32 s18, v3  }
0x376: {  	v30 =	vld [tilespmem:s15+$0x60];
	(xrf0) =	vadd.scan.msk.s32 $0xffff, v48;
	vm12 =	vmand vm10, vm12;
	vm10 =	vle.s32 v9, v20;
	vm13 =	vle.s32 v1, v20  }
0x377: {  	(xrf0) =	vadd.scan.msk.s32 $0xffff, v12;
	vm10 =	vmand vm3, vm10;
	vm11 =	vmor vm11, vm12;
	vm3 =	veq.s32 v19, v26  }
0x378: {  	(xrf0) =	vadd.scan.msk.s32 $0xffff, v13;
	s29 =	spop (v2sf);
	vm12 =	vmand vm8, vm13;
	vm8 =	veq.s32 v19, v33;
	v1 =	vsel vm3, $0x1, v0  }
0x379: {  	v8 =	vsel vm1, $0xFFFFFFFF, v59;
	v6 =	vadd.s32 s14, v44;
	s18 =	sadd.s32 s29, s18;
	s30 =	spop (v2sf);
	v3 =	vsel vm8, $0x1, v0;
	(xrf0) =	vadd.scan.msk.s32 $0xffff, v1  }
0x37a: {  	v5 =	vadd.s32 s17, v43;
	vm4 =	veq.s32 v19, v29;
	v49 =	vadd.s32 s18, v11;
	s18 =	sadd.s32 s30, s18;
	(xrf0) =	vadd.scan.msk.s32 $0xffff, v3  }
0x37b: {  	v50 =	vadd.s32 s18, v47;
	vm12 =	vmor vm7, vm12;
	vm7 =	veq.s32 v19, v30;
	(xrf0) =	vadd.scan.msk.s32 $0xffff, v51  }
0x37c: {  	v32, _, _ =	vpop (xrf0);
	v1 =	vsel vm11, $0x0, v40;
	vm11 =	vle.s32 v49, v20;
	v52 =	vsel vm7, $0x1, v0  }
0x37d: {  	v31, _, _ =	vpop (xrf0);
	v54 =	vsel vm12, $0x0, v41;
	vm13 =	vmand vm0, vm11;
	vm0 =	vle.s32 v50, v20  }
0x37e: {  	v56 =	vld [tilespmem:$0x1FFC0];
	v34, _, _ =	vpop (xrf0);
	vm12 =	vgt.s32 v19, v28;
	vm11 =	vgt.s32 v19, v10;
	vm0 =	vmand vm6, vm0;
	(xrf0) =	vadd.scan.msk.s32 $0xffff, v52  }
0x37f: {  	v16 =	vld [tilespmem:$0x1FFD0];
	[tilespmem:$0x1FEB0] =	vst v8;
	v3 =	vsel vm4, $0x1, v0;
	vm0 =	vmor vm11, vm0;
	vm11 =	vmmov vm5;
	v36, _, _ =	vpop (xrf0)  }
0x380: {  	v14 =	vld [tilespmem:$0x1FFE0];
	[tilespmem:s16+$0x0] =	vst v2;
	v62 =	vsel vm0, $0x0, v10;
	vm0 =	vgt.s32 v19, v42;
	v63, _, _ =	vpop (xrf0);
	(v2sf) =	vpush v36, $0xF  }
0x381: {  	[tilespmem:s16+$0x40] =	vst v1;
	vm10 =	vmor vm0, vm10;
	vm0 =	vle.s32 v5, v20;
	s31 =	spop (v2sf);
	v37, _, _ =	vpop (xrf0);
	(v2sf) =	vpush v63, $0xF  }
0x382: {  	[tilespmem:s16+$0x50] =	vst v54;
	vm9 =	vmand vm9, vm0;
	vm0 =	vle.s32 v6, v20;
	s17 =	sadd.s32 s31, s18;
	(v2sf) =	vpush v37, $0xF  }
0x383: {  	(xrf0) =	vadd.scan.msk.s32 $0xffff, v3;
	v40 =	vsel vm10, $0x0, v42;
	v1 =	vadd.s32 s17, v63;
	(v2sf) =	vpush v34, $0xF  }
0x384: {  	s14 =	simm.s32 $0x400;
	[tilespmem:s16+$0x70] =	vst v62;
	vm0 =	vmand vm11, vm0;
	vm10 =	vle.s32 v1, v20;
	v35, _, _ =	vpop (xrf0);
	(v2sf) =	vpush v32, $0xF  }
.LBB2_16:
0x385: {  	vm1 =	vmmov vm4;
	v1 =	vimm.s32 $0x0  }
0x386: {  	v1 =	vsel vm1, $0xFFFFFFFF, v1  }
0x387: {  	vm1 =	vmmov vm2;
	[tilespmem:$0x1FE50] =	vst v1;
	v1 =	vimm.s32 $0x0  }
0x388: {  	v1 =	vsel vm1, $0xFFFFFFFF, v1  }
0x389: {  	[tilespmem:$0x1FE30] =	vst v1;
	v1 =	vld [tilespmem:$0x1FEA0];
	_ =	sdelay $0x4  }
0x38a: {  	vm1 =	vnez.u8 v1  }
0x38b: {  	s18 =	sshra.s32 s14, $0x2;
	v1 =	vimm.s32 $0x0;
	vm2 =	vmmov vm1  }
0x38c: {  	vm8 =	vmand vm8, vm10;
	vm10 =	vmor vm12, vm13;
	v38 =	vld [tilespmem:s18+$0x70];
	v1 =	vsel vm2, $0xFFFFFFFF, v1  }
0x38d: {  	v2 =	vld [tilespmem:s18+$0x40];
	[tilespmem:$0x1FE40] =	vst v1;
	v1 =	vsel vm10, $0x0, v28  }
0x38e: {  	[tilespmem:s16+$0x60] =	vst v1;
	v1 =	vld [tilespmem:$0x1FEB0]  }
0x38f: {  	vm11 =	vgt.s32 v19, v33  }
0x390: {  	vm2 =	vmor vm11, vm8  }
0x391: {  	v3 =	vsel vm2, $0x0, v33;
	vm2 =	vgt.s32 v19, v24  }
0x392: {  	(v2sf) =	vpush v31, $0xF;
	v5 =	vimm.s32 $0x0;
	vm0 =	vmor vm2, vm0;
	v39 =	vld [tilespmem:s18+$0x50];
	[tilespmem:s15+$0x0] =	vst v3  }
0x393: {  	[tilespmem:s16+$0x20] =	vst v40;
	vm1 =	vnez.u8 v1;
	v1 =	vsel vm0, $0x0, v24;
	vm0 =	vmmov vm14  }
0x394: {  	v6 =	vimm.s32 $0x0;
	v49 =	vld [tilespmem:s18+$0x20];
	vm2 =	vmor vm1, vm9;
	v5 =	vsel vm0, $0xFFFFFFFF, v5  }
0x395: {  	vm0 =	vmmov vm3;
	v3 =	vsel vm2, $0x0, v22;
	v22 =	vmovc v21;
	v21 =	vld [tilespmem:s18+$0x30];
	[tilespmem:s16+$0x10] =	vst v1;
	v1 =	vimm.s32 $0x0  }
0x396: {  	v24 =	vmovc v26;
	v1 =	vsel vm0, $0xFFFFFFFF, v1;
	v26 =	vld [tilespmem:s18+$0x10];
	[tilespmem:s16+$0x30] =	vst v3;
	vm0 =	vgt.s32 v19, v22;
	v3 =	vimm.s32 $0x0  }
0x397: {  	vm2 =	veq.s32 v19, v2;
	v3 =	vsel vm0, $0xFFFFFFFF, v3;
	vm0 =	veq.s32 v19, v39  }
0x398: {  	(v2sf) =	vpush v35, $0xF;
	[tilespmem:$0x1FEB0] =	vst v3;
	v3 =	vsel vm2, $0x1, v0;
	v6 =	vsel vm0, $0xFFFFFFFF, v6  }
0x399: {  	v4, _, _ =	vpop (xrf0);
	v50 =	vsel vm0, $0x1, v0;
	vm0 =	vgt.s32 v19, v23;
	(xrf0) =	vadd.scan.msk.s32 $0xffff, v3;
	v3 =	vimm.s32 $0x0  }
0x39a: {  	(v2sf) =	vpush v4, $0xF;
	s23 =	spop (v2sf);
	s16 =	smov.u32 s15;
	s15 =	smov.u32 s18;
	vm14 =	veq.s32 v19, v21;
	v3 =	vsel vm0, $0xFFFFFFFF, v3  }
0x39b: {  	s19 =	spop (v2sf);
	v33 =	vld [tilespmem:s15+$0x0];
	(xrf0) =	vadd.scan.msk.s32 $0xffff, v50;
	[tilespmem:$0x1FE60] =	vst v3;
	v3 =	vsel vm14, $0x1, v0;
	vm3 =	veq.s32 v19, v26  }
0x39c: {  	s17 =	sadd.s32 s17, s19;
	(xrf0) =	vadd.scan.msk.s32 $0xffff, v3;
	v3 =	vsel vm3, $0x1, v0  }
0x39d: {  	v54 =	vld [tilespmem:$0x1FE30];
	(xrf0) =	vadd.scan.msk.s32 $0xffff, v3;
	v3 =	vadd.s32 s17, v36  }
0x39e: {  	s24 =	spop (v2sf);
	s18 =	sadd.s32 s23, s17;
	vm1 =	vle.s32 v3, v20;
	v3 =	vimm.s32 $0x0  }
0x39f: {  	vm11 =	vmmov vm15;
	s26 =	spop (v2sf);
	v8 =	vadd.s32 s18, v37;
	s25 =	sadd.s32 s24, s18;
	v3 =	vsel vm1, $0xFFFFFFFF, v3  }
0x3a0: {  	s28 =	spop (v2sf);
	vm8 =	veq.s32 v19, v33;
	s17 =	sadd.s32 s26, s25;
	vm1 =	vle.s32 v8, v20;
	[tilespmem:$0x1FE90] =	vst v3;
	v3 =	vadd.s32 s25, v34  }
0x3a1: {  	vm11 =	vmand vm11, vm1;
	vm6 =	vle.s32 v3, v20;
	v3 =	vadd.s32 s17, v32;
	s17 =	sadd.s32 s28, s17  }
0x3a2: {  	vm1 =	vnez.u8 v54;
	vm5 =	vle.s32 v3, v20;
	v3 =	vadd.s32 s17, v31  }
0x3a3: {  	v7 =	vsel vm8, $0x1, v0;
	vm1 =	vmand vm1, vm5;
	vm5 =	vle.s32 v3, v20;
	v3 =	vld [tilespmem:$0x1FE40]  }
0x3a4: {  	(xrf0) =	vadd.scan.msk.s32 $0xffff, v7  }
0x3a5: {  	v63 =	vld [tilespmem:$0x1FE50]  }
0x3a6: {  	vm13 =	vmmov vm7;
	v32, _, _ =	vpop (xrf0)  }
0x3a7: {  	v28 =	vmov v30;
	vm10 =	vgt.s32 v19, v27;
	s29 =	spop (v2sf);
	vm15 =	veq.s32 v19, v49;
	v31, _, _ =	vpop (xrf0)  }
0x3a8: {  	s30 =	spop (v2sf);
	v51 =	vsel vm15, $0x1, v0;
	s17 =	sadd.s32 s29, s17;
	v34, _, _ =	vpop (xrf0);
	vm1 =	vmor vm10, vm1;
	vm10 =	vnez.u8 v3  }
0x3a9: {  	s31 =	spop (v2sf);
	v30 =	vld [tilespmem:s15+$0x60];
	v36, _, _ =	vpop (xrf0);
	v59 =	vsel vm1, $0x0, v27;
	v3 =	vadd.s32 s17, v35;
	s17 =	sadd.s32 s30, s17;
	vm5 =	vmand vm10, vm5  }
0x3aa: {  	v62, _, _ =	vpop (xrf0);
	vm1 =	vle.s32 v3, v20;
	v3 =	vadd.s32 s17, v4;
	s17 =	sadd.s32 s31, s17;
	vm10 =	vnez.u8 v63  }
0x3ab: {  	(xrf0) =	vadd.scan.msk.s32 $0xffff, v51;
	vm13 =	vmand vm13, vm1;
	vm1 =	vle.s32 v3, v20;
	v3 =	vadd.s32 s17, v62  }
0x3ac: {  	vm1 =	vmand vm10, vm1;
	vm10 =	vle.s32 v3, v20;
	v3 =	vld [tilespmem:$0x1FE60];
	_ =	sdelay $0x1  }
0x3ad: {  	vm7 =	veq.s32 v19, v30  }
0x3ae: {  	vm4 =	veq.s32 v19, v38;
	[tilespmem:$0x1FE70] =	vst v5;
	vm0 =	vgt.s32 v19, v25;
	v52 =	vsel vm7, $0x1, v0  }
0x3af: {  	[tilespmem:$0x1FE80] =	vst v1;
	v1 =	vsel vm4, $0x1, v0;
	(xrf0) =	vadd.scan.msk.s32 $0xffff, v52;
	vm0 =	vmor vm0, vm5  }
0x3b0: {  	v37, _, _ =	vpop (xrf0);
	(xrf0) =	vadd.scan.msk.s32 $0xffff, v1;
	v1 =	vsel vm0, $0x0, v25;
	vm0 =	vnez.u8 v3;
	v3 =	vld [tilespmem:$0x1FE70]  }
0x3b1: {  	[tilespmem:s16+$0x50] =	vst v1;
	v1 =	vld [tilespmem:$0x1FE80];
	_ =	sdelay $0x1  }
0x3b2: {  	vm9 =	vgt.s32 v19, v29  }
0x3b3: {  	vm1 =	vmor vm9, vm1  }
0x3b4: {  	v27 =	vmovc v2;
	v2 =	vsel vm1, $0x0, v29;
	vm1 =	vmor vm0, vm11;
	vm0 =	vnez.u8 v3  }
0x3b5: {  	vm9 =	vmand vm0, vm6;
	vm0 =	vnez.u8 v1;
	v1 =	vld [tilespmem:$0x1FE90]  }
0x3b6: {  	p0 =	sne.s32 s14, $0xFE00;
	(v2sf) =	vpush v36, $0xF  }
.Ltmp8:
0x3b7: {  	(v2sf) =	vpush v62, $0xF;
	(pc) =	sbr.rel @p0 .LBB2_16-.Ltmp8, $4  }
0x3b8: {  	(v2sf) =	vpush v37, $0xF  }
0x3b9: {  	[tilespmem:$0x1FEA0] =	vst v6;
	(v2sf) =	vpush v34, $0xF  }
0x3ba: {  	vm12 =	vgt.s32 v19, v28;
	[tilespmem:s16+$0x40] =	vst v59;
	v35, _, _ =	vpop (xrf0);
	(v2sf) =	vpush v32, $0xF;
	vm5 =	vnez.u8 v1  }
0x3bb: {  	s14 =	sadd.s32 $0x200, s14;
	v25 =	vmovc v39;
	v29 =	vmovc v38;
	[tilespmem:s16+$0x70] =	vst v2;
	v40 =	vsel vm1, $0x0, v23;
	v23 =	vmov v49;
	vm0 =	vmand vm0, vm5  }
0x3bc: {  	_ = 	snop  }
0x3bd: {  	(v2sf) =	vpush v31, $0xF  }
0x3be: {  	(v2sf) =	vpush v35, $0xF;
	_ =	sdelay $0x1  }
0x3bf: {  	v1 =	vld [tilespmem:$0x1FEA0]  }
0x3c0: {  	v3 =	vld [tilespmem:$0x1FEB0]  }
0x3c1: {  	vm1 =	vmand vm8, vm10;
	vm5 =	vgt.s32 v19, v33  }
0x3c2: {  	vm8 =	vmor vm12, vm13;
	vm6 =	vmmov vm4;
	vm10 =	vmmov vm2  }
0x3c3: {  	vm11 =	vmmov vm15;
	vm12 =	vgt.s32 v19, v27;
	vm1 =	vmor vm5, vm1  }
0x3c4: {  	vm5 =	vgt.s32 v19, v23;
	v2 =	vsel vm1, $0x0, v33;
	vm2 =	vnez.u8 v1;
	s14 =	spop (v2sf)  }
0x3c5: {  	v1 =	vsel vm8, $0x0, v28;
	vm1 =	vnez.u8 v3;
	vm8 =	vgt.s32 v19, v30;
	s18 =	spop (v2sf)  }
0x3c6: {  	vm4 =	vmmov vm2;
	vm2 =	vgt.s32 v19, v24;
	vm1 =	vmor vm1, vm9;
	s17 =	sadd.s32 s17, s18  }
0x3c7: {  	vm9 =	vgt.s32 v19, v25;
	vm0 =	vmor vm2, vm0;
	v4 =	vsel vm1, $0x0, v22;
	s29 =	spop (v2sf);
	s14 =	sadd.s32 s14, s17  }
0x3c8: {  	vm2 =	vmmov vm3;
	vm3 =	vmmov vm7;
	vm1 =	vgt.s32 v19, v21;
	s19 =	spop (v2sf);
	s18 =	sadd.s32 s29, s14  }
0x3c9: {  	vm7 =	vgt.s32 v19, v29;
	v3 =	vsel vm0, $0x0, v24;
	v5 =	vadd.s32 s14, v37;
	s30 =	sadd.s32 s19, s18  }
0x3ca: {  	vm0 =	vmmov vm14;
	s31 =	spop (v2sf);
	vm13 =	vle.s32 v5, v20;
	v32 =	vadd.s32 s30, v32  }
0x3cb: {  	[tilespmem:s15+$0x0] =	vst v2;
	v6 =	vadd.s32 s17, v36;
	s14 =	sadd.s32 s31, s30;
	vm11 =	vmand vm11, vm13;
	s19 =	spop (v2sf);
	vm13 =	vle.s32 v32, v20  }
0x3cc: {  	[tilespmem:s16+$0x60] =	vst v1;
	v2 =	vadd.s32 s18, v34;
	v1 =	vadd.s32 s14, v31;
	s14 =	sadd.s32 s19, s14;
	s20 =	spop (v2sf);
	vm10 =	vmand vm10, vm13  }
0x3cd: {  	v33, _, _ =	vpop (xrf0);
	vm13 =	vle.s32 v6, v20;
	s17 =	sadd.s32 s20, s14;
	vm10 =	vmor vm12, vm10;
	vm12 =	vle.s32 v1, v20  }
0x3ce: {  	[tilespmem:s16+$0x20] =	vst v40;
	v1 =	vadd.s32 s17, v33;
	vm4 =	vmand vm4, vm12;
	vm12 =	vle.s32 v2, v20  }
0x3cf: {  	[tilespmem:s16+$0x10] =	vst v3;
	v2 =	vadd.s32 s14, v35;
	v3 =	vsel vm10, $0x0, v27;
	vm10 =	vle.s32 v1, v20  }
0x3d0: {  	[tilespmem:s16+$0x30] =	vst v4;
	vm6 =	vmand vm6, vm10;
	vm10 =	vle.s32 v2, v20;
	vm4 =	vmor vm9, vm4  }
0x3d1: {  	[tilespmem:s15+$0x40] =	vst v3;
	vm3 =	vmand vm3, vm10;
	vm6 =	vmor vm7, vm6;
	v1 =	vsel vm4, $0x0, v25  }
0x3d2: {  	vm2 =	vmand vm2, vm13;
	v2 =	vsel vm6, $0x0, v29;
	[tilespmem:s15+$0x50] =	vst v1;
	vm3 =	vmor vm8, vm3  }
0x3d3: {  	vm0 =	vmand vm0, vm12;
	vm4 =	vmor vm5, vm11;
	[tilespmem:s15+$0x70] =	vst v2;
	v1 =	vsel vm3, $0x0, v30  }
0x3d4: {  	vm0 =	vmor vm1, vm0;
	vm3 =	vgt.s32 v19, v26;
	v2 =	vsel vm4, $0x0, v23;
	[tilespmem:s15+$0x60] =	vst v1  }
0x3d5: {  	vm2 =	vmor vm3, vm2;
	[tilespmem:s15+$0x20] =	vst v2;
	v2 =	vsel vm0, $0x0, v21  }
0x3d6: {  	v1 =	vsel vm2, $0x0, v26;
	[tilespmem:s15+$0x30] =	vst v2  }
0x3d7: {  	s21 =	simm.s32 $0x0;
	s14 =	simm.s32 $0x0;
	[tilespmem:s15+$0x10] =	vst v1  }
0x3d8: {  	[hbm4b:s4+s7] =	stream.strided.scatter [tilespmem:s21], [sflag:$0x1], $0x4000, s8, s7, $0x38;
	[tilespmem:$0xC000] =	vst v63  }
0x3d9: {  	v1 =	vld [tilespmem:s14+$0x4040]  }
0x3da: {  	v31 =	vld [tilespmem:s14+$0x4050]  }
0x3db: {  	v22 =	vld [tilespmem:s14+$0x4030]  }
0x3dc: {  	v24 =	vld [tilespmem:s14+$0x4010]  }
0x3dd: {  	v2 =	vld [tilespmem:s14+$0x4000]  }
0x3de: {  	v41 =	vld [tilespmem:s14+$0x4020]  }
0x3df: {  	vm2 =	veq.s32 v19, v1  }
0x3e0: {  	vm1 =	veq.s32 v19, v31;
	v3 =	vsel vm2, $0x1, v0  }
0x3e1: {  	vm0 =	veq.s32 v19, v22;
	v42 =	vsel vm1, $0x1, v0;
	(xrf0) =	vadd.scan.msk.s32 $0xffff, v3  }
0x3e2: {  	vm12 =	veq.s32 v19, v24;
	v3 =	vsel vm0, $0x1, v0;
	(xrf0) =	vadd.scan.msk.s32 $0xffff, v42  }
0x3e3: {  	vm5 =	veq.s32 v19, v2;
	vm3 =	veq.s32 v19, v41;
	(xrf0) =	vadd.scan.msk.s32 $0xffff, v3;
	v3 =	vsel vm12, $0x1, v0  }
0x3e4: {  	v43 =	vsel vm5, $0x1, v0;
	(xrf0) =	vadd.scan.msk.s32 $0xffff, v3;
	v3 =	vsel vm3, $0x1, v0  }
0x3e5: {  	(xrf0) =	vadd.scan.msk.s32 $0xffff, v43;
	_ =	sdelay $0x1  }
0x3e6: {  	(xrf0) =	vadd.scan.msk.s32 $0xffff, v3;
	v3, _, _ =	vpop (xrf0)  }
0x3e7: {  	v27 =	vld [tilespmem:s14+$0x4060];
	v44, _, _ =	vpop (xrf0)  }
0x3e8: {  	v45, _, _ =	vpop (xrf0)  }
0x3e9: {  	(v2sf) =	vpush v33, $0xF;
	v46, _, _ =	vpop (xrf0)  }
0x3ea: {  	v7, _, _ =	vpop (xrf0);
	(v2sf) =	vpush v46, $0xF  }
0x3eb: {  	(v2sf) =	vpush v7, $0xF  }
0x3ec: {  	vm4 =	veq.s32 v19, v27;
	v9, _, _ =	vpop (xrf0)  }
0x3ed: {  	v8 =	vsel vm4, $0x1, v0;
	(v2sf) =	vpush v9, $0xF  }
0x3ee: {  	(xrf0) =	vadd.scan.msk.s32 $0xffff, v8;
	(v2sf) =	vpush v45, $0xF;
	_ =	sdelay $0x1  }
0x3ef: {  	v10 =	vld [tilespmem:s14+$0x4070]  }
0x3f0: {  	(v2sf) =	vpush v3, $0xF  }
0x3f1: {  	s15 =	simm.s32 $0x80  }
0x3f2: {  	v28 =	vld [tilespmem:s15+$0x4040]  }
0x3f3: {  	v21 =	vld [tilespmem:s15+$0x4030];
	(v2sf) =	vpush v44, $0xF;
	v11, _, _ =	vpop (xrf0)  }
0x3f4: {  	vm7 =	veq.s32 v19, v10;
	(v2sf) =	vpush v11, $0xF  }
0x3f5: {  	v26 =	vld [tilespmem:s15+$0x4050];
	v47 =	vsel vm7, $0x1, v0  }
0x3f6: {  	(xrf0) =	vadd.scan.msk.s32 $0xffff, v47  }
0x3f7: {  	s22 =	spop (v2sf);
	vm9 =	vgt.s32 v19, v2;
	vm15 =	veq.s32 v19, v28  }
0x3f8: {  	vm14 =	veq.s32 v19, v21;
	vm11 =	vgt.s32 v19, v1;
	vm6 =	vgt.s32 v19, v22;
	s23 =	spop (v2sf)  }
0x3f9: {  	s16 =	sadd.s32 s22, s17;
	v23 =	vld [tilespmem:s15+$0x4020];
	vm10 =	vmmov vm2;
	vm2 =	vmmov vm1;
	vm1 =	vmmov vm4;
	s24 =	spop (v2sf)  }
0x3fa: {  	v49 =	vsel vm15, $0x1, v0;
	vm4 =	veq.s32 v19, v26;
	v7 =	vadd.s32 s16, v7;
	s16 =	sadd.s32 s16, s24  }
0x3fb: {  	v13 =	vsel vm14, $0x1, v0;
	vm0 =	vmmov vm0;
	vm8 =	vle.s32 v7, v20;
	s25 =	spop (v2sf);
	s18 =	sadd.s32 s23, s16  }
0x3fc: {  	v12 =	vsel vm4, $0x1, v0;
	vm8 =	vmand vm5, vm8;
	vm5 =	vmmov vm7;
	v48, _, _ =	vpop (xrf0);
	s26 =	spop (v2sf);
	s17 =	sadd.s32 s25, s18  }
0x3fd: {  	v25 =	vld [tilespmem:s15+$0x4010];
	vm7 =	vmor vm9, vm8;
	vm8 =	vmmov vm3;
	(v2sf) =	vpush v48, $0xF;
	s19 =	sadd.s32 s26, s17  }
0x3fe: {  	v32 =	vld [tilespmem:s15+$0x4000];
	vm3 =	veq.s32 v19, v23;
	v2 =	vsel vm7, $0x0, v2;
	v3 =	vadd.s32 s19, v3  }
0x3ff: {  	vm7 =	vgt.s32 v19, v31;
	v9 =	vadd.s32 s18, v9;
	s28 =	spop (v2sf);
	vm9 =	vle.s32 v3, v20  }
0x400: {  	v52 =	vsel vm3, $0x1, v0;
	s18 =	sadd.s32 s28, s19;
	vm10 =	vmand vm10, vm9;
	vm9 =	vle.s32 v9, v20  }
0x401: {  	v30 =	vld [tilespmem:s15+$0x4060];
	(xrf0) =	vadd.scan.msk.s32 $0xffff, v49;
	v6 =	vadd.s32 s16, v46;
	v3 =	vadd.s32 s18, v44;
	vm9 =	vmand vm8, vm9  }
0x402: {  	(xrf0) =	vadd.scan.msk.s32 $0xffff, v12;
	s29 =	spop (v2sf);
	vm8 =	vle.s32 v3, v20;
	vm10 =	vmor vm11, vm10;
	vm11 =	veq.s32 v19, v25  }
0x403: {  	(xrf0) =	vadd.scan.msk.s32 $0xffff, v13;
	s18 =	sadd.s32 s29, s18;
	s30 =	spop (v2sf);
	vm2 =	vmand vm2, vm8;
	vm8 =	veq.s32 v19, v32;
	v3 =	vsel vm11, $0x1, v0  }
0x404: {  	v29 =	vld [tilespmem:s15+$0x4070];
	v5 =	vadd.s32 s17, v45;
	v51 =	vadd.s32 s18, v11;
	s18 =	sadd.s32 s30, s18;
	v50 =	vsel vm8, $0x1, v0;
	(xrf0) =	vadd.scan.msk.s32 $0xffff, v3  }
0x405: {  	v1 =	vsel vm10, $0x0, v1;
	vm10 =	vle.s32 v51, v20;
	v3 =	vadd.s32 s18, v48;
	(xrf0) =	vadd.scan.msk.s32 $0xffff, v50  }
0x406: {  	vm13 =	vmand vm1, vm10;
	vm2 =	vmor vm7, vm2;
	vm7 =	veq.s32 v19, v30;
	(xrf0) =	vadd.scan.msk.s32 $0xffff, v52  }
0x407: {  	v33, _, _ =	vpop (xrf0);
	vm10 =	vgt.s32 v19, v10;
	vm1 =	vle.s32 v3, v20;
	v54 =	vsel vm7, $0x1, v0  }
0x408: {  	v34, _, _ =	vpop (xrf0);
	v59 =	vsel vm2, $0x0, v31;
	vm2 =	vle.s32 v5, v20;
	vm1 =	vmand vm5, vm1  }
0x409: {  	v31, _, _ =	vpop (xrf0);
	vm5 =	veq.s32 v19, v29;
	vm0 =	vmand vm0, vm2;
	vm2 =	vle.s32 v6, v20;
	(xrf0) =	vadd.scan.msk.s32 $0xffff, v54  }
0x40a: {  	vm1 =	vmor vm10, vm1;
	vm10 =	vmmov vm12;
	v3 =	vsel vm5, $0x1, v0;
	v35, _, _ =	vpop (xrf0)  }
0x40b: {  	[tilespmem:s14+$0x4000] =	vst v2;
	v62 =	vsel vm1, $0x0, v10;
	vm1 =	vgt.s32 v19, v41;
	v63, _, _ =	vpop (xrf0);
	(v2sf) =	vpush v35, $0xF  }
0x40c: {  	[tilespmem:s14+$0x4040] =	vst v1;
	vm1 =	vmor vm1, vm9;
	s31 =	spop (v2sf);
	vm9 =	vmand vm10, vm2;
	v37, _, _ =	vpop (xrf0);
	(v2sf) =	vpush v63, $0xF  }
0x40d: {  	v12 =	vmovc v16;
	v13 =	vmovc v61;
	vm10 =	vgt.s32 v19, v27;
	[tilespmem:s14+$0x4070] =	vst v62;
	v62 =	vlaneseq.u32;
	s17 =	sadd.s32 s31, s18;
	(v2sf) =	vpush v37, $0xF  }
0x40e: {  	v61 =	vmovc v18;
	[tilespmem:s14+$0x4050] =	vst v59;
	v59 =	vmovc v57;
	v40 =	vsel vm1, $0x0, v41;
	v1 =	vadd.s32 s17, v63;
	(v2sf) =	vpush v31, $0xF  }
0x40f: {  	s16 =	simm.s32 $0x400;
	(xrf0) =	vadd.scan.msk.s32 $0xffff, v3;
	v63 =	vimm.s32 $0x1;
	vm12 =	vle.s32 v1, v20;
	v36, _, _ =	vpop (xrf0);
	(v2sf) =	vpush v33, $0xF  }
.LBB2_18:
0x410: {  	vm2 =	vmand vm8, vm12  }
0x411: {  	vm8 =	vmor vm10, vm13;
	vm10 =	vmmov vm5;
	v1 =	vimm.s32 $0x0  }
0x412: {  	v1 =	vsel vm10, $0xFFFFFFFF, v1  }
0x413: {  	vm5 =	vmmov vm15;
	[tilespmem:$0x1FDB0] =	vst v1;
	v1 =	vimm.s32 $0x0  }
0x414: {  	v1 =	vsel vm5, $0xFFFFFFFF, v1  }
0x415: {  	vm5 =	vmmov vm4;
	[tilespmem:$0x1FD90] =	vst v1;
	v1 =	vimm.s32 $0x0  }
0x416: {  	s18 =	sshra.s32 s16, $0x2;
	vm1 =	vgt.s32 v19, v32;
	v1 =	vsel vm5, $0xFFFFFFFF, v1  }
0x417: {  	v38 =	vld [tilespmem:s18+$0x4070];
	vm1 =	vmor vm1, vm2;
	[tilespmem:$0x1FDA0] =	vst v1;
	v1 =	vsel vm8, $0x0, v27  }
0x418: {  	(v2sf) =	vpush v34, $0xF;
	v2 =	vld [tilespmem:s18+$0x4040];
	v3 =	vsel vm1, $0x0, v32;
	[tilespmem:s14+$0x4060] =	vst v1  }
0x419: {  	vm0 =	vmor vm6, vm0;
	v5 =	vimm.s32 $0x0;
	vm1 =	vgt.s32 v19, v24;
	v39 =	vld [tilespmem:s18+$0x4050];
	[tilespmem:s15+$0x4000] =	vst v3  }
0x41a: {  	vm12 =	vmmov vm3;
	v6 =	vimm.s32 $0x0;
	vm1 =	vmor vm1, vm9;
	[tilespmem:s14+$0x4020] =	vst v40  }
0x41b: {  	v1 =	vsel vm1, $0x0, v24;
	v3 =	vsel vm0, $0x0, v22;
	v22 =	vmovc v21;
	vm0 =	vmmov vm14;
	v21 =	vld [tilespmem:s18+$0x4030]  }
0x41c: {  	v5 =	vsel vm0, $0xFFFFFFFF, v5;
	vm0 =	vmmov vm11;
	v46 =	vld [tilespmem:s18+$0x4020];
	[tilespmem:s14+$0x4010] =	vst v1;
	v1 =	vimm.s32 $0x0  }
0x41d: {  	v24 =	vmovc v25;
	v1 =	vsel vm0, $0xFFFFFFFF, v1;
	v25 =	vld [tilespmem:s18+$0x4010];
	[tilespmem:s14+$0x4030] =	vst v3;
	vm0 =	vgt.s32 v19, v22;
	v3 =	vimm.s32 $0x0  }
0x41e: {  	(v2sf) =	vpush v36, $0xF;
	vm5 =	veq.s32 v19, v2;
	s14 =	smov.u32 s15;
	s15 =	smov.u32 s18;
	v3 =	vsel vm0, $0xFFFFFFFF, v3  }
0x41f: {  	vm2 =	vgt.s32 v19, v23;
	v32 =	vld [tilespmem:s15+$0x4000];
	vm0 =	vgt.s32 v19, v29;
	[tilespmem:$0x1FDC0] =	vst v3;
	v3 =	vsel vm5, $0x1, v0  }
0x420: {  	v4, _, _ =	vpop (xrf0);
	vm1 =	veq.s32 v19, v39;
	v6 =	vsel vm0, $0xFFFFFFFF, v6;
	(xrf0) =	vadd.scan.msk.s32 $0xffff, v3;
	v3 =	vimm.s32 $0x0  }
0x421: {  	s23 =	spop (v2sf);
	v48 =	vsel vm1, $0x1, v0;
	vm0 =	veq.s32 v19, v21;
	v3 =	vsel vm2, $0xFFFFFFFF, v3  }
0x422: {  	s19 =	spop (v2sf);
	(xrf0) =	vadd.scan.msk.s32 $0xffff, v48;
	[tilespmem:$0x1FDE0] =	vst v3;
	v3 =	vsel vm0, $0x1, v0;
	vm4 =	veq.s32 v19, v25  }
0x423: {  	vm13 =	vmmov vm7;
	(v2sf) =	vpush v4, $0xF;
	s17 =	sadd.s32 s17, s19;
	(xrf0) =	vadd.scan.msk.s32 $0xffff, v3;
	v3 =	vsel vm4, $0x1, v0  }
0x424: {  	v51 =	vld [tilespmem:$0x1FD90];
	vm14 =	veq.s32 v19, v46;
	vm8 =	veq.s32 v19, v32;
	(xrf0) =	vadd.scan.msk.s32 $0xffff, v3;
	v3 =	vadd.s32 s17, v35  }
0x425: {  	v27 =	vmovc v30;
	v30 =	vld [tilespmem:s15+$0x4060];
	s24 =	spop (v2sf);
	s18 =	sadd.s32 s23, s17;
	v7 =	vsel vm8, $0x1, v0;
	vm2 =	vle.s32 v3, v20;
	v3 =	vimm.s32 $0x0  }
0x426: {  	s26 =	spop (v2sf);
	v8 =	vadd.s32 s18, v37;
	s25 =	sadd.s32 s24, s18;
	v49 =	vsel vm14, $0x1, v0;
	(xrf0) =	vadd.scan.msk.s32 $0xffff, v7;
	v3 =	vsel vm2, $0xFFFFFFFF, v3  }
0x427: {  	s28 =	spop (v2sf);
	s17 =	sadd.s32 s26, s25;
	vm2 =	vle.s32 v8, v20;
	(xrf0) =	vadd.scan.msk.s32 $0xffff, v49;
	[tilespmem:$0x1FE10] =	vst v3;
	v3 =	vadd.s32 s25, v31  }
0x428: {  	vm2 =	vmand vm12, vm2;
	vm3 =	vle.s32 v3, v20;
	v3 =	vadd.s32 s17, v33;
	v33, _, _ =	vpop (xrf0);
	s17 =	sadd.s32 s28, s17  }
0x429: {  	vm12 =	vnez.u8 v51;
	vm15 =	vle.s32 v3, v20;
	v3 =	vadd.s32 s17, v34;
	v34, _, _ =	vpop (xrf0)  }
0x42a: {  	vm7 =	veq.s32 v19, v30;
	v31, _, _ =	vpop (xrf0);
	vm12 =	vmand vm12, vm15;
	vm15 =	vle.s32 v3, v20;
	v3 =	vld [tilespmem:$0x1FDA0]  }
0x42b: {  	vm6 =	veq.s32 v19, v38;
	v50 =	vsel vm7, $0x1, v0;
	v35, _, _ =	vpop (xrf0)  }
0x42c: {  	[tilespmem:$0x1FE00] =	vst v1;
	v1 =	vsel vm6, $0x1, v0;
	(xrf0) =	vadd.scan.msk.s32 $0xffff, v50;
	v54, _, _ =	vpop (xrf0)  }
0x42d: {  	v47 =	vimm.s32 $0x0;
	v37, _, _ =	vpop (xrf0);
	(xrf0) =	vadd.scan.msk.s32 $0xffff, v1;
	v1 =	vld [tilespmem:$0x1FDC0]  }
0x42e: {  	[tilespmem:$0x1FDD0] =	vst v6;
	v6 =	vsel vm0, $0xFFFFFFFF, v47;
	vm0 =	vgt.s32 v19, v28  }
0x42f: {  	vm0 =	vmor vm0, vm12;
	vm12 =	vnez.u8 v3  }
0x430: {  	v57 =	vld [tilespmem:$0x1FDB0];
	vm11 =	vgt.s32 v19, v26;
	vm15 =	vmand vm12, vm15  }
0x431: {  	s29 =	spop (v2sf);
	vm11 =	vmor vm11, vm15  }
0x432: {  	s30 =	spop (v2sf);
	s17 =	sadd.s32 s29, s17;
	vm15 =	vmmov vm5;
	vm5 =	vmmov vm6;
	vm6 =	vnez.u8 v1;
	v1 =	vld [tilespmem:$0x1FDD0]  }
0x433: {  	v3 =	vadd.s32 s17, v36;
	s17 =	sadd.s32 s30, s17  }
0x434: {  	s31 =	spop (v2sf);
	v52 =	vsel vm0, $0x0, v28;
	vm0 =	vle.s32 v3, v20;
	v3 =	vadd.s32 s17, v4  }
0x435: {  	s17 =	sadd.s32 s31, s17;
	vm12 =	vnez.u8 v57;
	vm13 =	vmand vm13, vm0;
	vm0 =	vle.s32 v3, v20  }
0x436: {  	v3 =	vadd.s32 s17, v54;
	vm0 =	vmand vm12, vm0  }
0x437: {  	vm12 =	vle.s32 v3, v20;
	v3 =	vld [tilespmem:$0x1FDE0];
	vm9 =	vnez.u8 v1;
	v1 =	vsel vm11, $0x0, v26  }
0x438: {  	[tilespmem:s14+$0x4050] =	vst v1;
	v1 =	vld [tilespmem:$0x1FE00];
	_ =	sdelay $0x2  }
0x439: {  	[tilespmem:$0x1FDF0] =	vst v5;
	vm0 =	vmor vm9, vm0  }
0x43a: {  	v28 =	vmov v2;
	v2 =	vsel vm0, $0x0, v29;
	vm0 =	vnez.u8 v3;
	v3 =	vld [tilespmem:$0x1FDF0]  }
0x43b: {  	vm11 =	vmmov vm4;
	vm4 =	vmmov vm1;
	vm1 =	vnez.u8 v1;
	v1 =	vld [tilespmem:$0x1FE10];
	_ =	sdelay $0x3  }
0x43c: {  	[tilespmem:$0x1FE20] =	vst v6;
	vm2 =	vmor vm0, vm2;
	vm0 =	vnez.u8 v3  }
0x43d: {  	p0 =	sne.s32 s16, $0xFE00;
	(v2sf) =	vpush v35, $0xF;
	vm0 =	vmand vm0, vm3;
	vm3 =	vnez.u8 v1;
	v1 =	vld [tilespmem:$0x1FE20]  }
.Ltmp9:
0x43e: {  	(v2sf) =	vpush v54, $0xF;
	(pc) =	sbr.rel @p0 .LBB2_18-.Ltmp9, $4  }
0x43f: {  	(v2sf) =	vpush v37, $0xF  }
0x440: {  	vm10 =	vgt.s32 v19, v27;
	(v2sf) =	vpush v31, $0xF  }
0x441: {  	[tilespmem:s14+$0x4040] =	vst v52;
	v36, _, _ =	vpop (xrf0);
	(v2sf) =	vpush v33, $0xF;
	v26 =	vmov v39;
	v40 =	vsel vm2, $0x0, v23  }
0x442: {  	s16 =	sadd.s32 $0x200, s16;
	v29 =	vmovc v38;
	[tilespmem:s14+$0x4070] =	vst v2;
	v23 =	vmovc v46;
	vm9 =	vmand vm1, vm3;
	vm3 =	vmmov vm14;
	vm14 =	vnez.u8 v1  }
0x443: {  	(v2sf) =	vpush v34, $0xF;
	_ =	sdelay $0x1  }
0x444: {  	(v2sf) =	vpush v36, $0xF;
	_ =	sdelay $0x5  }
0x445: {  	vm1 =	vmand vm8, vm12  }
0x446: {  	vm2 =	vgt.s32 v19, v32;
	vm12 =	vmor vm10, vm13;
	vm13 =	vgt.s32 v19, v24;
	s18 =	spop (v2sf)  }
0x447: {  	vm0 =	vmor vm6, vm0;
	vm10 =	vmmov vm15;
	vm15 =	vmmov vm5;
	s16 =	spop (v2sf)  }
0x448: {  	vm4 =	vmmov vm4;
	vm11 =	vmmov vm11;
	vm1 =	vmor vm2, vm1;
	s16 =	sadd.s32 s17, s16  }
0x449: {  	v1 =	vsel vm12, $0x0, v27;
	vm8 =	vmor vm13, vm9;
	v10 =	vsel vm0, $0x0, v22;
	s29 =	spop (v2sf);
	s17 =	sadd.s32 s18, s16  }
0x44a: {  	v7, _, _ =	vpop (xrf0);
	vm12 =	vmmov vm3;
	v2 =	vsel vm1, $0x0, v32;
	v3 =	vsel vm8, $0x0, v24;
	s19 =	spop (v2sf);
	s18 =	sadd.s32 s29, s17  }
0x44b: {  	vm8 =	vgt.s32 v19, v28;
	(v2sf) =	vpush v7, $0xF;
	s20 =	spop (v2sf);
	v4 =	vadd.s32 s17, v37;
	s19 =	sadd.s32 s19, s18  }
0x44c: {  	vm9 =	vle.s32 v4, v20;
	v4 =	vadd.s32 s18, v31;
	s20 =	sadd.s32 s20, s19;
	s21 =	spop (v2sf);
	v5 =	vadd.s32 s19, v33  }
0x44d: {  	vm0 =	vmand vm12, vm9;
	s21 =	sadd.s32 s21, s20;
	v6 =	vadd.s32 s20, v34;
	vm13 =	vle.s32 v5, v20  }
0x44e: {  	s22 =	spop (v2sf);
	v8 =	vadd.s32 s21, v36;
	vm1 =	vmand vm10, vm13;
	vm9 =	vle.s32 v6, v20  }
0x44f: {  	s30 =	sadd.s32 s22, s21;
	vm10 =	vmmov vm7;
	vm13 =	vgt.s32 v19, v26;
	vm7 =	vgt.s32 v19, v23  }
0x450: {  	[tilespmem:s14+$0x4020] =	vst v40;
	v9 =	vadd.s32 s30, v7;
	vm1 =	vmor vm8, vm1;
	vm2 =	vmand vm4, vm9  }
0x451: {  	[tilespmem:s14+$0x4060] =	vst v1;
	vm6 =	vle.s32 v8, v20;
	vm8 =	vmmov vm14;
	vm0 =	vmor vm7, vm0  }
0x452: {  	[tilespmem:s14+$0x4030] =	vst v10;
	vm9 =	vle.s32 v4, v20;
	v4 =	vadd.s32 s16, v35;
	vm12 =	vle.s32 v9, v20  }
0x453: {  	[tilespmem:s15+$0x4000] =	vst v2;
	v1 =	vsel vm1, $0x0, v28;
	vm1 =	vmor vm13, vm2;
	vm2 =	vmand vm10, vm6  }
0x454: {  	[tilespmem:s14+$0x4010] =	vst v3;
	vm10 =	vgt.s32 v19, v30;
	vm13 =	vgt.s32 v19, v25;
	vm3 =	vmand vm15, vm12  }
0x455: {  	vm15 =	vgt.s32 v19, v29;
	v2 =	vsel vm1, $0x0, v26;
	[tilespmem:s15+$0x4040] =	vst v1;
	vm2 =	vmor vm10, vm2  }
0x456: {  	vm1 =	vmand vm8, vm9;
	vm12 =	vle.s32 v4, v20;
	[tilespmem:s15+$0x4050] =	vst v2;
	v1 =	vsel vm2, $0x0, v30  }
0x457: {  	vm3 =	vmor vm15, vm3;
	v2 =	vsel vm0, $0x0, v23;
	vm15 =	vgt.s32 v19, v21;
	[tilespmem:s15+$0x4060] =	vst v1  }
0x458: {  	v3 =	vsel vm3, $0x0, v29;
	vm3 =	vmand vm11, vm12;
	vm1 =	vmor vm15, vm1;
	[tilespmem:s15+$0x4020] =	vst v2  }
0x459: {  	[tilespmem:s15+$0x4070] =	vst v3;
	vm14 =	vmor vm13, vm3;
	v2 =	vsel vm1, $0x0, v21  }
0x45a: {  	v1 =	vsel vm14, $0x0, v25;
	[tilespmem:s15+$0x4030] =	vst v2  }
0x45b: {  	s31 =	spop (v2sf);
	[tilespmem:s15+$0x4010] =	vst v1  }
0x45c: {  	_ =	swait.ge [sflag:s9], $0x4000  }
0x45d: {  	[sflag:s9] =	ssyncset.done $0x0  }
0x45e: {  	[sflag:s9] =	ssyncadd.s32 $0xFFFFC000  }
0x45f: {  	[hbm4b:s5+s7] =	stream.strided.scatter [tilespmem:s11], [sflag:$0x2], $0x4000, s8, s7, $0x38;
	[tilespmem:$0xC000] =	vst v63  }
0x460: {  	s13 =	sadd.s32 $0x1, s13;
	_ =	swait.ge [sflag:s12], $0x4000  }
0x461: {  	p0 =	sne.s32 s13, s6;
	v7 =	vld [tilespmem:$0x1FF50]  }
.Ltmp10:
0x462: {  	v11 =	vld [tilespmem:$0x1FF60];
	(pc) =	sbr.rel @p0 .LBB2_1-.Ltmp10, $4  }
0x463: {  	v4 =	vld [tilespmem:$0x1FF80]  }
0x464: {  	v3 =	vld [tilespmem:$0x1FF70]  }
0x465: {  	[sflag:s12] =	ssyncset.done $0x0;
	v6 =	vld [tilespmem:$0x1FF90]  }
0x466: {  	v8 =	vmov v56;
	v9 =	vmov v58;
	v5 =	vld [tilespmem:$0x1FFA0];
	[sflag:s12] =	ssyncadd.s32 $0xFFFFC000  }
0x467: {  	_ =	sfence.sel $0x180000  }
0x468: {  	[bflag:$0x0] =	sbarrier.arrive $0xFFFF  }
0x469: {  	p0 =	sne.s32 s1, $0x0;
	_ =	strace $0x90000047  }
0x46a: {  	s0 =	sadd.s32 @!p0 $0x100000, s0;
	[bflag:$0x2] =	sbarrier.arrive $0xFFFF  }
0x46b: {  	[sflag:s0] =	ssyncadd.tile.s32 @!p0 $0x1;
	_ =	shalt  }
.Lfunc_end2:
_tile_overlayer_lowered:
.L_overlay_start_2:
0x46c: {  	(tag) =	ssettag $0x2  }
0x46d: {  	s0 =	rddreg [dreg:$0x0];
	s2 =	stileid.u32  }
0x46e: {  	s1 =	rddreg [dreg:$0x1];
	p0 =	sne.s32 s2, $0x0  }
0x46f: {  	s3 =	rddreg [dreg:$0x2];
	[bflag:$0x3] =	sbarrier.arrive $0xFFFF;
	s2 =	simm.s32 @!p0 $0x1C02  }
0x470: {  	[timem:s3], [sflag:s2] =	dma.local @!p0 [hbm:s0], s1  }
0x471: {  	s0 =	simm.s32 @!p0 $0x2  }
0x472: {  	_ =	swait.ge @!p0 [sflag:s0], s1  }
0x473: {  	s1 =	ssub.s32 @!p0 $0x0, s1;
	[sflag:s0] =	ssyncset.done @!p0 $0x0  }
0x474: {  	[sflag:s0] =	ssyncadd.s32 @!p0 s1  }
0x475: {  	[bflag:$0x3] =	sbarrier.arrive $0xFFFF  }
0x476: {  	_ =	shalt  }

</sc_bundles>
